<compile_context>
chip_gen: v7x
topology: tpu7x:2x2x1
jax: 0.10.2.dev20260603
libtpu: 0.0.44.dev20260713+nightly
codegen_flags: <defaults>
</compile_context>

<pallas_src>
import functools

import jax
import jax.numpy as jnp
import numpy as np
from jax import lax
from jax.experimental import pallas as pl
from jax.experimental.pallas import tpu as pltpu
from jax.experimental.pallas import tpu_sc as plsc

B, N = 2, 2048
DP, DM, K = 64, 128, 16
R = B * N
RK = B * N * K
EPS = 1e-5

def _leaky(x):
    return jnp.where(x >= 0, x, 0.2 * x)


def _dgt(x, w):
    return lax.dot_general(x, w, (((1,), (1,)), ((), ())),
                           precision=lax.Precision.HIGHEST,
                           preferred_element_type=jnp.float32)


def _affine(sums, count, gamma, beta):
    mean = sums[0] / count
    var = sums[1] / count - mean * mean
    scale = gamma / jnp.sqrt(var + EPS)
    shift = beta - mean * scale
    return scale, shift


def _a1_body(feats_ref, pos_ref, w1_ref, g1_ref, b1_ref,
             wq_ref, wk_ref, wv_ref, wd1_ref,
             q_ref, k_ref, v_ref, wp_ref):
    h1 = _dgt(feats_ref[...], w1_ref[...])
    cnt = float(R)
    mean = jnp.sum(h1, axis=0, keepdims=True) / cnt
    var = jnp.sum(h1 * h1, axis=0, keepdims=True) / cnt - mean * mean
    scale = g1_ref[...] / jnp.sqrt(var + EPS)
    shift = b1_ref[...] - mean * scale
    x = _leaky(h1 * scale + shift)
    q_ref[...] = _dgt(x, wq_ref[...])
    k_ref[...] = _dgt(x, wk_ref[...])
    v_ref[...] = _dgt(x, wv_ref[...])
    p = pos_ref[...]
    wp_ref[...] = _dgt(p, wd1_ref[...])


def _stage_a1(feats_rows, pos16, wd1p, p):
    return pl.pallas_call(
        _a1_body,
        out_shape=[jax.ShapeDtypeStruct((R, DM), jnp.float32)] * 4,
    )(feats_rows, pos16, p['W1'], p['g1'].reshape(1, DM),
      p['b1'].reshape(1, DM), p['Wq'], p['Wk'], p['Wv'], wd1p)


RB2 = 256


def _a2_body(p16_ref, posb_ref, d_ref):
    p3 = p16_ref[...][:, :3]
    pb3 = posb_ref[0]
    g = lax.dot_general(p3, pb3, (((1,), (0,)), ((), ())),
                        preferred_element_type=jnp.float32)
    sqa = jnp.sum(p3 * p3, axis=1, keepdims=True)
    sqc = jnp.sum(pb3 * pb3, axis=0, keepdims=True)
    d_ref[...] = (sqa + sqc) - 2.0 * g


def _stage_a2(pos16, pos):
    return pl.pallas_call(
        _a2_body,
        grid=(B, N // RB2),
        in_specs=[
            pl.BlockSpec((RB2, 16), lambda b, i: (b * (N // RB2) + i, 0)),
            pl.BlockSpec((1, 3, N), lambda b, i: (b, 0, 0)),
        ],
        out_specs=pl.BlockSpec((RB2, N), lambda b, i: (b * (N // RB2) + i, 0)),
        out_shape=jax.ShapeDtypeStruct((R, N), jnp.float32),
    )(pos16, pos)


GCH = 128


def _sc_gather(k_rows, v_rows, wp, idx_flat):
    NW = 32
    per_w = RK // NW
    n_ch = per_w // GCH
    mesh = plsc.VectorSubcoreMesh(core_axis_name="c", subcore_axis_name="s")

    @functools.partial(
        pl.kernel,
        mesh=mesh,
        out_type=[
            jax.ShapeDtypeStruct((RK, DM), jnp.float32),
            jax.ShapeDtypeStruct((RK, DM), jnp.float32),
            jax.ShapeDtypeStruct((RK, DM), jnp.float32),
        ],
        scratch_types=[
            pltpu.VMEM((GCH,), jnp.int32),
            pltpu.VMEM((GCH,), jnp.int32),
            pltpu.VMEM((GCH, DM), jnp.float32),
            pltpu.VMEM((GCH, DM), jnp.float32),
            pltpu.VMEM((GCH, DM), jnp.float32),
            pltpu.VMEM((GCH, DM), jnp.float32),
            pltpu.VMEM((GCH, DM), jnp.float32),
            pltpu.VMEM((GCH, DM), jnp.float32),
            pltpu.SemaphoreType.DMA,
            pltpu.SemaphoreType.DMA,
        ],
    )
    def gather_kernel(k_hbm, v_hbm, p_hbm, idx_hbm, ko_hbm, vo_hbm, po_hbm,
                      idx0, idx1, kb0, vb0, pb0, kb1, vb1, pb1, s0, s1):
        wid = lax.axis_index("s") * 2 + lax.axis_index("c")
        base = wid * per_w
        sets = ((idx0, kb0, vb0, pb0, s0), (idx1, kb1, vb1, pb1, s1))

        def issue(c, st):
            idx_v, kb, vb, pb, sem = st
            off = base + c * GCH
            pltpu.sync_copy(idx_hbm.at[pl.ds(off, GCH)], idx_v)
            pltpu.async_copy(k_hbm.at[idx_v], kb, sem)
            pltpu.async_copy(v_hbm.at[idx_v], vb, sem)
            pltpu.async_copy(p_hbm.at[idx_v], pb, sem)

        def drain(c, st):
            idx_v, kb, vb, pb, sem = st
            off = base + c * GCH
            pltpu.make_async_copy(k_hbm.at[idx_v], kb, sem).wait()
            pltpu.make_async_copy(v_hbm.at[idx_v], vb, sem).wait()
            pltpu.make_async_copy(p_hbm.at[idx_v], pb, sem).wait()
            pltpu.sync_copy(kb, ko_hbm.at[pl.ds(off, GCH)])
            pltpu.sync_copy(vb, vo_hbm.at[pl.ds(off, GCH)])
            pltpu.sync_copy(pb, po_hbm.at[pl.ds(off, GCH)])

        issue(0, sets[0])
        issue(1, sets[1])

        def body(i, carry):
            c = 2 * i
            drain(c, sets[0])

            @pl.when(c + 2 < n_ch)
            def _():
                issue(c + 2, sets[0])

            drain(c + 1, sets[1])

            @pl.when(c + 3 < n_ch)
            def _():
                issue(c + 3, sets[1])

            return carry

        lax.fori_loop(0, n_ch // 2, body, 0)

    return gather_kernel(k_rows, v_rows, wp, idx_flat)


def _sc_topk(d):
    NW = 32
    rows_w = R // NW
    n_ch = N // 16
    mesh = plsc.VectorSubcoreMesh(core_axis_name="c", subcore_axis_name="s")

    @functools.partial(
        pl.kernel,
        mesh=mesh,
        out_type=jax.ShapeDtypeStruct((RK,), jnp.int32),
        scratch_types=[
            pltpu.VMEM((N,), jnp.float32),
            pltpu.VMEM((N,), jnp.float32),
            pltpu.VMEM((rows_w * K,), jnp.int32),
            pltpu.SemaphoreType.DMA,
            pltpu.SemaphoreType.DMA,
        ],
        compiler_params=pltpu.CompilerParams(needs_layout_passes=False),
    )
    def topk_kernel(d_hbm, out_hbm, dbuf0, dbuf1, obuf, sem0, sem1):
        wid = lax.axis_index("s") * 2 + lax.axis_index("c")
        row0 = wid * rows_w
        boff = (wid // (NW // B)) * N
        iota = lax.iota(jnp.int32, 16)
        inf = jnp.full((16,), jnp.inf, jnp.float32)
        zero = jnp.zeros((16,), jnp.int32)
        pltpu.async_copy(d_hbm.at[row0], dbuf0, sem0)
        pltpu.async_copy(d_hbm.at[row0 + 1], dbuf1, sem1)

        NCHAIN = 4

        def row_topk(dbuf):
            def merge(j, carry):
                out = []
                for c in range(NCHAIN):
                    rk, ri = carry[2 * c], carry[2 * c + 1]
                    off = j * (16 * NCHAIN) + c * 16
                    nk = dbuf[pl.ds(off, 16)]
                    ni = iota + off
                    nk_s, ni_s = plsc.sort_key_val(nk, ni, descending=True)
                    m = nk_s < rk
                    rk2, ri2 = plsc.sort_key_val(
                        jnp.where(m, nk_s, rk), jnp.where(m, ni_s, ri))
                    out += [rk2, ri2]
                return tuple(out)

            carry = lax.fori_loop(0, n_ch // NCHAIN, merge,
                                  (inf, zero) * NCHAIN, unroll=8)
            runs = [(carry[2 * c], carry[2 * c + 1]) for c in range(NCHAIN)]
            while len(runs) > 1:
                nxt = []
                for a in range(0, len(runs), 2):
                    (ak, ai), (bk, bi) = runs[a], runs[a + 1]
                    bk_d, bi_d = plsc.sort_key_val(bk, bi, descending=True)
                    m = bk_d < ak
                    nxt.append(tuple(plsc.sort_key_val(
                        jnp.where(m, bk_d, ak), jnp.where(m, bi_d, ai))))
                runs = nxt
            return runs[0]

        def pair(i, carry):
            r = 2 * i
            pltpu.make_async_copy(d_hbm.at[row0], dbuf0, sem0).wait()
            _, ri0 = row_topk(dbuf0)
            obuf[pl.ds(r * K, 16)] = ri0 + boff

            @pl.when(i < rows_w // 2 - 1)
            def _():
                pltpu.async_copy(d_hbm.at[row0 + r + 2], dbuf0, sem0)

            pltpu.make_async_copy(d_hbm.at[row0], dbuf1, sem1).wait()
            _, ri1 = row_topk(dbuf1)
            obuf[pl.ds((r + 1) * K, 16)] = ri1 + boff

            @pl.when(i < rows_w // 2 - 1)
            def _():
                pltpu.async_copy(d_hbm.at[row0 + r + 3], dbuf1, sem1)

            return carry

        lax.fori_loop(0, rows_w // 2, pair, 0)
        pltpu.sync_copy(obuf, out_hbm.at[pl.ds(row0 * K, rows_w * K)])

    return topk_kernel(d)


RB3 = 2048


def _acc_sums(sums_ref, o, first):
    ps = jnp.stack([jnp.sum(o, axis=0), jnp.sum(o * o, axis=0)])

    @pl.when(first)
    def _():
        sums_ref[...] = ps

    @pl.when(jnp.logical_not(first))
    def _():
        sums_ref[...] += ps


def _t1_block(wp_ref, wpg_ref):
    own = wp_ref[...]
    ob = jnp.broadcast_to(own[:, None, :], (RB3 // K, K, DM)).reshape(RB3, DM)
    return ob - wpg_ref[...]


def _a3_body(wp_ref, wpg_ref, sums_ref):
    i = pl.program_id(0)
    _acc_sums(sums_ref, _t1_block(wp_ref, wpg_ref), i == 0)


def _stage_a3(wp, wpg):
    nb = RK // RB3
    return pl.pallas_call(
        _a3_body,
        grid=(nb,),
        in_specs=[
            pl.BlockSpec((RB3 // K, DM), lambda i: (i, 0)),
            pl.BlockSpec((RB3, DM), lambda i: (i, 0)),
        ],
        out_specs=pl.BlockSpec((2, DM), lambda i: (0, 0)),
        out_shape=jax.ShapeDtypeStruct((2, DM), jnp.float32),
    )(wp, wpg)


def _a4_body(wp_ref, wpg_ref, w_ref, s_ref, t_ref, o_ref, sums_ref):
    i = pl.program_id(0)
    x = _leaky(_t1_block(wp_ref, wpg_ref) * s_ref[...] + t_ref[...])
    o = _dgt(x, w_ref[...])
    o_ref[...] = o
    _acc_sums(sums_ref, o, i == 0)


def _stage_a4(wp, wpg, w, scale, shift):
    nb = RK // RB3
    return pl.pallas_call(
        _a4_body,
        grid=(nb,),
        in_specs=[
            pl.BlockSpec((RB3 // K, DM), lambda i: (i, 0)),
            pl.BlockSpec((RB3, DM), lambda i: (i, 0)),
            pl.BlockSpec((DM, DM), lambda i: (0, 0)),
            pl.BlockSpec((1, DM), lambda i: (0, 0)),
            pl.BlockSpec((1, DM), lambda i: (0, 0)),
        ],
        out_specs=[
            pl.BlockSpec((RB3, DM), lambda i: (i, 0)),
            pl.BlockSpec((2, DM), lambda i: (0, 0)),
        ],
        out_shape=[
            jax.ShapeDtypeStruct((RK, DM), jnp.float32),
            jax.ShapeDtypeStruct((2, DM), jnp.float32),
        ],
    )(wp, wpg, w, scale.reshape(1, DM), shift.reshape(1, DM))


def _mm_body(x_ref, w_ref, s_ref, t_ref, o_ref, sums_ref):
    i = pl.program_id(0)
    x = _leaky(x_ref[...] * s_ref[...] + t_ref[...])
    o = _dgt(x, w_ref[...])
    o_ref[...] = o
    _acc_sums(sums_ref, o, i == 0)


def _mm_stage(x, w, scale, shift):
    nb = RK // RB3
    return pl.pallas_call(
        _mm_body,
        grid=(nb,),
        in_specs=[
            pl.BlockSpec((RB3, DM), lambda i: (i, 0)),
            pl.BlockSpec((DM, DM), lambda i: (0, 0)),
            pl.BlockSpec((1, DM), lambda i: (0, 0)),
            pl.BlockSpec((1, DM), lambda i: (0, 0)),
        ],
        out_specs=[
            pl.BlockSpec((RB3, DM), lambda i: (i, 0)),
            pl.BlockSpec((2, DM), lambda i: (0, 0)),
        ],
        out_shape=[
            jax.ShapeDtypeStruct((RK, DM), jnp.float32),
            jax.ShapeDtypeStruct((2, DM), jnp.float32),
        ],
    )(x, w, scale.reshape(1, DM), shift.reshape(1, DM))


def _a5_body(t2_ref, q_ref, kf_ref, w_ref, s_ref, t_ref,
             pe_ref, t3_ref, sums_ref):
    i = pl.program_id(0)
    pe = _leaky(t2_ref[...] * s_ref[...] + t_ref[...])
    pe_ref[...] = pe
    q = q_ref[...]
    qr = jnp.broadcast_to(q[:, None, :], (RB3 // K, K, DM)).reshape(RB3, DM)
    o = _dgt(qr - kf_ref[...] + pe, w_ref[...])
    t3_ref[...] = o
    _acc_sums(sums_ref, o, i == 0)


def _stage_a5(t2, q_rows, kf, wg1, scale, shift):
    nb = RK // RB3
    return pl.pallas_call(
        _a5_body,
        grid=(nb,),
        in_specs=[
            pl.BlockSpec((RB3, DM), lambda i: (i, 0)),
            pl.BlockSpec((RB3 // K, DM), lambda i: (i, 0)),
            pl.BlockSpec((RB3, DM), lambda i: (i, 0)),
            pl.BlockSpec((DM, DM), lambda i: (0, 0)),
            pl.BlockSpec((1, DM), lambda i: (0, 0)),
            pl.BlockSpec((1, DM), lambda i: (0, 0)),
        ],
        out_specs=[
            pl.BlockSpec((RB3, DM), lambda i: (i, 0)),
            pl.BlockSpec((RB3, DM), lambda i: (i, 0)),
            pl.BlockSpec((2, DM), lambda i: (0, 0)),
        ],
        out_shape=[
            jax.ShapeDtypeStruct((RK, DM), jnp.float32),
            jax.ShapeDtypeStruct((RK, DM), jnp.float32),
            jax.ShapeDtypeStruct((2, DM), jnp.float32),
        ],
    )(t2, q_rows, kf, wg1, scale.reshape(1, DM), shift.reshape(1, DM))


def _a7_body(t4_ref, vf_ref, pe_ref, s_ref, t_ref, o_ref):
    a2 = _leaky(t4_ref[...] * s_ref[...] + t_ref[...])
    z = (a2 * (1.0 / np.sqrt(np.float32(N)))).reshape(RB3 // K, K, DM)
    m = jnp.max(z, axis=1, keepdims=True)
    e = jnp.exp(z - m)
    p = e / jnp.sum(e, axis=1, keepdims=True)
    w = (vf_ref[...] + pe_ref[...]).reshape(RB3 // K, K, DM)
    o_ref[...] = jnp.sum(p * w, axis=1)


def _stage_a7(t4, vf, pe, scale, shift):
    nb = RK // RB3
    return pl.pallas_call(
        _a7_body,
        grid=(nb,),
        in_specs=[
            pl.BlockSpec((RB3, DM), lambda i: (i, 0)),
            pl.BlockSpec((RB3, DM), lambda i: (i, 0)),
            pl.BlockSpec((RB3, DM), lambda i: (i, 0)),
            pl.BlockSpec((1, DM), lambda i: (0, 0)),
            pl.BlockSpec((1, DM), lambda i: (0, 0)),
        ],
        out_specs=pl.BlockSpec((RB3 // K, DM), lambda i: (i, 0)),
        out_shape=jax.ShapeDtypeStruct((R, DM), jnp.float32),
    )(t4, vf, pe, scale.reshape(1, DM), shift.reshape(1, DM))


def _a8_body(res_ref, w2_ref, o_ref, sums_ref):
    o = _dgt(res_ref[...], w2_ref[...])
    o_ref[...] = o
    _acc_sums(sums_ref, o, True)


def _stage_a8(res, w2):
    return pl.pallas_call(
        _a8_body,
        out_shape=[
            jax.ShapeDtypeStruct((R, DP), jnp.float32),
            jax.ShapeDtypeStruct((2, DP), jnp.float32),
        ],
    )(res, w2)


def _a9_body(t5_ref, feats_ref, s_ref, t_ref, o_ref):
    y = _leaky(t5_ref[...] * s_ref[...] + t_ref[...])
    o_ref[0] = y.T + feats_ref[0]


def _stage_a9(t5, feats, scale, shift):
    return pl.pallas_call(
        _a9_body,
        grid=(B,),
        in_specs=[
            pl.BlockSpec((N, DP), lambda b: (b, 0)),
            pl.BlockSpec((1, DP, N), lambda b: (b, 0, 0)),
            pl.BlockSpec((1, DP), lambda b: (0, 0)),
            pl.BlockSpec((1, DP), lambda b: (0, 0)),
        ],
        out_specs=pl.BlockSpec((1, DP, N), lambda b: (b, 0, 0)),
        out_shape=jax.ShapeDtypeStruct((B, DP, N), jnp.float32),
    )(t5, feats, scale.reshape(1, DP), shift.reshape(1, DP))


def kernel(feats, pos, params):
    p = params

    feats_rows = jnp.transpose(feats, (0, 2, 1)).reshape(R, DP)
    pos_t = jnp.transpose(pos, (0, 2, 1))
    pos16 = jnp.pad(pos_t, ((0, 0), (0, 0), (0, 13))).reshape(R, 16)
    wd1p = jnp.pad(p['Wd1'], ((0, 0), (0, 13)))

    d = _stage_a2(pos16, pos)
    idx_flat = _sc_topk(d)
    q_rows, k_rows, v_rows, wp = _stage_a1(feats_rows, pos16, wd1p, p)

    kf, vf, wpg = _sc_gather(k_rows, v_rows, wp, idx_flat)

    sums1 = _stage_a3(wp, wpg)
    s1, h1 = _affine(sums1, RK, p['gd1'], p['bd1'])
    t2, sums2 = _stage_a4(wp, wpg, p['Wd2'], s1, h1)
    s2, h2 = _affine(sums2, RK, p['gd2'], p['bd2'])
    pe, t3, sums3 = _stage_a5(t2, q_rows, kf, p['Wg1'], s2, h2)
    s3, h3 = _affine(sums3, RK, p['gg1'], p['bg1'])
    t4, sums4 = _mm_stage(t3, p['Wg2'], s3, h3)
    s4, h4 = _affine(sums4, RK, p['gg2'], p['bg2'])
    res = _stage_a7(t4, vf, pe, s4, h4)
    t5, sums5 = _stage_a8(res, p['W2'])
    s5, h5 = _affine(sums5, R, p['g2'], p['b2'])
    return _stage_a9(t5, feats, s5, h5)

# --- scband reference (transcript-rebuilt; emitter-appended) ---
"""Pipeline reference for scband-point-transformer-block-11725260718338 (READ-ONLY COPY).

The authoritative reference and input builder live on the scoring server;
editing this copy changes nothing except your own understanding.
"""

import jax, jax.numpy as jnp
import numpy as np

B, N = 2, 2048
D_POINTS, D_MODEL, K = 64, 128, 16


def _leaky(x):
    return jnp.where(x >= 0, x, 0.2 * x)


def _bn(x, gamma, beta, axes):
    mean = jnp.mean(x, axis=axes, keepdims=True)
    var = jnp.var(x, axis=axes, keepdims=True)
    xhat = (x - mean) / jnp.sqrt(var + 1e-5)
    shp = [1] * x.ndim
    shp[1] = x.shape[1]
    return xhat * gamma.reshape(shp) + beta.reshape(shp)


def _conv1(W, x):
    # 1x1 Conv1d: x [B, Cin, N] -> [B, Cout, N]
    return jnp.einsum('oi,bin->bon', W, x)


def _conv2(W, x):
    # 1x1 Conv2d: x [B, Cin, K, N] -> [B, Cout, K, N]
    return jnp.einsum('oi,bikn->bokn', W, x)


def _knn(pos, k):
    # pos: [B, 3, N] -> idx [B, N, k] of nearest neighbors (incl. self)
    x = jnp.transpose(pos, (0, 2, 1))
    sq = jnp.sum(x * x, axis=-1)
    d = sq[:, :, None] + sq[:, None, :] - 2.0 * jnp.einsum('bnc,bmc->bnm', x, x)
    _, idx = jax.lax.top_k(-d, k)
    return idx


def _index_points(points, idx):
    # points [B, N, C], idx [B, N, k] -> [B, N, k, C]
    return jax.vmap(lambda p, i: p[i])(points, idx)


def setup_inputs(seed: int = 0) -> dict:
    key = jax.random.key(seed)
    ks = jax.random.split(key, 16)
    feats = jax.random.normal(ks[0], (B, D_POINTS, N), dtype=jnp.float32)
    pos = jax.random.normal(ks[1], (B, 3, N), dtype=jnp.float32)

    def w(k, o, i):
        return jax.random.normal(k, (o, i), dtype=jnp.float32) * 0.05

    params = {
        'W1': w(ks[2], D_MODEL, D_POINTS), 'g1': jnp.ones((D_MODEL,), jnp.float32), 'b1': jnp.zeros((D_MODEL,), jnp.float32),
        'Wq': w(ks[3], D_MODEL, D_MODEL),
        'Wk': w(ks[4], D_MODEL, D_MODEL),
        'Wv': w(ks[5], D_MODEL, D_MODEL),
        'Wd1': w(ks[6], D_MODEL, 3), 'gd1': jnp.ones((D_MODEL,), jnp.float32), 'bd1': jnp.zeros((D_MODEL,), jnp.float32),
        'Wd2': w(ks[7], D_MODEL, D_MODEL), 'gd2': jnp.ones((D_MODEL,), jnp.float32), 'bd2': jnp.zeros((D_MODEL,), jnp.float32),
        'Wg1': w(ks[8], D_MODEL, D_MODEL), 'gg1': jnp.ones((D_MODEL,), jnp.float32), 'bg1': jnp.zeros((D_MODEL,), jnp.float32),
        'Wg2': w(ks[9], D_MODEL, D_MODEL), 'gg2': jnp.ones((D_MODEL,), jnp.float32), 'bg2': jnp.zeros((D_MODEL,), jnp.float32),
        'W2': w(ks[10], D_POINTS, D_MODEL), 'g2': jnp.ones((D_POINTS,), jnp.float32), 'b2': jnp.zeros((D_POINTS,), jnp.float32),
    }
    return {'feats': feats, 'pos': pos, 'params': params}


def reference(feats, pos, params):
    p = params
    knn_idx = _knn(pos, K)                                   # [B, N, K]
    pos_t = jnp.transpose(pos, (0, 2, 1))                    # [B, N, 3]
    knn_pos = _index_points(pos_t, knn_idx)                  # [B, N, K, 3]
    pre = feats
    x = _leaky(_bn(_conv1(p['W1'], feats), p['g1'], p['b1'], (0, 2)))   # [B, dm, N]
    q = _conv1(p['Wq'], x)                                   # [B, dm, N]
    kf = _conv1(p['Wk'], x)
    vf = _conv1(p['Wv'], x)
    kf = jnp.transpose(_index_points(jnp.transpose(kf, (0, 2, 1)), knn_idx), (0, 3, 2, 1))  # [B, dm, K, N]
    vf = jnp.transpose(_index_points(jnp.transpose(vf, (0, 2, 1)), knn_idx), (0, 3, 2, 1))  # [B, dm, K, N]
    rel = pos_t[:, :, None, :] - knn_pos                     # [B, N, K, 3]
    rel = jnp.transpose(rel, (0, 3, 2, 1))                   # [B, 3, K, N]
    pe = _leaky(_bn(_conv2(p['Wd1'], rel), p['gd1'], p['bd1'], (0, 2, 3)))
    pe = _leaky(_bn(_conv2(p['Wd2'], pe), p['gd2'], p['bd2'], (0, 2, 3)))  # [B, dm, K, N]
    a = q[:, :, None, :] - kf + pe
    a = _leaky(_bn(_conv2(p['Wg1'], a), p['gg1'], p['bg1'], (0, 2, 3)))
    a = _leaky(_bn(_conv2(p['Wg2'], a), p['gg2'], p['bg2'], (0, 2, 3)))
    a = jax.nn.softmax(a / np.sqrt(kf.shape[-1]).astype(np.float32), axis=-2)
    res = jnp.einsum('bmnf,bmnf->bmf', a, vf + pe)           # [B, dm, N]
    res = _leaky(_bn(_conv1(p['W2'], res), p['g2'], p['b2'], (0, 2))) + pre
    return res

if __name__ == "__main__":
    import jax
    _d = setup_inputs()
    print(jax.jit(kernel)(*tuple(_d.values())))

</pallas_src>

<mosaic_0001>
#map = affine_map<(d0, d1) -> (0, 0)>
#map1 = affine_map<(d0, d1) -> (0)>
module attributes {stable_mosaic.version = 14 : i64} {
  func.func @topk_kernel(%arg0: i32, %arg1: i32, %arg2: memref<4096x2048xf32, #tpu.memory_space<hbm>>, %arg3: memref<65536xi32, #tpu.memory_space<hbm>>, %arg4: memref<2048xf32, #tpu.memory_space<vmem>>, %arg5: memref<2048xf32, #tpu.memory_space<vmem>>, %arg6: memref<2048xi32, #tpu.memory_space<vmem>>, %arg7: memref<!tpu.dma_semaphore, #tpu.memory_space<semaphore_mem>>, %arg8: memref<!tpu.dma_semaphore, #tpu.memory_space<semaphore_mem>>) attributes {dimension_semantics = [#tpu.dimension_semantics<core_parallel>, #tpu.dimension_semantics<subcore_parallel>], iteration_bounds = array<i64: 2, 16>, scalar_prefetch = 0 : i64, scratch_operands = 5 : i64, tpu.core_type = #tpu.core_type<sc_vector_subcore>, window_params = [{transform_indices = #map}, {transform_indices = #map1}]} {
    %mul3A = arith.constant 2 : i32
    %mul3A_0 = arith.muli %arg1, %mul3A : i32
    %add3A = arith.addi %mul3A_0, %arg0 : i32
    %mul3A_1 = arith.constant 128 : i32
    %mul3A_2 = arith.muli %add3A, %mul3A_1 : i32
    %jit3A = arith.constant 16 : i32
    %div3A = arith.divsi %add3A, %jit3A : i32
    %sign3A = arith.constant 0 : i32
    %sign3A_3 = arith.cmpi sgt, %add3A, %sign3A : i32
    %sign3A_4 = arith.extui %sign3A_3 : i1 to i32
    %sign3A_5 = arith.constant 0 : i32
    %sign3A_6 = arith.cmpi slt, %add3A, %sign3A_5 : i32
    %sign3A_7 = arith.extui %sign3A_6 : i1 to i32
    %sign3A_8 = arith.subi %sign3A_4, %sign3A_7 : i32
    %sign3A_9 = arith.constant 0 : i32
    %sign3A_10 = arith.cmpi sgt, %jit3A, %sign3A_9 : i32
    %sign3A_11 = arith.extui %sign3A_10 : i1 to i32
    %sign3A_12 = arith.constant 0 : i32
    %sign3A_13 = arith.cmpi slt, %jit3A, %sign3A_12 : i32
    %sign3A_14 = arith.extui %sign3A_13 : i1 to i32
    %sign3A_15 = arith.subi %sign3A_11, %sign3A_14 : i32
    %ne3A = arith.cmpi ne, %sign3A_8, %sign3A_15 : i32
    %rem3A = arith.remsi %add3A, %jit3A : i32
    %ne3A_16 = arith.constant 0 : i32
    %ne3A_17 = arith.cmpi ne, %rem3A, %ne3A_16 : i32
    %and3A = arith.andi %ne3A, %ne3A_17 : i1
    %sub3A = arith.constant 1 : i32
    %sub3A_18 = arith.subi %div3A, %sub3A : i32
    %select_n3A = arith.select %and3A, %sub3A_18, %div3A : i32
    %mul3A_19 = arith.constant 2048 : i32
    %mul3A_20 = arith.muli %select_n3A, %mul3A_19 : i32
    %iota3A = tpu.iota {dimensions = array<i32: 0>} : vector<16xi32>
    %broadcast_in_dim3A = arith.constant 0x7F800000 : f32
    %broadcast_in_dim3A_21 = vector.broadcast %broadcast_in_dim3A : f32 to vector<16xf32>
    %broadcast_in_dim3A_22 = arith.constant 0 : i32
    %broadcast_in_dim3A_23 = vector.broadcast %broadcast_in_dim3A_22 : i32 to vector<16xi32>
    %dma_start3A = arith.constant 0 : i32
    %dma_start3A_24 = tpu.memref_slice %arg2[%mul3A_2, %dma_start3A] : memref<4096x2048xf32, #tpu.memory_space<hbm>> -> memref<1x2048xf32, #tpu.memory_space<hbm>>
    %dma_start3A_25 = tpu.memref_squeeze %dma_start3A_24 : memref<1x2048xf32, #tpu.memory_space<hbm>> -> memref<2048xf32, #tpu.memory_space<hbm>>
    %dma_start3A_26 = arith.constant 0 : i32
    %dma_start3A_27 = tpu.memref_slice %arg2[%mul3A_2, %dma_start3A_26] : memref<4096x2048xf32, #tpu.memory_space<hbm>> -> memref<1x2048xf32, #tpu.memory_space<hbm>>
    %dma_start3A_28 = tpu.memref_squeeze %dma_start3A_27 : memref<1x2048xf32, #tpu.memory_space<hbm>> -> memref<2048xf32, #tpu.memory_space<hbm>>
    tpu.enqueue_dma source(%dma_start3A_28 : memref<2048xf32, #tpu.memory_space<hbm>>) target(%arg4 : memref<2048xf32, #tpu.memory_space<vmem>>) target_semaphore(%arg7 : memref<!tpu.dma_semaphore, #tpu.memory_space<semaphore_mem>>)
    %add3A_29 = arith.constant 1 : i32
    %add3A_30 = arith.addi %mul3A_2, %add3A_29 : i32
    %dma_start3A_31 = arith.constant 0 : i32
    %dma_start3A_32 = tpu.memref_slice %arg2[%add3A_30, %dma_start3A_31] : memref<4096x2048xf32, #tpu.memory_space<hbm>> -> memref<1x2048xf32, #tpu.memory_space<hbm>>
    %dma_start3A_33 = tpu.memref_squeeze %dma_start3A_32 : memref<1x2048xf32, #tpu.memory_space<hbm>> -> memref<2048xf32, #tpu.memory_space<hbm>>
    %dma_start3A_34 = arith.constant 0 : i32
    %dma_start3A_35 = tpu.memref_slice %arg2[%add3A_30, %dma_start3A_34] : memref<4096x2048xf32, #tpu.memory_space<hbm>> -> memref<1x2048xf32, #tpu.memory_space<hbm>>
    %dma_start3A_36 = tpu.memref_squeeze %dma_start3A_35 : memref<1x2048xf32, #tpu.memory_space<hbm>> -> memref<2048xf32, #tpu.memory_space<hbm>>
    tpu.enqueue_dma source(%dma_start3A_36 : memref<2048xf32, #tpu.memory_space<hbm>>) target(%arg5 : memref<2048xf32, #tpu.memory_space<vmem>>) target_semaphore(%arg8 : memref<!tpu.dma_semaphore, #tpu.memory_space<semaphore_mem>>)
    %scan3A = arith.constant 0 : i32
    %scan3A_37 = arith.constant 0 : i32
    %scan3A_38 = arith.constant 64 : i32
    %scan3A_39 = arith.addi %scan3A_37, %scan3A_38 : i32
    %scan3A_40 = arith.constant 1 : i32
    scf.for %scan3A_44 = %scan3A_37 to %scan3A_39 step %scan3A_40  : i32 {
      %mul3A_45 = arith.constant 2 : i32
      %mul3A_46 = arith.muli %mul3A_45, %scan3A_44 : i32
      %dma_wait3A = arith.constant 0 : i32
      %dma_wait3A_47 = tpu.memref_slice %arg2[%mul3A_2, %dma_wait3A] : memref<4096x2048xf32, #tpu.memory_space<hbm>> -> memref<1x2048xf32, #tpu.memory_space<hbm>>
      %dma_wait3A_48 = tpu.memref_squeeze %dma_wait3A_47 : memref<1x2048xf32, #tpu.memory_space<hbm>> -> memref<2048xf32, #tpu.memory_space<hbm>>
      %dma_wait3A_49 = arith.constant 0 : i32
      %dma_wait3A_50 = tpu.memref_slice %arg2[%mul3A_2, %dma_wait3A_49] : memref<4096x2048xf32, #tpu.memory_space<hbm>> -> memref<1x2048xf32, #tpu.memory_space<hbm>>
      %dma_wait3A_51 = tpu.memref_squeeze %dma_wait3A_50 : memref<1x2048xf32, #tpu.memory_space<hbm>> -> memref<2048xf32, #tpu.memory_space<hbm>>
      tpu.wait_dma2 semaphore(%arg7 : memref<!tpu.dma_semaphore, #tpu.memory_space<semaphore_mem>>) src(%dma_wait3A_51 : memref<2048xf32, #tpu.memory_space<hbm>>) dst(%arg4 : memref<2048xf32, #tpu.memory_space<vmem>>)
      %scan3A_52 = arith.constant 0 : i32
      %scan3A_53 = arith.constant 32 : i32
      %scan3A_54 = arith.addi %scan3A_52, %scan3A_53 : i32
      %scan3A_55 = arith.constant 8 : i32
      %scan3A_56:8 = scf.for %scan3A_155 = %scan3A_52 to %scan3A_54 step %scan3A_55 iter_args(%scan3A_156 = %broadcast_in_dim3A_21, %scan3A_157 = %broadcast_in_dim3A_23, %scan3A_158 = %broadcast_in_dim3A_21, %scan3A_159 = %broadcast_in_dim3A_23, %scan3A_160 = %broadcast_in_dim3A_21, %scan3A_161 = %broadcast_in_dim3A_23, %scan3A_162 = %broadcast_in_dim3A_21, %scan3A_163 = %broadcast_in_dim3A_23) -> (vector<16xf32>, vector<16xi32>, vector<16xf32>, vector<16xi32>, vector<16xf32>, vector<16xi32>, vector<16xf32>, vector<16xi32>)  : i32 {
        %mul3A_164 = arith.constant 64 : i32
        %mul3A_165 = arith.muli %scan3A_155, %mul3A_164 : i32
        %add3A_166 = arith.constant 0 : i32
        %add3A_167 = arith.addi %mul3A_165, %add3A_166 : i32
        %get3A = arith.index_cast %add3A_167 : i32 to index
        %get3A_168 = tpu.vector_load %arg4[%get3A] {strides = array<i32>} : memref<2048xf32, #tpu.memory_space<vmem>>, vector<16xf32>,
        %add3A_169 = vector.broadcast %add3A_167 : i32 to vector<16xi32>
        %add3A_170 = arith.addi %iota3A, %add3A_169 : vector<16xi32>
        %masked_sort3A_171 = arith.constant dense<true> : vector<16xi1>
        %masked_sort3A_172, %masked_sort3A_173, %masked_sort3A_174 = tpu.sort %get3A_168, %add3A_170 masked %masked_sort3A_171 {descending = true} : (vector<16xf32>, vector<16xi32>, vector<16xi1>) -> (vector<16xi1>, vector<16xf32>, vector<16xi32>)
        %lt3A_175 = arith.cmpf olt, %masked_sort3A_173, %scan3A_156 : vector<16xf32>
        %select_n3A_176 = arith.select %lt3A_175, %masked_sort3A_173, %scan3A_156 : vector<16xi1>, vector<16xf32>
        %select_n3A_177 = arith.select %lt3A_175, %masked_sort3A_174, %scan3A_157 : vector<16xi1>, vector<16xi32>
        %masked_sort3A_178 = arith.constant dense<true> : vector<16xi1>
        %masked_sort3A_179, %masked_sort3A_180, %masked_sort3A_181 = tpu.sort %select_n3A_176, %select_n3A_177 masked %masked_sort3A_178 : (vector<16xf32>, vector<16xi32>, vector<16xi1>) -> (vector<16xi1>, vector<16xf32>, vector<16xi32>)
        %mul3A_182 = arith.constant 64 : i32
        %mul3A_183 = arith.muli %scan3A_155, %mul3A_182 : i32
        %add3A_184 = arith.constant 16 : i32
        %add3A_185 = arith.addi %mul3A_183, %add3A_184 : i32
        %get3A_186 = arith.index_cast %add3A_185 : i32 to index
        %get3A_187 = tpu.vector_load %arg4[%get3A_186] {strides = array<i32>} : memref<2048xf32, #tpu.memory_space<vmem>>, vector<16xf32>,
        %add3A_188 = vector.broadcast %add3A_185 : i32 to vector<16xi32>
        %add3A_189 = arith.addi %iota3A, %add3A_188 : vector<16xi32>
        %masked_sort3A_190 = arith.constant dense<true> : vector<16xi1>
        %masked_sort3A_191, %masked_sort3A_192, %masked_sort3A_193 = tpu.sort %get3A_187, %add3A_189 masked %masked_sort3A_190 {descending = true} : (vector<16xf32>, vector<16xi32>, vector<16xi1>) -> (vector<16xi1>, vector<16xf32>, vector<16xi32>)
        %lt3A_194 = arith.cmpf olt, %masked_sort3A_192, %scan3A_158 : vector<16xf32>
        %select_n3A_195 = arith.select %lt3A_194, %masked_sort3A_192, %scan3A_158 : vector<16xi1>, vector<16xf32>
        %select_n3A_196 = arith.select %lt3A_194, %masked_sort3A_193, %scan3A_159 : vector<16xi1>, vector<16xi32>
        %masked_sort3A_197 = arith.constant dense<true> : vector<16xi1>
        %masked_sort3A_198, %masked_sort3A_199, %masked_sort3A_200 = tpu.sort %select_n3A_195, %select_n3A_196 masked %masked_sort3A_197 : (vector<16xf32>, vector<16xi32>, vector<16xi1>) -> (vector<16xi1>, vector<16xf32>, vector<16xi32>)
        %mul3A_201 = arith.constant 64 : i32
        %mul3A_202 = arith.muli %scan3A_155, %mul3A_201 : i32
        %add3A_203 = arith.constant 32 : i32
        %add3A_204 = arith.addi %mul3A_202, %add3A_203 : i32
        %get3A_205 = arith.index_cast %add3A_204 : i32 to index
        %get3A_206 = tpu.vector_load %arg4[%get3A_205] {strides = array<i32>} : memref<2048xf32, #tpu.memory_space<vmem>>, vector<16xf32>,
        %add3A_207 = vector.broadcast %add3A_204 : i32 to vector<16xi32>
        %add3A_208 = arith.addi %iota3A, %add3A_207 : vector<16xi32>
        %masked_sort3A_209 = arith.constant dense<true> : vector<16xi1>
        %masked_sort3A_210, %masked_sort3A_211, %masked_sort3A_212 = tpu.sort %get3A_206, %add3A_208 masked %masked_sort3A_209 {descending = true} : (vector<16xf32>, vector<16xi32>, vector<16xi1>) -> (vector<16xi1>, vector<16xf32>, vector<16xi32>)
        %lt3A_213 = arith.cmpf olt, %masked_sort3A_211, %scan3A_160 : vector<16xf32>
        %select_n3A_214 = arith.select %lt3A_213, %masked_sort3A_211, %scan3A_160 : vector<16xi1>, vector<16xf32>
        %select_n3A_215 = arith.select %lt3A_213, %masked_sort3A_212, %scan3A_161 : vector<16xi1>, vector<16xi32>
        %masked_sort3A_216 = arith.constant dense<true> : vector<16xi1>
        %masked_sort3A_217, %masked_sort3A_218, %masked_sort3A_219 = tpu.sort %select_n3A_214, %select_n3A_215 masked %masked_sort3A_216 : (vector<16xf32>, vector<16xi32>, vector<16xi1>) -> (vector<16xi1>, vector<16xf32>, vector<16xi32>)
        %mul3A_220 = arith.constant 64 : i32
        %mul3A_221 = arith.muli %scan3A_155, %mul3A_220 : i32
        %add3A_222 = arith.constant 48 : i32
        %add3A_223 = arith.addi %mul3A_221, %add3A_222 : i32
        %get3A_224 = arith.index_cast %add3A_223 : i32 to index
        %get3A_225 = tpu.vector_load %arg4[%get3A_224] {strides = array<i32>} : memref<2048xf32, #tpu.memory_space<vmem>>, vector<16xf32>,
        %add3A_226 = vector.broadcast %add3A_223 : i32 to vector<16xi32>
        %add3A_227 = arith.addi %iota3A, %add3A_226 : vector<16xi32>
        %masked_sort3A_228 = arith.constant dense<true> : vector<16xi1>
        %masked_sort3A_229, %masked_sort3A_230, %masked_sort3A_231 = tpu.sort %get3A_225, %add3A_227 masked %masked_sort3A_228 {descending = true} : (vector<16xf32>, vector<16xi32>, vector<16xi1>) -> (vector<16xi1>, vector<16xf32>, vector<16xi32>)
        %lt3A_232 = arith.cmpf olt, %masked_sort3A_230, %scan3A_162 : vector<16xf32>
        %select_n3A_233 = arith.select %lt3A_232, %masked_sort3A_230, %scan3A_162 : vector<16xi1>, vector<16xf32>
        %select_n3A_234 = arith.select %lt3A_232, %masked_sort3A_231, %scan3A_163 : vector<16xi1>, vector<16xi32>
        %masked_sort3A_235 = arith.constant dense<true> : vector<16xi1>
        %masked_sort3A_236, %masked_sort3A_237, %masked_sort3A_238 = tpu.sort %select_n3A_233, %select_n3A_234 masked %masked_sort3A_235 : (vector<16xf32>, vector<16xi32>, vector<16xi1>) -> (vector<16xi1>, vector<16xf32>, vector<16xi32>)
        %scan3A_239 = arith.constant 1 : i32
        %scan3A_240 = arith.addi %scan3A_155, %scan3A_239 : i32
        %mul3A_241 = arith.constant 64 : i32
        %mul3A_242 = arith.muli %scan3A_240, %mul3A_241 : i32
        %add3A_243 = arith.constant 0 : i32
        %add3A_244 = arith.addi %mul3A_242, %add3A_243 : i32
        %get3A_245 = arith.index_cast %add3A_244 : i32 to index
        %get3A_246 = tpu.vector_load %arg4[%get3A_245] {strides = array<i32>} : memref<2048xf32, #tpu.memory_space<vmem>>, vector<16xf32>,
        %add3A_247 = vector.broadcast %add3A_244 : i32 to vector<16xi32>
        %add3A_248 = arith.addi %iota3A, %add3A_247 : vector<16xi32>
        %masked_sort3A_249 = arith.constant dense<true> : vector<16xi1>
        %masked_sort3A_250, %masked_sort3A_251, %masked_sort3A_252 = tpu.sort %get3A_246, %add3A_248 masked %masked_sort3A_249 {descending = true} : (vector<16xf32>, vector<16xi32>, vector<16xi1>) -> (vector<16xi1>, vector<16xf32>, vector<16xi32>)
        %lt3A_253 = arith.cmpf olt, %masked_sort3A_251, %masked_sort3A_180 : vector<16xf32>
        %select_n3A_254 = arith.select %lt3A_253, %masked_sort3A_251, %masked_sort3A_180 : vector<16xi1>, vector<16xf32>
        %select_n3A_255 = arith.select %lt3A_253, %masked_sort3A_252, %masked_sort3A_181 : vector<16xi1>, vector<16xi32>
        %masked_sort3A_256 = arith.constant dense<true> : vector<16xi1>
        %masked_sort3A_257, %masked_sort3A_258, %masked_sort3A_259 = tpu.sort %select_n3A_254, %select_n3A_255 masked %masked_sort3A_256 : (vector<16xf32>, vector<16xi32>, vector<16xi1>) -> (vector<16xi1>, vector<16xf32>, vector<16xi32>)
        %mul3A_260 = arith.constant 64 : i32
        %mul3A_261 = arith.muli %scan3A_240, %mul3A_260 : i32
        %add3A_262 = arith.constant 16 : i32
        %add3A_263 = arith.addi %mul3A_261, %add3A_262 : i32
        %get3A_264 = arith.index_cast %add3A_263 : i32 to index
        %get3A_265 = tpu.vector_load %arg4[%get3A_264] {strides = array<i32>} : memref<2048xf32, #tpu.memory_space<vmem>>, vector<16xf32>,
        %add3A_266 = vector.broadcast %add3A_263 : i32 to vector<16xi32>
        %add3A_267 = arith.addi %iota3A, %add3A_266 : vector<16xi32>
        %masked_sort3A_268 = arith.constant dense<true> : vector<16xi1>
        %masked_sort3A_269, %masked_sort3A_270, %masked_sort3A_271 = tpu.sort %get3A_265, %add3A_267 masked %masked_sort3A_268 {descending = true} : (vector<16xf32>, vector<16xi32>, vector<16xi1>) -> (vector<16xi1>, vector<16xf32>, vector<16xi32>)
        %lt3A_272 = arith.cmpf olt, %masked_sort3A_270, %masked_sort3A_199 : vector<16xf32>
        %select_n3A_273 = arith.select %lt3A_272, %masked_sort3A_270, %masked_sort3A_199 : vector<16xi1>, vector<16xf32>
        %select_n3A_274 = arith.select %lt3A_272, %masked_sort3A_271, %masked_sort3A_200 : vector<16xi1>, vector<16xi32>
        %masked_sort3A_275 = arith.constant dense<true> : vector<16xi1>
        %masked_sort3A_276, %masked_sort3A_277, %masked_sort3A_278 = tpu.sort %select_n3A_273, %select_n3A_274 masked %masked_sort3A_275 : (vector<16xf32>, vector<16xi32>, vector<16xi1>) -> (vector<16xi1>, vector<16xf32>, vector<16xi32>)
        %mul3A_279 = arith.constant 64 : i32
        %mul3A_280 = arith.muli %scan3A_240, %mul3A_279 : i32
        %add3A_281 = arith.constant 32 : i32
        %add3A_282 = arith.addi %mul3A_280, %add3A_281 : i32
        %get3A_283 = arith.index_cast %add3A_282 : i32 to index
        %get3A_284 = tpu.vector_load %arg4[%get3A_283] {strides = array<i32>} : memref<2048xf32, #tpu.memory_space<vmem>>, vector<16xf32>,
        %add3A_285 = vector.broadcast %add3A_282 : i32 to vector<16xi32>
        %add3A_286 = arith.addi %iota3A, %add3A_285 : vector<16xi32>
        %masked_sort3A_287 = arith.constant dense<true> : vector<16xi1>
        %masked_sort3A_288, %masked_sort3A_289, %masked_sort3A_290 = tpu.sort %get3A_284, %add3A_286 masked %masked_sort3A_287 {descending = true} : (vector<16xf32>, vector<16xi32>, vector<16xi1>) -> (vector<16xi1>, vector<16xf32>, vector<16xi32>)
        %lt3A_291 = arith.cmpf olt, %masked_sort3A_289, %masked_sort3A_218 : vector<16xf32>
        %select_n3A_292 = arith.select %lt3A_291, %masked_sort3A_289, %masked_sort3A_218 : vector<16xi1>, vector<16xf32>
        %select_n3A_293 = arith.select %lt3A_291, %masked_sort3A_290, %masked_sort3A_219 : vector<16xi1>, vector<16xi32>
        %masked_sort3A_294 = arith.constant dense<true> : vector<16xi1>
        %masked_sort3A_295, %masked_sort3A_296, %masked_sort3A_297 = tpu.sort %select_n3A_292, %select_n3A_293 masked %masked_sort3A_294 : (vector<16xf32>, vector<16xi32>, vector<16xi1>) -> (vector<16xi1>, vector<16xf32>, vector<16xi32>)
        %mul3A_298 = arith.constant 64 : i32
        %mul3A_299 = arith.muli %scan3A_240, %mul3A_298 : i32
        %add3A_300 = arith.constant 48 : i32
        %add3A_301 = arith.addi %mul3A_299, %add3A_300 : i32
        %get3A_302 = arith.index_cast %add3A_301 : i32 to index
        %get3A_303 = tpu.vector_load %arg4[%get3A_302] {strides = array<i32>} : memref<2048xf32, #tpu.memory_space<vmem>>, vector<16xf32>,
        %add3A_304 = vector.broadcast %add3A_301 : i32 to vector<16xi32>
        %add3A_305 = arith.addi %iota3A, %add3A_304 : vector<16xi32>
        %masked_sort3A_306 = arith.constant dense<true> : vector<16xi1>
        %masked_sort3A_307, %masked_sort3A_308, %masked_sort3A_309 = tpu.sort %get3A_303, %add3A_305 masked %masked_sort3A_306 {descending = true} : (vector<16xf32>, vector<16xi32>, vector<16xi1>) -> (vector<16xi1>, vector<16xf32>, vector<16xi32>)
        %lt3A_310 = arith.cmpf olt, %masked_sort3A_308, %masked_sort3A_237 : vector<16xf32>
        %select_n3A_311 = arith.select %lt3A_310, %masked_sort3A_308, %masked_sort3A_237 : vector<16xi1>, vector<16xf32>
        %select_n3A_312 = arith.select %lt3A_310, %masked_sort3A_309, %masked_sort3A_238 : vector<16xi1>, vector<16xi32>
        %masked_sort3A_313 = arith.constant dense<true> : vector<16xi1>
        %masked_sort3A_314, %masked_sort3A_315, %masked_sort3A_316 = tpu.sort %select_n3A_311, %select_n3A_312 masked %masked_sort3A_313 : (vector<16xf32>, vector<16xi32>, vector<16xi1>) -> (vector<16xi1>, vector<16xf32>, vector<16xi32>)
        %scan3A_317 = arith.constant 2 : i32
        %scan3A_318 = arith.addi %scan3A_155, %scan3A_317 : i32
        %mul3A_319 = arith.constant 64 : i32
        %mul3A_320 = arith.muli %scan3A_318, %mul3A_319 : i32
        %add3A_321 = arith.constant 0 : i32
        %add3A_322 = arith.addi %mul3A_320, %add3A_321 : i32
        %get3A_323 = arith.index_cast %add3A_322 : i32 to index
        %get3A_324 = tpu.vector_load %arg4[%get3A_323] {strides = array<i32>} : memref<2048xf32, #tpu.memory_space<vmem>>, vector<16xf32>,
        %add3A_325 = vector.broadcast %add3A_322 : i32 to vector<16xi32>
        %add3A_326 = arith.addi %iota3A, %add3A_325 : vector<16xi32>
        %masked_sort3A_327 = arith.constant dense<true> : vector<16xi1>
        %masked_sort3A_328, %masked_sort3A_329, %masked_sort3A_330 = tpu.sort %get3A_324, %add3A_326 masked %masked_sort3A_327 {descending = true} : (vector<16xf32>, vector<16xi32>, vector<16xi1>) -> (vector<16xi1>, vector<16xf32>, vector<16xi32>)
        %lt3A_331 = arith.cmpf olt, %masked_sort3A_329, %masked_sort3A_258 : vector<16xf32>
        %select_n3A_332 = arith.select %lt3A_331, %masked_sort3A_329, %masked_sort3A_258 : vector<16xi1>, vector<16xf32>
        %select_n3A_333 = arith.select %lt3A_331, %masked_sort3A_330, %masked_sort3A_259 : vector<16xi1>, vector<16xi32>
        %masked_sort3A_334 = arith.constant dense<true> : vector<16xi1>
        %masked_sort3A_335, %masked_sort3A_336, %masked_sort3A_337 = tpu.sort %select_n3A_332, %select_n3A_333 masked %masked_sort3A_334 : (vector<16xf32>, vector<16xi32>, vector<16xi1>) -> (vector<16xi1>, vector<16xf32>, vector<16xi32>)
        %mul3A_338 = arith.constant 64 : i32
        %mul3A_339 = arith.muli %scan3A_318, %mul3A_338 : i32
        %add3A_340 = arith.constant 16 : i32
        %add3A_341 = arith.addi %mul3A_339, %add3A_340 : i32
        %get3A_342 = arith.index_cast %add3A_341 : i32 to index
        %get3A_343 = tpu.vector_load %arg4[%get3A_342] {strides = array<i32>} : memref<2048xf32, #tpu.memory_space<vmem>>, vector<16xf32>,
        %add3A_344 = vector.broadcast %add3A_341 : i32 to vector<16xi32>
        %add3A_345 = arith.addi %iota3A, %add3A_344 : vector<16xi32>
        %masked_sort3A_346 = arith.constant dense<true> : vector<16xi1>
        %masked_sort3A_347, %masked_sort3A_348, %masked_sort3A_349 = tpu.sort %get3A_343, %add3A_345 masked %masked_sort3A_346 {descending = true} : (vector<16xf32>, vector<16xi32>, vector<16xi1>) -> (vector<16xi1>, vector<16xf32>, vector<16xi32>)
        %lt3A_350 = arith.cmpf olt, %masked_sort3A_348, %masked_sort3A_277 : vector<16xf32>
        %select_n3A_351 = arith.select %lt3A_350, %masked_sort3A_348, %masked_sort3A_277 : vector<16xi1>, vector<16xf32>
        %select_n3A_352 = arith.select %lt3A_350, %masked_sort3A_349, %masked_sort3A_278 : vector<16xi1>, vector<16xi32>
        %masked_sort3A_353 = arith.constant dense<true> : vector<16xi1>
        %masked_sort3A_354, %masked_sort3A_355, %masked_sort3A_356 = tpu.sort %select_n3A_351, %select_n3A_352 masked %masked_sort3A_353 : (vector<16xf32>, vector<16xi32>, vector<16xi1>) -> (vector<16xi1>, vector<16xf32>, vector<16xi32>)
        %mul3A_357 = arith.constant 64 : i32
        %mul3A_358 = arith.muli %scan3A_318, %mul3A_357 : i32
        %add3A_359 = arith.constant 32 : i32
        %add3A_360 = arith.addi %mul3A_358, %add3A_359 : i32
        %get3A_361 = arith.index_cast %add3A_360 : i32 to index
        %get3A_362 = tpu.vector_load %arg4[%get3A_361] {strides = array<i32>} : memref<2048xf32, #tpu.memory_space<vmem>>, vector<16xf32>,
        %add3A_363 = vector.broadcast %add3A_360 : i32 to vector<16xi32>
        %add3A_364 = arith.addi %iota3A, %add3A_363 : vector<16xi32>
        %masked_sort3A_365 = arith.constant dense<true> : vector<16xi1>
        %masked_sort3A_366, %masked_sort3A_367, %masked_sort3A_368 = tpu.sort %get3A_362, %add3A_364 masked %masked_sort3A_365 {descending = true} : (vector<16xf32>, vector<16xi32>, vector<16xi1>) -> (vector<16xi1>, vector<16xf32>, vector<16xi32>)
        %lt3A_369 = arith.cmpf olt, %masked_sort3A_367, %masked_sort3A_296 : vector<16xf32>
        %select_n3A_370 = arith.select %lt3A_369, %masked_sort3A_367, %masked_sort3A_296 : vector<16xi1>, vector<16xf32>
        %select_n3A_371 = arith.select %lt3A_369, %masked_sort3A_368, %masked_sort3A_297 : vector<16xi1>, vector<16xi32>
        %masked_sort3A_372 = arith.constant dense<true> : vector<16xi1>
        %masked_sort3A_373, %masked_sort3A_374, %masked_sort3A_375 = tpu.sort %select_n3A_370, %select_n3A_371 masked %masked_sort3A_372 : (vector<16xf32>, vector<16xi32>, vector<16xi1>) -> (vector<16xi1>, vector<16xf32>, vector<16xi32>)
        %mul3A_376 = arith.constant 64 : i32
        %mul3A_377 = arith.muli %scan3A_318, %mul3A_376 : i32
        %add3A_378 = arith.constant 48 : i32
        %add3A_379 = arith.addi %mul3A_377, %add3A_378 : i32
        %get3A_380 = arith.index_cast %add3A_379 : i32 to index
        %get3A_381 = tpu.vector_load %arg4[%get3A_380] {strides = array<i32>} : memref<2048xf32, #tpu.memory_space<vmem>>, vector<16xf32>,
        %add3A_382 = vector.broadcast %add3A_379 : i32 to vector<16xi32>
        %add3A_383 = arith.addi %iota3A, %add3A_382 : vector<16xi32>
        %masked_sort3A_384 = arith.constant dense<true> : vector<16xi1>
        %masked_sort3A_385, %masked_sort3A_386, %masked_sort3A_387 = tpu.sort %get3A_381, %add3A_383 masked %masked_sort3A_384 {descending = true} : (vector<16xf32>, vector<16xi32>, vector<16xi1>) -> (vector<16xi1>, vector<16xf32>, vector<16xi32>)
        %lt3A_388 = arith.cmpf olt, %masked_sort3A_386, %masked_sort3A_315 : vector<16xf32>
        %select_n3A_389 = arith.select %lt3A_388, %masked_sort3A_386, %masked_sort3A_315 : vector<16xi1>, vector<16xf32>
        %select_n3A_390 = arith.select %lt3A_388, %masked_sort3A_387, %masked_sort3A_316 : vector<16xi1>, vector<16xi32>
        %masked_sort3A_391 = arith.constant dense<true> : vector<16xi1>
        %masked_sort3A_392, %masked_sort3A_393, %masked_sort3A_394 = tpu.sort %select_n3A_389, %select_n3A_390 masked %masked_sort3A_391 : (vector<16xf32>, vector<16xi32>, vector<16xi1>) -> (vector<16xi1>, vector<16xf32>, vector<16xi32>)
        %scan3A_395 = arith.constant 3 : i32
        %scan3A_396 = arith.addi %scan3A_155, %scan3A_395 : i32
        %mul3A_397 = arith.constant 64 : i32
        %mul3A_398 = arith.muli %scan3A_396, %mul3A_397 : i32
        %add3A_399 = arith.constant 0 : i32
        %add3A_400 = arith.addi %mul3A_398, %add3A_399 : i32
        %get3A_401 = arith.index_cast %add3A_400 : i32 to index
        %get3A_402 = tpu.vector_load %arg4[%get3A_401] {strides = array<i32>} : memref<2048xf32, #tpu.memory_space<vmem>>, vector<16xf32>,
        %add3A_403 = vector.broadcast %add3A_400 : i32 to vector<16xi32>
        %add3A_404 = arith.addi %iota3A, %add3A_403 : vector<16xi32>
        %masked_sort3A_405 = arith.constant dense<true> : vector<16xi1>
        %masked_sort3A_406, %masked_sort3A_407, %masked_sort3A_408 = tpu.sort %get3A_402, %add3A_404 masked %masked_sort3A_405 {descending = true} : (vector<16xf32>, vector<16xi32>, vector<16xi1>) -> (vector<16xi1>, vector<16xf32>, vector<16xi32>)
        %lt3A_409 = arith.cmpf olt, %masked_sort3A_407, %masked_sort3A_336 : vector<16xf32>
        %select_n3A_410 = arith.select %lt3A_409, %masked_sort3A_407, %masked_sort3A_336 : vector<16xi1>, vector<16xf32>
        %select_n3A_411 = arith.select %lt3A_409, %masked_sort3A_408, %masked_sort3A_337 : vector<16xi1>, vector<16xi32>
        %masked_sort3A_412 = arith.constant dense<true> : vector<16xi1>
        %masked_sort3A_413, %masked_sort3A_414, %masked_sort3A_415 = tpu.sort %select_n3A_410, %select_n3A_411 masked %masked_sort3A_412 : (vector<16xf32>, vector<16xi32>, vector<16xi1>) -> (vector<16xi1>, vector<16xf32>, vector<16xi32>)
        %mul3A_416 = arith.constant 64 : i32
        %mul3A_417 = arith.muli %scan3A_396, %mul3A_416 : i32
        %add3A_418 = arith.constant 16 : i32
        %add3A_419 = arith.addi %mul3A_417, %add3A_418 : i32
        %get3A_420 = arith.index_cast %add3A_419 : i32 to index
        %get3A_421 = tpu.vector_load %arg4[%get3A_420] {strides = array<i32>} : memref<2048xf32, #tpu.memory_space<vmem>>, vector<16xf32>,
        %add3A_422 = vector.broadcast %add3A_419 : i32 to vector<16xi32>
        %add3A_423 = arith.addi %iota3A, %add3A_422 : vector<16xi32>
        %masked_sort3A_424 = arith.constant dense<true> : vector<16xi1>
        %masked_sort3A_425, %masked_sort3A_426, %masked_sort3A_427 = tpu.sort %get3A_421, %add3A_423 masked %masked_sort3A_424 {descending = true} : (vector<16xf32>, vector<16xi32>, vector<16xi1>) -> (vector<16xi1>, vector<16xf32>, vector<16xi32>)
        %lt3A_428 = arith.cmpf olt, %masked_sort3A_426, %masked_sort3A_355 : vector<16xf32>
        %select_n3A_429 = arith.select %lt3A_428, %masked_sort3A_426, %masked_sort3A_355 : vector<16xi1>, vector<16xf32>
        %select_n3A_430 = arith.select %lt3A_428, %masked_sort3A_427, %masked_sort3A_356 : vector<16xi1>, vector<16xi32>
        %masked_sort3A_431 = arith.constant dense<true> : vector<16xi1>
        %masked_sort3A_432, %masked_sort3A_433, %masked_sort3A_434 = tpu.sort %select_n3A_429, %select_n3A_430 masked %masked_sort3A_431 : (vector<16xf32>, vector<16xi32>, vector<16xi1>) -> (vector<16xi1>, vector<16xf32>, vector<16xi32>)
        %mul3A_435 = arith.constant 64 : i32
        %mul3A_436 = arith.muli %scan3A_396, %mul3A_435 : i32
        %add3A_437 = arith.constant 32 : i32
        %add3A_438 = arith.addi %mul3A_436, %add3A_437 : i32
        %get3A_439 = arith.index_cast %add3A_438 : i32 to index
        %get3A_440 = tpu.vector_load %arg4[%get3A_439] {strides = array<i32>} : memref<2048xf32, #tpu.memory_space<vmem>>, vector<16xf32>,
        %add3A_441 = vector.broadcast %add3A_438 : i32 to vector<16xi32>
        %add3A_442 = arith.addi %iota3A, %add3A_441 : vector<16xi32>
        %masked_sort3A_443 = arith.constant dense<true> : vector<16xi1>
        %masked_sort3A_444, %masked_sort3A_445, %masked_sort3A_446 = tpu.sort %get3A_440, %add3A_442 masked %masked_sort3A_443 {descending = true} : (vector<16xf32>, vector<16xi32>, vector<16xi1>) -> (vector<16xi1>, vector<16xf32>, vector<16xi32>)
        %lt3A_447 = arith.cmpf olt, %masked_sort3A_445, %masked_sort3A_374 : vector<16xf32>
        %select_n3A_448 = arith.select %lt3A_447, %masked_sort3A_445, %masked_sort3A_374 : vector<16xi1>, vector<16xf32>
        %select_n3A_449 = arith.select %lt3A_447, %masked_sort3A_446, %masked_sort3A_375 : vector<16xi1>, vector<16xi32>
        %masked_sort3A_450 = arith.constant dense<true> : vector<16xi1>
        %masked_sort3A_451, %masked_sort3A_452, %masked_sort3A_453 = tpu.sort %select_n3A_448, %select_n3A_449 masked %masked_sort3A_450 : (vector<16xf32>, vector<16xi32>, vector<16xi1>) -> (vector<16xi1>, vector<16xf32>, vector<16xi32>)
        %mul3A_454 = arith.constant 64 : i32
        %mul3A_455 = arith.muli %scan3A_396, %mul3A_454 : i32
        %add3A_456 = arith.constant 48 : i32
        %add3A_457 = arith.addi %mul3A_455, %add3A_456 : i32
        %get3A_458 = arith.index_cast %add3A_457 : i32 to index
        %get3A_459 = tpu.vector_load %arg4[%get3A_458] {strides = array<i32>} : memref<2048xf32, #tpu.memory_space<vmem>>, vector<16xf32>,
        %add3A_460 = vector.broadcast %add3A_457 : i32 to vector<16xi32>
        %add3A_461 = arith.addi %iota3A, %add3A_460 : vector<16xi32>
        %masked_sort3A_462 = arith.constant dense<true> : vector<16xi1>
        %masked_sort3A_463, %masked_sort3A_464, %masked_sort3A_465 = tpu.sort %get3A_459, %add3A_461 masked %masked_sort3A_462 {descending = true} : (vector<16xf32>, vector<16xi32>, vector<16xi1>) -> (vector<16xi1>, vector<16xf32>, vector<16xi32>)
        %lt3A_466 = arith.cmpf olt, %masked_sort3A_464, %masked_sort3A_393 : vector<16xf32>
        %select_n3A_467 = arith.select %lt3A_466, %masked_sort3A_464, %masked_sort3A_393 : vector<16xi1>, vector<16xf32>
        %select_n3A_468 = arith.select %lt3A_466, %masked_sort3A_465, %masked_sort3A_394 : vector<16xi1>, vector<16xi32>
        %masked_sort3A_469 = arith.constant dense<true> : vector<16xi1>
        %masked_sort3A_470, %masked_sort3A_471, %masked_sort3A_472 = tpu.sort %select_n3A_467, %select_n3A_468 masked %masked_sort3A_469 : (vector<16xf32>, vector<16xi32>, vector<16xi1>) -> (vector<16xi1>, vector<16xf32>, vector<16xi32>)
        %scan3A_473 = arith.constant 4 : i32
        %scan3A_474 = arith.addi %scan3A_155, %scan3A_473 : i32
        %mul3A_475 = arith.constant 64 : i32
        %mul3A_476 = arith.muli %scan3A_474, %mul3A_475 : i32
        %add3A_477 = arith.constant 0 : i32
        %add3A_478 = arith.addi %mul3A_476, %add3A_477 : i32
        %get3A_479 = arith.index_cast %add3A_478 : i32 to index
        %get3A_480 = tpu.vector_load %arg4[%get3A_479] {strides = array<i32>} : memref<2048xf32, #tpu.memory_space<vmem>>, vector<16xf32>,
        %add3A_481 = vector.broadcast %add3A_478 : i32 to vector<16xi32>
        %add3A_482 = arith.addi %iota3A, %add3A_481 : vector<16xi32>
        %masked_sort3A_483 = arith.constant dense<true> : vector<16xi1>
        %masked_sort3A_484, %masked_sort3A_485, %masked_sort3A_486 = tpu.sort %get3A_480, %add3A_482 masked %masked_sort3A_483 {descending = true} : (vector<16xf32>, vector<16xi32>, vector<16xi1>) -> (vector<16xi1>, vector<16xf32>, vector<16xi32>)
        %lt3A_487 = arith.cmpf olt, %masked_sort3A_485, %masked_sort3A_414 : vector<16xf32>
        %select_n3A_488 = arith.select %lt3A_487, %masked_sort3A_485, %masked_sort3A_414 : vector<16xi1>, vector<16xf32>
        %select_n3A_489 = arith.select %lt3A_487, %masked_sort3A_486, %masked_sort3A_415 : vector<16xi1>, vector<16xi32>
        %masked_sort3A_490 = arith.constant dense<true> : vector<16xi1>
        %masked_sort3A_491, %masked_sort3A_492, %masked_sort3A_493 = tpu.sort %select_n3A_488, %select_n3A_489 masked %masked_sort3A_490 : (vector<16xf32>, vector<16xi32>, vector<16xi1>) -> (vector<16xi1>, vector<16xf32>, vector<16xi32>)
        %mul3A_494 = arith.constant 64 : i32
        %mul3A_495 = arith.muli %scan3A_474, %mul3A_494 : i32
        %add3A_496 = arith.constant 16 : i32
        %add3A_497 = arith.addi %mul3A_495, %add3A_496 : i32
        %get3A_498 = arith.index_cast %add3A_497 : i32 to index
        %get3A_499 = tpu.vector_load %arg4[%get3A_498] {strides = array<i32>} : memref<2048xf32, #tpu.memory_space<vmem>>, vector<16xf32>,
        %add3A_500 = vector.broadcast %add3A_497 : i32 to vector<16xi32>
        %add3A_501 = arith.addi %iota3A, %add3A_500 : vector<16xi32>
        %masked_sort3A_502 = arith.constant dense<true> : vector<16xi1>
        %masked_sort3A_503, %masked_sort3A_504, %masked_sort3A_505 = tpu.sort %get3A_499, %add3A_501 masked %masked_sort3A_502 {descending = true} : (vector<16xf32>, vector<16xi32>, vector<16xi1>) -> (vector<16xi1>, vector<16xf32>, vector<16xi32>)
        %lt3A_506 = arith.cmpf olt, %masked_sort3A_504, %masked_sort3A_433 : vector<16xf32>
        %select_n3A_507 = arith.select %lt3A_506, %masked_sort3A_504, %masked_sort3A_433 : vector<16xi1>, vector<16xf32>
        %select_n3A_508 = arith.select %lt3A_506, %masked_sort3A_505, %masked_sort3A_434 : vector<16xi1>, vector<16xi32>
        %masked_sort3A_509 = arith.constant dense<true> : vector<16xi1>
        %masked_sort3A_510, %masked_sort3A_511, %masked_sort3A_512 = tpu.sort %select_n3A_507, %select_n3A_508 masked %masked_sort3A_509 : (vector<16xf32>, vector<16xi32>, vector<16xi1>) -> (vector<16xi1>, vector<16xf32>, vector<16xi32>)
        %mul3A_513 = arith.constant 64 : i32
        %mul3A_514 = arith.muli %scan3A_474, %mul3A_513 : i32
        %add3A_515 = arith.constant 32 : i32
        %add3A_516 = arith.addi %mul3A_514, %add3A_515 : i32
        %get3A_517 = arith.index_cast %add3A_516 : i32 to index
        %get3A_518 = tpu.vector_load %arg4[%get3A_517] {strides = array<i32>} : memref<2048xf32, #tpu.memory_space<vmem>>, vector<16xf32>,
        %add3A_519 = vector.broadcast %add3A_516 : i32 to vector<16xi32>
        %add3A_520 = arith.addi %iota3A, %add3A_519 : vector<16xi32>
        %masked_sort3A_521 = arith.constant dense<true> : vector<16xi1>
        %masked_sort3A_522, %masked_sort3A_523, %masked_sort3A_524 = tpu.sort %get3A_518, %add3A_520 masked %masked_sort3A_521 {descending = true} : (vector<16xf32>, vector<16xi32>, vector<16xi1>) -> (vector<16xi1>, vector<16xf32>, vector<16xi32>)
        %lt3A_525 = arith.cmpf olt, %masked_sort3A_523, %masked_sort3A_452 : vector<16xf32>
        %select_n3A_526 = arith.select %lt3A_525, %masked_sort3A_523, %masked_sort3A_452 : vector<16xi1>, vector<16xf32>
        %select_n3A_527 = arith.select %lt3A_525, %masked_sort3A_524, %masked_sort3A_453 : vector<16xi1>, vector<16xi32>
        %masked_sort3A_528 = arith.constant dense<true> : vector<16xi1>
        %masked_sort3A_529, %masked_sort3A_530, %masked_sort3A_531 = tpu.sort %select_n3A_526, %select_n3A_527 masked %masked_sort3A_528 : (vector<16xf32>, vector<16xi32>, vector<16xi1>) -> (vector<16xi1>, vector<16xf32>, vector<16xi32>)
        %mul3A_532 = arith.constant 64 : i32
        %mul3A_533 = arith.muli %scan3A_474, %mul3A_532 : i32
        %add3A_534 = arith.constant 48 : i32
        %add3A_535 = arith.addi %mul3A_533, %add3A_534 : i32
        %get3A_536 = arith.index_cast %add3A_535 : i32 to index
        %get3A_537 = tpu.vector_load %arg4[%get3A_536] {strides = array<i32>} : memref<2048xf32, #tpu.memory_space<vmem>>, vector<16xf32>,
        %add3A_538 = vector.broadcast %add3A_535 : i32 to vector<16xi32>
        %add3A_539 = arith.addi %iota3A, %add3A_538 : vector<16xi32>
        %masked_sort3A_540 = arith.constant dense<true> : vector<16xi1>
        %masked_sort3A_541, %masked_sort3A_542, %masked_sort3A_543 = tpu.sort %get3A_537, %add3A_539 masked %masked_sort3A_540 {descending = true} : (vector<16xf32>, vector<16xi32>, vector<16xi1>) -> (vector<16xi1>, vector<16xf32>, vector<16xi32>)
        %lt3A_544 = arith.cmpf olt, %masked_sort3A_542, %masked_sort3A_471 : vector<16xf32>
        %select_n3A_545 = arith.select %lt3A_544, %masked_sort3A_542, %masked_sort3A_471 : vector<16xi1>, vector<16xf32>
        %select_n3A_546 = arith.select %lt3A_544, %masked_sort3A_543, %masked_sort3A_472 : vector<16xi1>, vector<16xi32>
        %masked_sort3A_547 = arith.constant dense<true> : vector<16xi1>
        %masked_sort3A_548, %masked_sort3A_549, %masked_sort3A_550 = tpu.sort %select_n3A_545, %select_n3A_546 masked %masked_sort3A_547 : (vector<16xf32>, vector<16xi32>, vector<16xi1>) -> (vector<16xi1>, vector<16xf32>, vector<16xi32>)
        %scan3A_551 = arith.constant 5 : i32
        %scan3A_552 = arith.addi %scan3A_155, %scan3A_551 : i32
        %mul3A_553 = arith.constant 64 : i32
        %mul3A_554 = arith.muli %scan3A_552, %mul3A_553 : i32
        %add3A_555 = arith.constant 0 : i32
        %add3A_556 = arith.addi %mul3A_554, %add3A_555 : i32
        %get3A_557 = arith.index_cast %add3A_556 : i32 to index
        %get3A_558 = tpu.vector_load %arg4[%get3A_557] {strides = array<i32>} : memref<2048xf32, #tpu.memory_space<vmem>>, vector<16xf32>,
        %add3A_559 = vector.broadcast %add3A_556 : i32 to vector<16xi32>
        %add3A_560 = arith.addi %iota3A, %add3A_559 : vector<16xi32>
        %masked_sort3A_561 = arith.constant dense<true> : vector<16xi1>
        %masked_sort3A_562, %masked_sort3A_563, %masked_sort3A_564 = tpu.sort %get3A_558, %add3A_560 masked %masked_sort3A_561 {descending = true} : (vector<16xf32>, vector<16xi32>, vector<16xi1>) -> (vector<16xi1>, vector<16xf32>, vector<16xi32>)
        %lt3A_565 = arith.cmpf olt, %masked_sort3A_563, %masked_sort3A_492 : vector<16xf32>
        %select_n3A_566 = arith.select %lt3A_565, %masked_sort3A_563, %masked_sort3A_492 : vector<16xi1>, vector<16xf32>
        %select_n3A_567 = arith.select %lt3A_565, %masked_sort3A_564, %masked_sort3A_493 : vector<16xi1>, vector<16xi32>
        %masked_sort3A_568 = arith.constant dense<true> : vector<16xi1>
        %masked_sort3A_569, %masked_sort3A_570, %masked_sort3A_571 = tpu.sort %select_n3A_566, %select_n3A_567 masked %masked_sort3A_568 : (vector<16xf32>, vector<16xi32>, vector<16xi1>) -> (vector<16xi1>, vector<16xf32>, vector<16xi32>)
        %mul3A_572 = arith.constant 64 : i32
        %mul3A_573 = arith.muli %scan3A_552, %mul3A_572 : i32
        %add3A_574 = arith.constant 16 : i32
        %add3A_575 = arith.addi %mul3A_573, %add3A_574 : i32
        %get3A_576 = arith.index_cast %add3A_575 : i32 to index
        %get3A_577 = tpu.vector_load %arg4[%get3A_576] {strides = array<i32>} : memref<2048xf32, #tpu.memory_space<vmem>>, vector<16xf32>,
        %add3A_578 = vector.broadcast %add3A_575 : i32 to vector<16xi32>
        %add3A_579 = arith.addi %iota3A, %add3A_578 : vector<16xi32>
        %masked_sort3A_580 = arith.constant dense<true> : vector<16xi1>
        %masked_sort3A_581, %masked_sort3A_582, %masked_sort3A_583 = tpu.sort %get3A_577, %add3A_579 masked %masked_sort3A_580 {descending = true} : (vector<16xf32>, vector<16xi32>, vector<16xi1>) -> (vector<16xi1>, vector<16xf32>, vector<16xi32>)
        %lt3A_584 = arith.cmpf olt, %masked_sort3A_582, %masked_sort3A_511 : vector<16xf32>
        %select_n3A_585 = arith.select %lt3A_584, %masked_sort3A_582, %masked_sort3A_511 : vector<16xi1>, vector<16xf32>
        %select_n3A_586 = arith.select %lt3A_584, %masked_sort3A_583, %masked_sort3A_512 : vector<16xi1>, vector<16xi32>
        %masked_sort3A_587 = arith.constant dense<true> : vector<16xi1>
        %masked_sort3A_588, %masked_sort3A_589, %masked_sort3A_590 = tpu.sort %select_n3A_585, %select_n3A_586 masked %masked_sort3A_587 : (vector<16xf32>, vector<16xi32>, vector<16xi1>) -> (vector<16xi1>, vector<16xf32>, vector<16xi32>)
        %mul3A_591 = arith.constant 64 : i32
        %mul3A_592 = arith.muli %scan3A_552, %mul3A_591 : i32
        %add3A_593 = arith.constant 32 : i32
        %add3A_594 = arith.addi %mul3A_592, %add3A_593 : i32
        %get3A_595 = arith.index_cast %add3A_594 : i32 to index
        %get3A_596 = tpu.vector_load %arg4[%get3A_595] {strides = array<i32>} : memref<2048xf32, #tpu.memory_space<vmem>>, vector<16xf32>,
        %add3A_597 = vector.broadcast %add3A_594 : i32 to vector<16xi32>
        %add3A_598 = arith.addi %iota3A, %add3A_597 : vector<16xi32>
        %masked_sort3A_599 = arith.constant dense<true> : vector<16xi1>
        %masked_sort3A_600, %masked_sort3A_601, %masked_sort3A_602 = tpu.sort %get3A_596, %add3A_598 masked %masked_sort3A_599 {descending = true} : (vector<16xf32>, vector<16xi32>, vector<16xi1>) -> (vector<16xi1>, vector<16xf32>, vector<16xi32>)
        %lt3A_603 = arith.cmpf olt, %masked_sort3A_601, %masked_sort3A_530 : vector<16xf32>
        %select_n3A_604 = arith.select %lt3A_603, %masked_sort3A_601, %masked_sort3A_530 : vector<16xi1>, vector<16xf32>
        %select_n3A_605 = arith.select %lt3A_603, %masked_sort3A_602, %masked_sort3A_531 : vector<16xi1>, vector<16xi32>
        %masked_sort3A_606 = arith.constant dense<true> : vector<16xi1>
        %masked_sort3A_607, %masked_sort3A_608, %masked_sort3A_609 = tpu.sort %select_n3A_604, %select_n3A_605 masked %masked_sort3A_606 : (vector<16xf32>, vector<16xi32>, vector<16xi1>) -> (vector<16xi1>, vector<16xf32>, vector<16xi32>)
        %mul3A_610 = arith.constant 64 : i32
        %mul3A_611 = arith.muli %scan3A_552, %mul3A_610 : i32
        %add3A_612 = arith.constant 48 : i32
        %add3A_613 = arith.addi %mul3A_611, %add3A_612 : i32
        %get3A_614 = arith.index_cast %add3A_613 : i32 to index
        %get3A_615 = tpu.vector_load %arg4[%get3A_614] {strides = array<i32>} : memref<2048xf32, #tpu.memory_space<vmem>>, vector<16xf32>,
        %add3A_616 = vector.broadcast %add3A_613 : i32 to vector<16xi32>
        %add3A_617 = arith.addi %iota3A, %add3A_616 : vector<16xi32>
        %masked_sort3A_618 = arith.constant dense<true> : vector<16xi1>
        %masked_sort3A_619, %masked_sort3A_620, %masked_sort3A_621 = tpu.sort %get3A_615, %add3A_617 masked %masked_sort3A_618 {descending = true} : (vector<16xf32>, vector<16xi32>, vector<16xi1>) -> (vector<16xi1>, vector<16xf32>, vector<16xi32>)
        %lt3A_622 = arith.cmpf olt, %masked_sort3A_620, %masked_sort3A_549 : vector<16xf32>
        %select_n3A_623 = arith.select %lt3A_622, %masked_sort3A_620, %masked_sort3A_549 : vector<16xi1>, vector<16xf32>
        %select_n3A_624 = arith.select %lt3A_622, %masked_sort3A_621, %masked_sort3A_550 : vector<16xi1>, vector<16xi32>
        %masked_sort3A_625 = arith.constant dense<true> : vector<16xi1>
        %masked_sort3A_626, %masked_sort3A_627, %masked_sort3A_628 = tpu.sort %select_n3A_623, %select_n3A_624 masked %masked_sort3A_625 : (vector<16xf32>, vector<16xi32>, vector<16xi1>) -> (vector<16xi1>, vector<16xf32>, vector<16xi32>)
        %scan3A_629 = arith.constant 6 : i32
        %scan3A_630 = arith.addi %scan3A_155, %scan3A_629 : i32
        %mul3A_631 = arith.constant 64 : i32
        %mul3A_632 = arith.muli %scan3A_630, %mul3A_631 : i32
        %add3A_633 = arith.constant 0 : i32
        %add3A_634 = arith.addi %mul3A_632, %add3A_633 : i32
        %get3A_635 = arith.index_cast %add3A_634 : i32 to index
        %get3A_636 = tpu.vector_load %arg4[%get3A_635] {strides = array<i32>} : memref<2048xf32, #tpu.memory_space<vmem>>, vector<16xf32>,
        %add3A_637 = vector.broadcast %add3A_634 : i32 to vector<16xi32>
        %add3A_638 = arith.addi %iota3A, %add3A_637 : vector<16xi32>
        %masked_sort3A_639 = arith.constant dense<true> : vector<16xi1>
        %masked_sort3A_640, %masked_sort3A_641, %masked_sort3A_642 = tpu.sort %get3A_636, %add3A_638 masked %masked_sort3A_639 {descending = true} : (vector<16xf32>, vector<16xi32>, vector<16xi1>) -> (vector<16xi1>, vector<16xf32>, vector<16xi32>)
        %lt3A_643 = arith.cmpf olt, %masked_sort3A_641, %masked_sort3A_570 : vector<16xf32>
        %select_n3A_644 = arith.select %lt3A_643, %masked_sort3A_641, %masked_sort3A_570 : vector<16xi1>, vector<16xf32>
        %select_n3A_645 = arith.select %lt3A_643, %masked_sort3A_642, %masked_sort3A_571 : vector<16xi1>, vector<16xi32>
        %masked_sort3A_646 = arith.constant dense<true> : vector<16xi1>
        %masked_sort3A_647, %masked_sort3A_648, %masked_sort3A_649 = tpu.sort %select_n3A_644, %select_n3A_645 masked %masked_sort3A_646 : (vector<16xf32>, vector<16xi32>, vector<16xi1>) -> (vector<16xi1>, vector<16xf32>, vector<16xi32>)
        %mul3A_650 = arith.constant 64 : i32
        %mul3A_651 = arith.muli %scan3A_630, %mul3A_650 : i32
        %add3A_652 = arith.constant 16 : i32
        %add3A_653 = arith.addi %mul3A_651, %add3A_652 : i32
        %get3A_654 = arith.index_cast %add3A_653 : i32 to index
        %get3A_655 = tpu.vector_load %arg4[%get3A_654] {strides = array<i32>} : memref<2048xf32, #tpu.memory_space<vmem>>, vector<16xf32>,
        %add3A_656 = vector.broadcast %add3A_653 : i32 to vector<16xi32>
        %add3A_657 = arith.addi %iota3A, %add3A_656 : vector<16xi32>
        %masked_sort3A_658 = arith.constant dense<true> : vector<16xi1>
        %masked_sort3A_659, %masked_sort3A_660, %masked_sort3A_661 = tpu.sort %get3A_655, %add3A_657 masked %masked_sort3A_658 {descending = true} : (vector<16xf32>, vector<16xi32>, vector<16xi1>) -> (vector<16xi1>, vector<16xf32>, vector<16xi32>)
        %lt3A_662 = arith.cmpf olt, %masked_sort3A_660, %masked_sort3A_589 : vector<16xf32>
        %select_n3A_663 = arith.select %lt3A_662, %masked_sort3A_660, %masked_sort3A_589 : vector<16xi1>, vector<16xf32>
        %select_n3A_664 = arith.select %lt3A_662, %masked_sort3A_661, %masked_sort3A_590 : vector<16xi1>, vector<16xi32>
        %masked_sort3A_665 = arith.constant dense<true> : vector<16xi1>
        %masked_sort3A_666, %masked_sort3A_667, %masked_sort3A_668 = tpu.sort %select_n3A_663, %select_n3A_664 masked %masked_sort3A_665 : (vector<16xf32>, vector<16xi32>, vector<16xi1>) -> (vector<16xi1>, vector<16xf32>, vector<16xi32>)
        %mul3A_669 = arith.constant 64 : i32
        %mul3A_670 = arith.muli %scan3A_630, %mul3A_669 : i32
        %add3A_671 = arith.constant 32 : i32
        %add3A_672 = arith.addi %mul3A_670, %add3A_671 : i32
        %get3A_673 = arith.index_cast %add3A_672 : i32 to index
        %get3A_674 = tpu.vector_load %arg4[%get3A_673] {strides = array<i32>} : memref<2048xf32, #tpu.memory_space<vmem>>, vector<16xf32>,
        %add3A_675 = vector.broadcast %add3A_672 : i32 to vector<16xi32>
        %add3A_676 = arith.addi %iota3A, %add3A_675 : vector<16xi32>
        %masked_sort3A_677 = arith.constant dense<true> : vector<16xi1>
        %masked_sort3A_678, %masked_sort3A_679, %masked_sort3A_680 = tpu.sort %get3A_674, %add3A_676 masked %masked_sort3A_677 {descending = true} : (vector<16xf32>, vector<16xi32>, vector<16xi1>) -> (vector<16xi1>, vector<16xf32>, vector<16xi32>)
        %lt3A_681 = arith.cmpf olt, %masked_sort3A_679, %masked_sort3A_608 : vector<16xf32>
        %select_n3A_682 = arith.select %lt3A_681, %masked_sort3A_679, %masked_sort3A_608 : vector<16xi1>, vector<16xf32>
        %select_n3A_683 = arith.select %lt3A_681, %masked_sort3A_680, %masked_sort3A_609 : vector<16xi1>, vector<16xi32>
        %masked_sort3A_684 = arith.constant dense<true> : vector<16xi1>
        %masked_sort3A_685, %masked_sort3A_686, %masked_sort3A_687 = tpu.sort %select_n3A_682, %select_n3A_683 masked %masked_sort3A_684 : (vector<16xf32>, vector<16xi32>, vector<16xi1>) -> (vector<16xi1>, vector<16xf32>, vector<16xi32>)
        %mul3A_688 = arith.constant 64 : i32
        %mul3A_689 = arith.muli %scan3A_630, %mul3A_688 : i32
        %add3A_690 = arith.constant 48 : i32
        %add3A_691 = arith.addi %mul3A_689, %add3A_690 : i32
        %get3A_692 = arith.index_cast %add3A_691 : i32 to index
        %get3A_693 = tpu.vector_load %arg4[%get3A_692] {strides = array<i32>} : memref<2048xf32, #tpu.memory_space<vmem>>, vector<16xf32>,
        %add3A_694 = vector.broadcast %add3A_691 : i32 to vector<16xi32>
        %add3A_695 = arith.addi %iota3A, %add3A_694 : vector<16xi32>
        %masked_sort3A_696 = arith.constant dense<true> : vector<16xi1>
        %masked_sort3A_697, %masked_sort3A_698, %masked_sort3A_699 = tpu.sort %get3A_693, %add3A_695 masked %masked_sort3A_696 {descending = true} : (vector<16xf32>, vector<16xi32>, vector<16xi1>) -> (vector<16xi1>, vector<16xf32>, vector<16xi32>)
        %lt3A_700 = arith.cmpf olt, %masked_sort3A_698, %masked_sort3A_627 : vector<16xf32>
        %select_n3A_701 = arith.select %lt3A_700, %masked_sort3A_698, %masked_sort3A_627 : vector<16xi1>, vector<16xf32>
        %select_n3A_702 = arith.select %lt3A_700, %masked_sort3A_699, %masked_sort3A_628 : vector<16xi1>, vector<16xi32>
        %masked_sort3A_703 = arith.constant dense<true> : vector<16xi1>
        %masked_sort3A_704, %masked_sort3A_705, %masked_sort3A_706 = tpu.sort %select_n3A_701, %select_n3A_702 masked %masked_sort3A_703 : (vector<16xf32>, vector<16xi32>, vector<16xi1>) -> (vector<16xi1>, vector<16xf32>, vector<16xi32>)
        %scan3A_707 = arith.constant 7 : i32
        %scan3A_708 = arith.addi %scan3A_155, %scan3A_707 : i32
        %mul3A_709 = arith.constant 64 : i32
        %mul3A_710 = arith.muli %scan3A_708, %mul3A_709 : i32
        %add3A_711 = arith.constant 0 : i32
        %add3A_712 = arith.addi %mul3A_710, %add3A_711 : i32
        %get3A_713 = arith.index_cast %add3A_712 : i32 to index
        %get3A_714 = tpu.vector_load %arg4[%get3A_713] {strides = array<i32>} : memref<2048xf32, #tpu.memory_space<vmem>>, vector<16xf32>,
        %add3A_715 = vector.broadcast %add3A_712 : i32 to vector<16xi32>
        %add3A_716 = arith.addi %iota3A, %add3A_715 : vector<16xi32>
        %masked_sort3A_717 = arith.constant dense<true> : vector<16xi1>
        %masked_sort3A_718, %masked_sort3A_719, %masked_sort3A_720 = tpu.sort %get3A_714, %add3A_716 masked %masked_sort3A_717 {descending = true} : (vector<16xf32>, vector<16xi32>, vector<16xi1>) -> (vector<16xi1>, vector<16xf32>, vector<16xi32>)
        %lt3A_721 = arith.cmpf olt, %masked_sort3A_719, %masked_sort3A_648 : vector<16xf32>
        %select_n3A_722 = arith.select %lt3A_721, %masked_sort3A_719, %masked_sort3A_648 : vector<16xi1>, vector<16xf32>
        %select_n3A_723 = arith.select %lt3A_721, %masked_sort3A_720, %masked_sort3A_649 : vector<16xi1>, vector<16xi32>
        %masked_sort3A_724 = arith.constant dense<true> : vector<16xi1>
        %masked_sort3A_725, %masked_sort3A_726, %masked_sort3A_727 = tpu.sort %select_n3A_722, %select_n3A_723 masked %masked_sort3A_724 : (vector<16xf32>, vector<16xi32>, vector<16xi1>) -> (vector<16xi1>, vector<16xf32>, vector<16xi32>)
        %mul3A_728 = arith.constant 64 : i32
        %mul3A_729 = arith.muli %scan3A_708, %mul3A_728 : i32
        %add3A_730 = arith.constant 16 : i32
        %add3A_731 = arith.addi %mul3A_729, %add3A_730 : i32
        %get3A_732 = arith.index_cast %add3A_731 : i32 to index
        %get3A_733 = tpu.vector_load %arg4[%get3A_732] {strides = array<i32>} : memref<2048xf32, #tpu.memory_space<vmem>>, vector<16xf32>,
        %add3A_734 = vector.broadcast %add3A_731 : i32 to vector<16xi32>
        %add3A_735 = arith.addi %iota3A, %add3A_734 : vector<16xi32>
        %masked_sort3A_736 = arith.constant dense<true> : vector<16xi1>
        %masked_sort3A_737, %masked_sort3A_738, %masked_sort3A_739 = tpu.sort %get3A_733, %add3A_735 masked %masked_sort3A_736 {descending = true} : (vector<16xf32>, vector<16xi32>, vector<16xi1>) -> (vector<16xi1>, vector<16xf32>, vector<16xi32>)
        %lt3A_740 = arith.cmpf olt, %masked_sort3A_738, %masked_sort3A_667 : vector<16xf32>
        %select_n3A_741 = arith.select %lt3A_740, %masked_sort3A_738, %masked_sort3A_667 : vector<16xi1>, vector<16xf32>
        %select_n3A_742 = arith.select %lt3A_740, %masked_sort3A_739, %masked_sort3A_668 : vector<16xi1>, vector<16xi32>
        %masked_sort3A_743 = arith.constant dense<true> : vector<16xi1>
        %masked_sort3A_744, %masked_sort3A_745, %masked_sort3A_746 = tpu.sort %select_n3A_741, %select_n3A_742 masked %masked_sort3A_743 : (vector<16xf32>, vector<16xi32>, vector<16xi1>) -> (vector<16xi1>, vector<16xf32>, vector<16xi32>)
        %mul3A_747 = arith.constant 64 : i32
        %mul3A_748 = arith.muli %scan3A_708, %mul3A_747 : i32
        %add3A_749 = arith.constant 32 : i32
        %add3A_750 = arith.addi %mul3A_748, %add3A_749 : i32
        %get3A_751 = arith.index_cast %add3A_750 : i32 to index
        %get3A_752 = tpu.vector_load %arg4[%get3A_751] {strides = array<i32>} : memref<2048xf32, #tpu.memory_space<vmem>>, vector<16xf32>,
        %add3A_753 = vector.broadcast %add3A_750 : i32 to vector<16xi32>
        %add3A_754 = arith.addi %iota3A, %add3A_753 : vector<16xi32>
        %masked_sort3A_755 = arith.constant dense<true> : vector<16xi1>
        %masked_sort3A_756, %masked_sort3A_757, %masked_sort3A_758 = tpu.sort %get3A_752, %add3A_754 masked %masked_sort3A_755 {descending = true} : (vector<16xf32>, vector<16xi32>, vector<16xi1>) -> (vector<16xi1>, vector<16xf32>, vector<16xi32>)
        %lt3A_759 = arith.cmpf olt, %masked_sort3A_757, %masked_sort3A_686 : vector<16xf32>
        %select_n3A_760 = arith.select %lt3A_759, %masked_sort3A_757, %masked_sort3A_686 : vector<16xi1>, vector<16xf32>
        %select_n3A_761 = arith.select %lt3A_759, %masked_sort3A_758, %masked_sort3A_687 : vector<16xi1>, vector<16xi32>
        %masked_sort3A_762 = arith.constant dense<true> : vector<16xi1>
        %masked_sort3A_763, %masked_sort3A_764, %masked_sort3A_765 = tpu.sort %select_n3A_760, %select_n3A_761 masked %masked_sort3A_762 : (vector<16xf32>, vector<16xi32>, vector<16xi1>) -> (vector<16xi1>, vector<16xf32>, vector<16xi32>)
        %mul3A_766 = arith.constant 64 : i32
        %mul3A_767 = arith.muli %scan3A_708, %mul3A_766 : i32
        %add3A_768 = arith.constant 48 : i32
        %add3A_769 = arith.addi %mul3A_767, %add3A_768 : i32
        %get3A_770 = arith.index_cast %add3A_769 : i32 to index
        %get3A_771 = tpu.vector_load %arg4[%get3A_770] {strides = array<i32>} : memref<2048xf32, #tpu.memory_space<vmem>>, vector<16xf32>,
        %add3A_772 = vector.broadcast %add3A_769 : i32 to vector<16xi32>
        %add3A_773 = arith.addi %iota3A, %add3A_772 : vector<16xi32>
        %masked_sort3A_774 = arith.constant dense<true> : vector<16xi1>
        %masked_sort3A_775, %masked_sort3A_776, %masked_sort3A_777 = tpu.sort %get3A_771, %add3A_773 masked %masked_sort3A_774 {descending = true} : (vector<16xf32>, vector<16xi32>, vector<16xi1>) -> (vector<16xi1>, vector<16xf32>, vector<16xi32>)
        %lt3A_778 = arith.cmpf olt, %masked_sort3A_776, %masked_sort3A_705 : vector<16xf32>
        %select_n3A_779 = arith.select %lt3A_778, %masked_sort3A_776, %masked_sort3A_705 : vector<16xi1>, vector<16xf32>
        %select_n3A_780 = arith.select %lt3A_778, %masked_sort3A_777, %masked_sort3A_706 : vector<16xi1>, vector<16xi32>
        %masked_sort3A_781 = arith.constant dense<true> : vector<16xi1>
        %masked_sort3A_782, %masked_sort3A_783, %masked_sort3A_784 = tpu.sort %select_n3A_779, %select_n3A_780 masked %masked_sort3A_781 : (vector<16xf32>, vector<16xi32>, vector<16xi1>) -> (vector<16xi1>, vector<16xf32>, vector<16xi32>)
        scf.yield %masked_sort3A_726, %masked_sort3A_727, %masked_sort3A_745, %masked_sort3A_746, %masked_sort3A_764, %masked_sort3A_765, %masked_sort3A_783, %masked_sort3A_784 : vector<16xf32>, vector<16xi32>, vector<16xf32>, vector<16xi32>, vector<16xf32>, vector<16xi32>, vector<16xf32>, vector<16xi32>
      }
      %scan3A_57 = arith.constant 32 : i32
      %masked_sort3A = arith.constant dense<true> : vector<16xi1>
      %masked_sort3A_58, %masked_sort3A_59, %masked_sort3A_60 = tpu.sort %scan3A_56#2, %scan3A_56#3 masked %masked_sort3A {descending = true} : (vector<16xf32>, vector<16xi32>, vector<16xi1>) -> (vector<16xi1>, vector<16xf32>, vector<16xi32>)
      %lt3A = arith.cmpf olt, %masked_sort3A_59, %scan3A_56#0 : vector<16xf32>
      %select_n3A_61 = arith.select %lt3A, %masked_sort3A_59, %scan3A_56#0 : vector<16xi1>, vector<16xf32>
      %select_n3A_62 = arith.select %lt3A, %masked_sort3A_60, %scan3A_56#1 : vector<16xi1>, vector<16xi32>
      %masked_sort3A_63 = arith.constant dense<true> : vector<16xi1>
      %masked_sort3A_64, %masked_sort3A_65, %masked_sort3A_66 = tpu.sort %select_n3A_61, %select_n3A_62 masked %masked_sort3A_63 : (vector<16xf32>, vector<16xi32>, vector<16xi1>) -> (vector<16xi1>, vector<16xf32>, vector<16xi32>)
      %masked_sort3A_67 = arith.constant dense<true> : vector<16xi1>
      %masked_sort3A_68, %masked_sort3A_69, %masked_sort3A_70 = tpu.sort %scan3A_56#6, %scan3A_56#7 masked %masked_sort3A_67 {descending = true} : (vector<16xf32>, vector<16xi32>, vector<16xi1>) -> (vector<16xi1>, vector<16xf32>, vector<16xi32>)
      %lt3A_71 = arith.cmpf olt, %masked_sort3A_69, %scan3A_56#4 : vector<16xf32>
      %select_n3A_72 = arith.select %lt3A_71, %masked_sort3A_69, %scan3A_56#4 : vector<16xi1>, vector<16xf32>
      %select_n3A_73 = arith.select %lt3A_71, %masked_sort3A_70, %scan3A_56#5 : vector<16xi1>, vector<16xi32>
      %masked_sort3A_74 = arith.constant dense<true> : vector<16xi1>
      %masked_sort3A_75, %masked_sort3A_76, %masked_sort3A_77 = tpu.sort %select_n3A_72, %select_n3A_73 masked %masked_sort3A_74 : (vector<16xf32>, vector<16xi32>, vector<16xi1>) -> (vector<16xi1>, vector<16xf32>, vector<16xi32>)
      %masked_sort3A_78 = arith.constant dense<true> : vector<16xi1>
      %masked_sort3A_79, %masked_sort3A_80, %masked_sort3A_81 = tpu.sort %masked_sort3A_76, %masked_sort3A_77 masked %masked_sort3A_78 {descending = true} : (vector<16xf32>, vector<16xi32>, vector<16xi1>) -> (vector<16xi1>, vector<16xf32>, vector<16xi32>)
      %lt3A_82 = arith.cmpf olt, %masked_sort3A_80, %masked_sort3A_65 : vector<16xf32>
      %select_n3A_83 = arith.select %lt3A_82, %masked_sort3A_80, %masked_sort3A_65 : vector<16xi1>, vector<16xf32>
      %select_n3A_84 = arith.select %lt3A_82, %masked_sort3A_81, %masked_sort3A_66 : vector<16xi1>, vector<16xi32>
      %masked_sort3A_85 = arith.constant dense<true> : vector<16xi1>
      %masked_sort3A_86, %masked_sort3A_87, %masked_sort3A_88 = tpu.sort %select_n3A_83, %select_n3A_84 masked %masked_sort3A_85 : (vector<16xf32>, vector<16xi32>, vector<16xi1>) -> (vector<16xi1>, vector<16xf32>, vector<16xi32>)
      %add3A_89 = vector.broadcast %mul3A_20 : i32 to vector<16xi32>
      %add3A_90 = arith.addi %masked_sort3A_88, %add3A_89 : vector<16xi32>
      %mul3A_91 = arith.constant 16 : i32
      %mul3A_92 = arith.muli %mul3A_46, %mul3A_91 : i32
      %swap3A = arith.index_cast %mul3A_92 : i32 to index
      %swap3A_93 = tpu.vector_load %arg6[%swap3A] {strides = array<i32>} : memref<2048xi32, #tpu.memory_space<vmem>>, vector<16xi32>,
      tpu.vector_store %arg6[%swap3A], %add3A_90 {strides = array<i32>} : memref<2048xi32, #tpu.memory_space<vmem>>, vector<16xi32>,
      %lt3A_94 = arith.constant 63 : i32
      %lt3A_95 = arith.cmpi slt, %scan3A_44, %lt3A_94 : i32
      %convert_element_type3A = arith.extui %lt3A_95 : i1 to i32
      %cond3A = arith.constant 0 : i32
      %cond3A_96 = arith.cmpi ne, %convert_element_type3A, %cond3A : i32
      scf.if %cond3A_96 {
        %add3A_155 = arith.addi %mul3A_2, %mul3A_46 : i32
        %add3A_156 = arith.constant 2 : i32
        %add3A_157 = arith.addi %add3A_155, %add3A_156 : i32
        %dma_start3A_158 = arith.constant 0 : i32
        %dma_start3A_159 = tpu.memref_slice %arg2[%add3A_157, %dma_start3A_158] : memref<4096x2048xf32, #tpu.memory_space<hbm>> -> memref<1x2048xf32, #tpu.memory_space<hbm>>
        %dma_start3A_160 = tpu.memref_squeeze %dma_start3A_159 : memref<1x2048xf32, #tpu.memory_space<hbm>> -> memref<2048xf32, #tpu.memory_space<hbm>>
        %dma_start3A_161 = arith.constant 0 : i32
        %dma_start3A_162 = tpu.memref_slice %arg2[%add3A_157, %dma_start3A_161] : memref<4096x2048xf32, #tpu.memory_space<hbm>> -> memref<1x2048xf32, #tpu.memory_space<hbm>>
        %dma_start3A_163 = tpu.memref_squeeze %dma_start3A_162 : memref<1x2048xf32, #tpu.memory_space<hbm>> -> memref<2048xf32, #tpu.memory_space<hbm>>
        tpu.enqueue_dma source(%dma_start3A_163 : memref<2048xf32, #tpu.memory_space<hbm>>) target(%arg4 : memref<2048xf32, #tpu.memory_space<vmem>>) target_semaphore(%arg7 : memref<!tpu.dma_semaphore, #tpu.memory_space<semaphore_mem>>)
      } else {
      }
      %dma_wait3A_97 = arith.constant 0 : i32
      %dma_wait3A_98 = tpu.memref_slice %arg2[%mul3A_2, %dma_wait3A_97] : memref<4096x2048xf32, #tpu.memory_space<hbm>> -> memref<1x2048xf32, #tpu.memory_space<hbm>>
      %dma_wait3A_99 = tpu.memref_squeeze %dma_wait3A_98 : memref<1x2048xf32, #tpu.memory_space<hbm>> -> memref<2048xf32, #tpu.memory_space<hbm>>
      %dma_wait3A_100 = arith.constant 0 : i32
      %dma_wait3A_101 = tpu.memref_slice %arg2[%mul3A_2, %dma_wait3A_100] : memref<4096x2048xf32, #tpu.memory_space<hbm>> -> memref<1x2048xf32, #tpu.memory_space<hbm>>
      %dma_wait3A_102 = tpu.memref_squeeze %dma_wait3A_101 : memref<1x2048xf32, #tpu.memory_space<hbm>> -> memref<2048xf32, #tpu.memory_space<hbm>>
      tpu.wait_dma2 semaphore(%arg8 : memref<!tpu.dma_semaphore, #tpu.memory_space<semaphore_mem>>) src(%dma_wait3A_102 : memref<2048xf32, #tpu.memory_space<hbm>>) dst(%arg5 : memref<2048xf32, #tpu.memory_space<vmem>>)
      %scan3A_103 = arith.constant 0 : i32
      %scan3A_104 = arith.constant 32 : i32
      %scan3A_105 = arith.addi %scan3A_103, %scan3A_104 : i32
      %scan3A_106 = arith.constant 8 : i32
      %scan3A_107:8 = scf.for %scan3A_155 = %scan3A_103 to %scan3A_105 step %scan3A_106 iter_args(%scan3A_156 = %broadcast_in_dim3A_21, %scan3A_157 = %broadcast_in_dim3A_23, %scan3A_158 = %broadcast_in_dim3A_21, %scan3A_159 = %broadcast_in_dim3A_23, %scan3A_160 = %broadcast_in_dim3A_21, %scan3A_161 = %broadcast_in_dim3A_23, %scan3A_162 = %broadcast_in_dim3A_21, %scan3A_163 = %broadcast_in_dim3A_23) -> (vector<16xf32>, vector<16xi32>, vector<16xf32>, vector<16xi32>, vector<16xf32>, vector<16xi32>, vector<16xf32>, vector<16xi32>)  : i32 {
        %mul3A_164 = arith.constant 64 : i32
        %mul3A_165 = arith.muli %scan3A_155, %mul3A_164 : i32
        %add3A_166 = arith.constant 0 : i32
        %add3A_167 = arith.addi %mul3A_165, %add3A_166 : i32
        %get3A = arith.index_cast %add3A_167 : i32 to index
        %get3A_168 = tpu.vector_load %arg5[%get3A] {strides = array<i32>} : memref<2048xf32, #tpu.memory_space<vmem>>, vector<16xf32>,
        %add3A_169 = vector.broadcast %add3A_167 : i32 to vector<16xi32>
        %add3A_170 = arith.addi %iota3A, %add3A_169 : vector<16xi32>
        %masked_sort3A_171 = arith.constant dense<true> : vector<16xi1>
        %masked_sort3A_172, %masked_sort3A_173, %masked_sort3A_174 = tpu.sort %get3A_168, %add3A_170 masked %masked_sort3A_171 {descending = true} : (vector<16xf32>, vector<16xi32>, vector<16xi1>) -> (vector<16xi1>, vector<16xf32>, vector<16xi32>)
        %lt3A_175 = arith.cmpf olt, %masked_sort3A_173, %scan3A_156 : vector<16xf32>
        %select_n3A_176 = arith.select %lt3A_175, %masked_sort3A_173, %scan3A_156 : vector<16xi1>, vector<16xf32>
        %select_n3A_177 = arith.select %lt3A_175, %masked_sort3A_174, %scan3A_157 : vector<16xi1>, vector<16xi32>
        %masked_sort3A_178 = arith.constant dense<true> : vector<16xi1>
        %masked_sort3A_179, %masked_sort3A_180, %masked_sort3A_181 = tpu.sort %select_n3A_176, %select_n3A_177 masked %masked_sort3A_178 : (vector<16xf32>, vector<16xi32>, vector<16xi1>) -> (vector<16xi1>, vector<16xf32>, vector<16xi32>)
        %mul3A_182 = arith.constant 64 : i32
        %mul3A_183 = arith.muli %scan3A_155, %mul3A_182 : i32
        %add3A_184 = arith.constant 16 : i32
        %add3A_185 = arith.addi %mul3A_183, %add3A_184 : i32
        %get3A_186 = arith.index_cast %add3A_185 : i32 to index
        %get3A_187 = tpu.vector_load %arg5[%get3A_186] {strides = array<i32>} : memref<2048xf32, #tpu.memory_space<vmem>>, vector<16xf32>,
        %add3A_188 = vector.broadcast %add3A_185 : i32 to vector<16xi32>
        %add3A_189 = arith.addi %iota3A, %add3A_188 : vector<16xi32>
        %masked_sort3A_190 = arith.constant dense<true> : vector<16xi1>
        %masked_sort3A_191, %masked_sort3A_192, %masked_sort3A_193 = tpu.sort %get3A_187, %add3A_189 masked %masked_sort3A_190 {descending = true} : (vector<16xf32>, vector<16xi32>, vector<16xi1>) -> (vector<16xi1>, vector<16xf32>, vector<16xi32>)
        %lt3A_194 = arith.cmpf olt, %masked_sort3A_192, %scan3A_158 : vector<16xf32>
        %select_n3A_195 = arith.select %lt3A_194, %masked_sort3A_192, %scan3A_158 : vector<16xi1>, vector<16xf32>
        %select_n3A_196 = arith.select %lt3A_194, %masked_sort3A_193, %scan3A_159 : vector<16xi1>, vector<16xi32>
        %masked_sort3A_197 = arith.constant dense<true> : vector<16xi1>
        %masked_sort3A_198, %masked_sort3A_199, %masked_sort3A_200 = tpu.sort %select_n3A_195, %select_n3A_196 masked %masked_sort3A_197 : (vector<16xf32>, vector<16xi32>, vector<16xi1>) -> (vector<16xi1>, vector<16xf32>, vector<16xi32>)
        %mul3A_201 = arith.constant 64 : i32
        %mul3A_202 = arith.muli %scan3A_155, %mul3A_201 : i32
        %add3A_203 = arith.constant 32 : i32
        %add3A_204 = arith.addi %mul3A_202, %add3A_203 : i32
        %get3A_205 = arith.index_cast %add3A_204 : i32 to index
        %get3A_206 = tpu.vector_load %arg5[%get3A_205] {strides = array<i32>} : memref<2048xf32, #tpu.memory_space<vmem>>, vector<16xf32>,
        %add3A_207 = vector.broadcast %add3A_204 : i32 to vector<16xi32>
        %add3A_208 = arith.addi %iota3A, %add3A_207 : vector<16xi32>
        %masked_sort3A_209 = arith.constant dense<true> : vector<16xi1>
        %masked_sort3A_210, %masked_sort3A_211, %masked_sort3A_212 = tpu.sort %get3A_206, %add3A_208 masked %masked_sort3A_209 {descending = true} : (vector<16xf32>, vector<16xi32>, vector<16xi1>) -> (vector<16xi1>, vector<16xf32>, vector<16xi32>)
        %lt3A_213 = arith.cmpf olt, %masked_sort3A_211, %scan3A_160 : vector<16xf32>
        %select_n3A_214 = arith.select %lt3A_213, %masked_sort3A_211, %scan3A_160 : vector<16xi1>, vector<16xf32>
        %select_n3A_215 = arith.select %lt3A_213, %masked_sort3A_212, %scan3A_161 : vector<16xi1>, vector<16xi32>
        %masked_sort3A_216 = arith.constant dense<true> : vector<16xi1>
        %masked_sort3A_217, %masked_sort3A_218, %masked_sort3A_219 = tpu.sort %select_n3A_214, %select_n3A_215 masked %masked_sort3A_216 : (vector<16xf32>, vector<16xi32>, vector<16xi1>) -> (vector<16xi1>, vector<16xf32>, vector<16xi32>)
        %mul3A_220 = arith.constant 64 : i32
        %mul3A_221 = arith.muli %scan3A_155, %mul3A_220 : i32
        %add3A_222 = arith.constant 48 : i32
        %add3A_223 = arith.addi %mul3A_221, %add3A_222 : i32
        %get3A_224 = arith.index_cast %add3A_223 : i32 to index
        %get3A_225 = tpu.vector_load %arg5[%get3A_224] {strides = array<i32>} : memref<2048xf32, #tpu.memory_space<vmem>>, vector<16xf32>,
        %add3A_226 = vector.broadcast %add3A_223 : i32 to vector<16xi32>
        %add3A_227 = arith.addi %iota3A, %add3A_226 : vector<16xi32>
        %masked_sort3A_228 = arith.constant dense<true> : vector<16xi1>
        %masked_sort3A_229, %masked_sort3A_230, %masked_sort3A_231 = tpu.sort %get3A_225, %add3A_227 masked %masked_sort3A_228 {descending = true} : (vector<16xf32>, vector<16xi32>, vector<16xi1>) -> (vector<16xi1>, vector<16xf32>, vector<16xi32>)
        %lt3A_232 = arith.cmpf olt, %masked_sort3A_230, %scan3A_162 : vector<16xf32>
        %select_n3A_233 = arith.select %lt3A_232, %masked_sort3A_230, %scan3A_162 : vector<16xi1>, vector<16xf32>
        %select_n3A_234 = arith.select %lt3A_232, %masked_sort3A_231, %scan3A_163 : vector<16xi1>, vector<16xi32>
        %masked_sort3A_235 = arith.constant dense<true> : vector<16xi1>
        %masked_sort3A_236, %masked_sort3A_237, %masked_sort3A_238 = tpu.sort %select_n3A_233, %select_n3A_234 masked %masked_sort3A_235 : (vector<16xf32>, vector<16xi32>, vector<16xi1>) -> (vector<16xi1>, vector<16xf32>, vector<16xi32>)
        %scan3A_239 = arith.constant 1 : i32
        %scan3A_240 = arith.addi %scan3A_155, %scan3A_239 : i32
        %mul3A_241 = arith.constant 64 : i32
        %mul3A_242 = arith.muli %scan3A_240, %mul3A_241 : i32
        %add3A_243 = arith.constant 0 : i32
        %add3A_244 = arith.addi %mul3A_242, %add3A_243 : i32
        %get3A_245 = arith.index_cast %add3A_244 : i32 to index
        %get3A_246 = tpu.vector_load %arg5[%get3A_245] {strides = array<i32>} : memref<2048xf32, #tpu.memory_space<vmem>>, vector<16xf32>,
        %add3A_247 = vector.broadcast %add3A_244 : i32 to vector<16xi32>
        %add3A_248 = arith.addi %iota3A, %add3A_247 : vector<16xi32>
        %masked_sort3A_249 = arith.constant dense<true> : vector<16xi1>
        %masked_sort3A_250, %masked_sort3A_251, %masked_sort3A_252 = tpu.sort %get3A_246, %add3A_248 masked %masked_sort3A_249 {descending = true} : (vector<16xf32>, vector<16xi32>, vector<16xi1>) -> (vector<16xi1>, vector<16xf32>, vector<16xi32>)
        %lt3A_253 = arith.cmpf olt, %masked_sort3A_251, %masked_sort3A_180 : vector<16xf32>
        %select_n3A_254 = arith.select %lt3A_253, %masked_sort3A_251, %masked_sort3A_180 : vector<16xi1>, vector<16xf32>
        %select_n3A_255 = arith.select %lt3A_253, %masked_sort3A_252, %masked_sort3A_181 : vector<16xi1>, vector<16xi32>
        %masked_sort3A_256 = arith.constant dense<true> : vector<16xi1>
        %masked_sort3A_257, %masked_sort3A_258, %masked_sort3A_259 = tpu.sort %select_n3A_254, %select_n3A_255 masked %masked_sort3A_256 : (vector<16xf32>, vector<16xi32>, vector<16xi1>) -> (vector<16xi1>, vector<16xf32>, vector<16xi32>)
        %mul3A_260 = arith.constant 64 : i32
        %mul3A_261 = arith.muli %scan3A_240, %mul3A_260 : i32
        %add3A_262 = arith.constant 16 : i32
        %add3A_263 = arith.addi %mul3A_261, %add3A_262 : i32
        %get3A_264 = arith.index_cast %add3A_263 : i32 to index
        %get3A_265 = tpu.vector_load %arg5[%get3A_264] {strides = array<i32>} : memref<2048xf32, #tpu.memory_space<vmem>>, vector<16xf32>,
        %add3A_266 = vector.broadcast %add3A_263 : i32 to vector<16xi32>
        %add3A_267 = arith.addi %iota3A, %add3A_266 : vector<16xi32>
        %masked_sort3A_268 = arith.constant dense<true> : vector<16xi1>
        %masked_sort3A_269, %masked_sort3A_270, %masked_sort3A_271 = tpu.sort %get3A_265, %add3A_267 masked %masked_sort3A_268 {descending = true} : (vector<16xf32>, vector<16xi32>, vector<16xi1>) -> (vector<16xi1>, vector<16xf32>, vector<16xi32>)
        %lt3A_272 = arith.cmpf olt, %masked_sort3A_270, %masked_sort3A_199 : vector<16xf32>
        %select_n3A_273 = arith.select %lt3A_272, %masked_sort3A_270, %masked_sort3A_199 : vector<16xi1>, vector<16xf32>
        %select_n3A_274 = arith.select %lt3A_272, %masked_sort3A_271, %masked_sort3A_200 : vector<16xi1>, vector<16xi32>
        %masked_sort3A_275 = arith.constant dense<true> : vector<16xi1>
        %masked_sort3A_276, %masked_sort3A_277, %masked_sort3A_278 = tpu.sort %select_n3A_273, %select_n3A_274 masked %masked_sort3A_275 : (vector<16xf32>, vector<16xi32>, vector<16xi1>) -> (vector<16xi1>, vector<16xf32>, vector<16xi32>)
        %mul3A_279 = arith.constant 64 : i32
        %mul3A_280 = arith.muli %scan3A_240, %mul3A_279 : i32
        %add3A_281 = arith.constant 32 : i32
        %add3A_282 = arith.addi %mul3A_280, %add3A_281 : i32
        %get3A_283 = arith.index_cast %add3A_282 : i32 to index
        %get3A_284 = tpu.vector_load %arg5[%get3A_283] {strides = array<i32>} : memref<2048xf32, #tpu.memory_space<vmem>>, vector<16xf32>,
        %add3A_285 = vector.broadcast %add3A_282 : i32 to vector<16xi32>
        %add3A_286 = arith.addi %iota3A, %add3A_285 : vector<16xi32>
        %masked_sort3A_287 = arith.constant dense<true> : vector<16xi1>
        %masked_sort3A_288, %masked_sort3A_289, %masked_sort3A_290 = tpu.sort %get3A_284, %add3A_286 masked %masked_sort3A_287 {descending = true} : (vector<16xf32>, vector<16xi32>, vector<16xi1>) -> (vector<16xi1>, vector<16xf32>, vector<16xi32>)
        %lt3A_291 = arith.cmpf olt, %masked_sort3A_289, %masked_sort3A_218 : vector<16xf32>
        %select_n3A_292 = arith.select %lt3A_291, %masked_sort3A_289, %masked_sort3A_218 : vector<16xi1>, vector<16xf32>
        %select_n3A_293 = arith.select %lt3A_291, %masked_sort3A_290, %masked_sort3A_219 : vector<16xi1>, vector<16xi32>
        %masked_sort3A_294 = arith.constant dense<true> : vector<16xi1>
        %masked_sort3A_295, %masked_sort3A_296, %masked_sort3A_297 = tpu.sort %select_n3A_292, %select_n3A_293 masked %masked_sort3A_294 : (vector<16xf32>, vector<16xi32>, vector<16xi1>) -> (vector<16xi1>, vector<16xf32>, vector<16xi32>)
        %mul3A_298 = arith.constant 64 : i32
        %mul3A_299 = arith.muli %scan3A_240, %mul3A_298 : i32
        %add3A_300 = arith.constant 48 : i32
        %add3A_301 = arith.addi %mul3A_299, %add3A_300 : i32
        %get3A_302 = arith.index_cast %add3A_301 : i32 to index
        %get3A_303 = tpu.vector_load %arg5[%get3A_302] {strides = array<i32>} : memref<2048xf32, #tpu.memory_space<vmem>>, vector<16xf32>,
        %add3A_304 = vector.broadcast %add3A_301 : i32 to vector<16xi32>
        %add3A_305 = arith.addi %iota3A, %add3A_304 : vector<16xi32>
        %masked_sort3A_306 = arith.constant dense<true> : vector<16xi1>
        %masked_sort3A_307, %masked_sort3A_308, %masked_sort3A_309 = tpu.sort %get3A_303, %add3A_305 masked %masked_sort3A_306 {descending = true} : (vector<16xf32>, vector<16xi32>, vector<16xi1>) -> (vector<16xi1>, vector<16xf32>, vector<16xi32>)
        %lt3A_310 = arith.cmpf olt, %masked_sort3A_308, %masked_sort3A_237 : vector<16xf32>
        %select_n3A_311 = arith.select %lt3A_310, %masked_sort3A_308, %masked_sort3A_237 : vector<16xi1>, vector<16xf32>
        %select_n3A_312 = arith.select %lt3A_310, %masked_sort3A_309, %masked_sort3A_238 : vector<16xi1>, vector<16xi32>
        %masked_sort3A_313 = arith.constant dense<true> : vector<16xi1>
        %masked_sort3A_314, %masked_sort3A_315, %masked_sort3A_316 = tpu.sort %select_n3A_311, %select_n3A_312 masked %masked_sort3A_313 : (vector<16xf32>, vector<16xi32>, vector<16xi1>) -> (vector<16xi1>, vector<16xf32>, vector<16xi32>)
        %scan3A_317 = arith.constant 2 : i32
        %scan3A_318 = arith.addi %scan3A_155, %scan3A_317 : i32
        %mul3A_319 = arith.constant 64 : i32
        %mul3A_320 = arith.muli %scan3A_318, %mul3A_319 : i32
        %add3A_321 = arith.constant 0 : i32
        %add3A_322 = arith.addi %mul3A_320, %add3A_321 : i32
        %get3A_323 = arith.index_cast %add3A_322 : i32 to index
        %get3A_324 = tpu.vector_load %arg5[%get3A_323] {strides = array<i32>} : memref<2048xf32, #tpu.memory_space<vmem>>, vector<16xf32>,
        %add3A_325 = vector.broadcast %add3A_322 : i32 to vector<16xi32>
        %add3A_326 = arith.addi %iota3A, %add3A_325 : vector<16xi32>
        %masked_sort3A_327 = arith.constant dense<true> : vector<16xi1>
        %masked_sort3A_328, %masked_sort3A_329, %masked_sort3A_330 = tpu.sort %get3A_324, %add3A_326 masked %masked_sort3A_327 {descending = true} : (vector<16xf32>, vector<16xi32>, vector<16xi1>) -> (vector<16xi1>, vector<16xf32>, vector<16xi32>)
        %lt3A_331 = arith.cmpf olt, %masked_sort3A_329, %masked_sort3A_258 : vector<16xf32>
        %select_n3A_332 = arith.select %lt3A_331, %masked_sort3A_329, %masked_sort3A_258 : vector<16xi1>, vector<16xf32>
        %select_n3A_333 = arith.select %lt3A_331, %masked_sort3A_330, %masked_sort3A_259 : vector<16xi1>, vector<16xi32>
        %masked_sort3A_334 = arith.constant dense<true> : vector<16xi1>
        %masked_sort3A_335, %masked_sort3A_336, %masked_sort3A_337 = tpu.sort %select_n3A_332, %select_n3A_333 masked %masked_sort3A_334 : (vector<16xf32>, vector<16xi32>, vector<16xi1>) -> (vector<16xi1>, vector<16xf32>, vector<16xi32>)
        %mul3A_338 = arith.constant 64 : i32
        %mul3A_339 = arith.muli %scan3A_318, %mul3A_338 : i32
        %add3A_340 = arith.constant 16 : i32
        %add3A_341 = arith.addi %mul3A_339, %add3A_340 : i32
        %get3A_342 = arith.index_cast %add3A_341 : i32 to index
        %get3A_343 = tpu.vector_load %arg5[%get3A_342] {strides = array<i32>} : memref<2048xf32, #tpu.memory_space<vmem>>, vector<16xf32>,
        %add3A_344 = vector.broadcast %add3A_341 : i32 to vector<16xi32>
        %add3A_345 = arith.addi %iota3A, %add3A_344 : vector<16xi32>
        %masked_sort3A_346 = arith.constant dense<true> : vector<16xi1>
        %masked_sort3A_347, %masked_sort3A_348, %masked_sort3A_349 = tpu.sort %get3A_343, %add3A_345 masked %masked_sort3A_346 {descending = true} : (vector<16xf32>, vector<16xi32>, vector<16xi1>) -> (vector<16xi1>, vector<16xf32>, vector<16xi32>)
        %lt3A_350 = arith.cmpf olt, %masked_sort3A_348, %masked_sort3A_277 : vector<16xf32>
        %select_n3A_351 = arith.select %lt3A_350, %masked_sort3A_348, %masked_sort3A_277 : vector<16xi1>, vector<16xf32>
        %select_n3A_352 = arith.select %lt3A_350, %masked_sort3A_349, %masked_sort3A_278 : vector<16xi1>, vector<16xi32>
        %masked_sort3A_353 = arith.constant dense<true> : vector<16xi1>
        %masked_sort3A_354, %masked_sort3A_355, %masked_sort3A_356 = tpu.sort %select_n3A_351, %select_n3A_352 masked %masked_sort3A_353 : (vector<16xf32>, vector<16xi32>, vector<16xi1>) -> (vector<16xi1>, vector<16xf32>, vector<16xi32>)
        %mul3A_357 = arith.constant 64 : i32
        %mul3A_358 = arith.muli %scan3A_318, %mul3A_357 : i32
        %add3A_359 = arith.constant 32 : i32
        %add3A_360 = arith.addi %mul3A_358, %add3A_359 : i32
        %get3A_361 = arith.index_cast %add3A_360 : i32 to index
        %get3A_362 = tpu.vector_load %arg5[%get3A_361] {strides = array<i32>} : memref<2048xf32, #tpu.memory_space<vmem>>, vector<16xf32>,
        %add3A_363 = vector.broadcast %add3A_360 : i32 to vector<16xi32>
        %add3A_364 = arith.addi %iota3A, %add3A_363 : vector<16xi32>
        %masked_sort3A_365 = arith.constant dense<true> : vector<16xi1>
        %masked_sort3A_366, %masked_sort3A_367, %masked_sort3A_368 = tpu.sort %get3A_362, %add3A_364 masked %masked_sort3A_365 {descending = true} : (vector<16xf32>, vector<16xi32>, vector<16xi1>) -> (vector<16xi1>, vector<16xf32>, vector<16xi32>)
        %lt3A_369 = arith.cmpf olt, %masked_sort3A_367, %masked_sort3A_296 : vector<16xf32>
        %select_n3A_370 = arith.select %lt3A_369, %masked_sort3A_367, %masked_sort3A_296 : vector<16xi1>, vector<16xf32>
        %select_n3A_371 = arith.select %lt3A_369, %masked_sort3A_368, %masked_sort3A_297 : vector<16xi1>, vector<16xi32>
        %masked_sort3A_372 = arith.constant dense<true> : vector<16xi1>
        %masked_sort3A_373, %masked_sort3A_374, %masked_sort3A_375 = tpu.sort %select_n3A_370, %select_n3A_371 masked %masked_sort3A_372 : (vector<16xf32>, vector<16xi32>, vector<16xi1>) -> (vector<16xi1>, vector<16xf32>, vector<16xi32>)
        %mul3A_376 = arith.constant 64 : i32
        %mul3A_377 = arith.muli %scan3A_318, %mul3A_376 : i32
        %add3A_378 = arith.constant 48 : i32
        %add3A_379 = arith.addi %mul3A_377, %add3A_378 : i32
        %get3A_380 = arith.index_cast %add3A_379 : i32 to index
        %get3A_381 = tpu.vector_load %arg5[%get3A_380] {strides = array<i32>} : memref<2048xf32, #tpu.memory_space<vmem>>, vector<16xf32>,
        %add3A_382 = vector.broadcast %add3A_379 : i32 to vector<16xi32>
        %add3A_383 = arith.addi %iota3A, %add3A_382 : vector<16xi32>
        %masked_sort3A_384 = arith.constant dense<true> : vector<16xi1>
        %masked_sort3A_385, %masked_sort3A_386, %masked_sort3A_387 = tpu.sort %get3A_381, %add3A_383 masked %masked_sort3A_384 {descending = true} : (vector<16xf32>, vector<16xi32>, vector<16xi1>) -> (vector<16xi1>, vector<16xf32>, vector<16xi32>)
        %lt3A_388 = arith.cmpf olt, %masked_sort3A_386, %masked_sort3A_315 : vector<16xf32>
        %select_n3A_389 = arith.select %lt3A_388, %masked_sort3A_386, %masked_sort3A_315 : vector<16xi1>, vector<16xf32>
        %select_n3A_390 = arith.select %lt3A_388, %masked_sort3A_387, %masked_sort3A_316 : vector<16xi1>, vector<16xi32>
        %masked_sort3A_391 = arith.constant dense<true> : vector<16xi1>
        %masked_sort3A_392, %masked_sort3A_393, %masked_sort3A_394 = tpu.sort %select_n3A_389, %select_n3A_390 masked %masked_sort3A_391 : (vector<16xf32>, vector<16xi32>, vector<16xi1>) -> (vector<16xi1>, vector<16xf32>, vector<16xi32>)
        %scan3A_395 = arith.constant 3 : i32
        %scan3A_396 = arith.addi %scan3A_155, %scan3A_395 : i32
        %mul3A_397 = arith.constant 64 : i32
        %mul3A_398 = arith.muli %scan3A_396, %mul3A_397 : i32
        %add3A_399 = arith.constant 0 : i32
        %add3A_400 = arith.addi %mul3A_398, %add3A_399 : i32
        %get3A_401 = arith.index_cast %add3A_400 : i32 to index
        %get3A_402 = tpu.vector_load %arg5[%get3A_401] {strides = array<i32>} : memref<2048xf32, #tpu.memory_space<vmem>>, vector<16xf32>,
        %add3A_403 = vector.broadcast %add3A_400 : i32 to vector<16xi32>
        %add3A_404 = arith.addi %iota3A, %add3A_403 : vector<16xi32>
        %masked_sort3A_405 = arith.constant dense<true> : vector<16xi1>
        %masked_sort3A_406, %masked_sort3A_407, %masked_sort3A_408 = tpu.sort %get3A_402, %add3A_404 masked %masked_sort3A_405 {descending = true} : (vector<16xf32>, vector<16xi32>, vector<16xi1>) -> (vector<16xi1>, vector<16xf32>, vector<16xi32>)
        %lt3A_409 = arith.cmpf olt, %masked_sort3A_407, %masked_sort3A_336 : vector<16xf32>
        %select_n3A_410 = arith.select %lt3A_409, %masked_sort3A_407, %masked_sort3A_336 : vector<16xi1>, vector<16xf32>
        %select_n3A_411 = arith.select %lt3A_409, %masked_sort3A_408, %masked_sort3A_337 : vector<16xi1>, vector<16xi32>
        %masked_sort3A_412 = arith.constant dense<true> : vector<16xi1>
        %masked_sort3A_413, %masked_sort3A_414, %masked_sort3A_415 = tpu.sort %select_n3A_410, %select_n3A_411 masked %masked_sort3A_412 : (vector<16xf32>, vector<16xi32>, vector<16xi1>) -> (vector<16xi1>, vector<16xf32>, vector<16xi32>)
        %mul3A_416 = arith.constant 64 : i32
        %mul3A_417 = arith.muli %scan3A_396, %mul3A_416 : i32
        %add3A_418 = arith.constant 16 : i32
        %add3A_419 = arith.addi %mul3A_417, %add3A_418 : i32
        %get3A_420 = arith.index_cast %add3A_419 : i32 to index
        %get3A_421 = tpu.vector_load %arg5[%get3A_420] {strides = array<i32>} : memref<2048xf32, #tpu.memory_space<vmem>>, vector<16xf32>,
        %add3A_422 = vector.broadcast %add3A_419 : i32 to vector<16xi32>
        %add3A_423 = arith.addi %iota3A, %add3A_422 : vector<16xi32>
        %masked_sort3A_424 = arith.constant dense<true> : vector<16xi1>
        %masked_sort3A_425, %masked_sort3A_426, %masked_sort3A_427 = tpu.sort %get3A_421, %add3A_423 masked %masked_sort3A_424 {descending = true} : (vector<16xf32>, vector<16xi32>, vector<16xi1>) -> (vector<16xi1>, vector<16xf32>, vector<16xi32>)
        %lt3A_428 = arith.cmpf olt, %masked_sort3A_426, %masked_sort3A_355 : vector<16xf32>
        %select_n3A_429 = arith.select %lt3A_428, %masked_sort3A_426, %masked_sort3A_355 : vector<16xi1>, vector<16xf32>
        %select_n3A_430 = arith.select %lt3A_428, %masked_sort3A_427, %masked_sort3A_356 : vector<16xi1>, vector<16xi32>
        %masked_sort3A_431 = arith.constant dense<true> : vector<16xi1>
        %masked_sort3A_432, %masked_sort3A_433, %masked_sort3A_434 = tpu.sort %select_n3A_429, %select_n3A_430 masked %masked_sort3A_431 : (vector<16xf32>, vector<16xi32>, vector<16xi1>) -> (vector<16xi1>, vector<16xf32>, vector<16xi32>)
        %mul3A_435 = arith.constant 64 : i32
        %mul3A_436 = arith.muli %scan3A_396, %mul3A_435 : i32
        %add3A_437 = arith.constant 32 : i32
        %add3A_438 = arith.addi %mul3A_436, %add3A_437 : i32
        %get3A_439 = arith.index_cast %add3A_438 : i32 to index
        %get3A_440 = tpu.vector_load %arg5[%get3A_439] {strides = array<i32>} : memref<2048xf32, #tpu.memory_space<vmem>>, vector<16xf32>,
        %add3A_441 = vector.broadcast %add3A_438 : i32 to vector<16xi32>
        %add3A_442 = arith.addi %iota3A, %add3A_441 : vector<16xi32>
        %masked_sort3A_443 = arith.constant dense<true> : vector<16xi1>
        %masked_sort3A_444, %masked_sort3A_445, %masked_sort3A_446 = tpu.sort %get3A_440, %add3A_442 masked %masked_sort3A_443 {descending = true} : (vector<16xf32>, vector<16xi32>, vector<16xi1>) -> (vector<16xi1>, vector<16xf32>, vector<16xi32>)
        %lt3A_447 = arith.cmpf olt, %masked_sort3A_445, %masked_sort3A_374 : vector<16xf32>
        %select_n3A_448 = arith.select %lt3A_447, %masked_sort3A_445, %masked_sort3A_374 : vector<16xi1>, vector<16xf32>
        %select_n3A_449 = arith.select %lt3A_447, %masked_sort3A_446, %masked_sort3A_375 : vector<16xi1>, vector<16xi32>
        %masked_sort3A_450 = arith.constant dense<true> : vector<16xi1>
        %masked_sort3A_451, %masked_sort3A_452, %masked_sort3A_453 = tpu.sort %select_n3A_448, %select_n3A_449 masked %masked_sort3A_450 : (vector<16xf32>, vector<16xi32>, vector<16xi1>) -> (vector<16xi1>, vector<16xf32>, vector<16xi32>)
        %mul3A_454 = arith.constant 64 : i32
        %mul3A_455 = arith.muli %scan3A_396, %mul3A_454 : i32
        %add3A_456 = arith.constant 48 : i32
        %add3A_457 = arith.addi %mul3A_455, %add3A_456 : i32
        %get3A_458 = arith.index_cast %add3A_457 : i32 to index
        %get3A_459 = tpu.vector_load %arg5[%get3A_458] {strides = array<i32>} : memref<2048xf32, #tpu.memory_space<vmem>>, vector<16xf32>,
        %add3A_460 = vector.broadcast %add3A_457 : i32 to vector<16xi32>
        %add3A_461 = arith.addi %iota3A, %add3A_460 : vector<16xi32>
        %masked_sort3A_462 = arith.constant dense<true> : vector<16xi1>
        %masked_sort3A_463, %masked_sort3A_464, %masked_sort3A_465 = tpu.sort %get3A_459, %add3A_461 masked %masked_sort3A_462 {descending = true} : (vector<16xf32>, vector<16xi32>, vector<16xi1>) -> (vector<16xi1>, vector<16xf32>, vector<16xi32>)
        %lt3A_466 = arith.cmpf olt, %masked_sort3A_464, %masked_sort3A_393 : vector<16xf32>
        %select_n3A_467 = arith.select %lt3A_466, %masked_sort3A_464, %masked_sort3A_393 : vector<16xi1>, vector<16xf32>
        %select_n3A_468 = arith.select %lt3A_466, %masked_sort3A_465, %masked_sort3A_394 : vector<16xi1>, vector<16xi32>
        %masked_sort3A_469 = arith.constant dense<true> : vector<16xi1>
        %masked_sort3A_470, %masked_sort3A_471, %masked_sort3A_472 = tpu.sort %select_n3A_467, %select_n3A_468 masked %masked_sort3A_469 : (vector<16xf32>, vector<16xi32>, vector<16xi1>) -> (vector<16xi1>, vector<16xf32>, vector<16xi32>)
        %scan3A_473 = arith.constant 4 : i32
        %scan3A_474 = arith.addi %scan3A_155, %scan3A_473 : i32
        %mul3A_475 = arith.constant 64 : i32
        %mul3A_476 = arith.muli %scan3A_474, %mul3A_475 : i32
        %add3A_477 = arith.constant 0 : i32
        %add3A_478 = arith.addi %mul3A_476, %add3A_477 : i32
        %get3A_479 = arith.index_cast %add3A_478 : i32 to index
        %get3A_480 = tpu.vector_load %arg5[%get3A_479] {strides = array<i32>} : memref<2048xf32, #tpu.memory_space<vmem>>, vector<16xf32>,
        %add3A_481 = vector.broadcast %add3A_478 : i32 to vector<16xi32>
        %add3A_482 = arith.addi %iota3A, %add3A_481 : vector<16xi32>
        %masked_sort3A_483 = arith.constant dense<true> : vector<16xi1>
        %masked_sort3A_484, %masked_sort3A_485, %masked_sort3A_486 = tpu.sort %get3A_480, %add3A_482 masked %masked_sort3A_483 {descending = true} : (vector<16xf32>, vector<16xi32>, vector<16xi1>) -> (vector<16xi1>, vector<16xf32>, vector<16xi32>)
        %lt3A_487 = arith.cmpf olt, %masked_sort3A_485, %masked_sort3A_414 : vector<16xf32>
        %select_n3A_488 = arith.select %lt3A_487, %masked_sort3A_485, %masked_sort3A_414 : vector<16xi1>, vector<16xf32>
        %select_n3A_489 = arith.select %lt3A_487, %masked_sort3A_486, %masked_sort3A_415 : vector<16xi1>, vector<16xi32>
        %masked_sort3A_490 = arith.constant dense<true> : vector<16xi1>
        %masked_sort3A_491, %masked_sort3A_492, %masked_sort3A_493 = tpu.sort %select_n3A_488, %select_n3A_489 masked %masked_sort3A_490 : (vector<16xf32>, vector<16xi32>, vector<16xi1>) -> (vector<16xi1>, vector<16xf32>, vector<16xi32>)
        %mul3A_494 = arith.constant 64 : i32
        %mul3A_495 = arith.muli %scan3A_474, %mul3A_494 : i32
        %add3A_496 = arith.constant 16 : i32
        %add3A_497 = arith.addi %mul3A_495, %add3A_496 : i32
        %get3A_498 = arith.index_cast %add3A_497 : i32 to index
        %get3A_499 = tpu.vector_load %arg5[%get3A_498] {strides = array<i32>} : memref<2048xf32, #tpu.memory_space<vmem>>, vector<16xf32>,
        %add3A_500 = vector.broadcast %add3A_497 : i32 to vector<16xi32>
        %add3A_501 = arith.addi %iota3A, %add3A_500 : vector<16xi32>
        %masked_sort3A_502 = arith.constant dense<true> : vector<16xi1>
        %masked_sort3A_503, %masked_sort3A_504, %masked_sort3A_505 = tpu.sort %get3A_499, %add3A_501 masked %masked_sort3A_502 {descending = true} : (vector<16xf32>, vector<16xi32>, vector<16xi1>) -> (vector<16xi1>, vector<16xf32>, vector<16xi32>)
        %lt3A_506 = arith.cmpf olt, %masked_sort3A_504, %masked_sort3A_433 : vector<16xf32>
        %select_n3A_507 = arith.select %lt3A_506, %masked_sort3A_504, %masked_sort3A_433 : vector<16xi1>, vector<16xf32>
        %select_n3A_508 = arith.select %lt3A_506, %masked_sort3A_505, %masked_sort3A_434 : vector<16xi1>, vector<16xi32>
        %masked_sort3A_509 = arith.constant dense<true> : vector<16xi1>
        %masked_sort3A_510, %masked_sort3A_511, %masked_sort3A_512 = tpu.sort %select_n3A_507, %select_n3A_508 masked %masked_sort3A_509 : (vector<16xf32>, vector<16xi32>, vector<16xi1>) -> (vector<16xi1>, vector<16xf32>, vector<16xi32>)
        %mul3A_513 = arith.constant 64 : i32
        %mul3A_514 = arith.muli %scan3A_474, %mul3A_513 : i32
        %add3A_515 = arith.constant 32 : i32
        %add3A_516 = arith.addi %mul3A_514, %add3A_515 : i32
        %get3A_517 = arith.index_cast %add3A_516 : i32 to index
        %get3A_518 = tpu.vector_load %arg5[%get3A_517] {strides = array<i32>} : memref<2048xf32, #tpu.memory_space<vmem>>, vector<16xf32>,
        %add3A_519 = vector.broadcast %add3A_516 : i32 to vector<16xi32>
        %add3A_520 = arith.addi %iota3A, %add3A_519 : vector<16xi32>
        %masked_sort3A_521 = arith.constant dense<true> : vector<16xi1>
        %masked_sort3A_522, %masked_sort3A_523, %masked_sort3A_524 = tpu.sort %get3A_518, %add3A_520 masked %masked_sort3A_521 {descending = true} : (vector<16xf32>, vector<16xi32>, vector<16xi1>) -> (vector<16xi1>, vector<16xf32>, vector<16xi32>)
        %lt3A_525 = arith.cmpf olt, %masked_sort3A_523, %masked_sort3A_452 : vector<16xf32>
        %select_n3A_526 = arith.select %lt3A_525, %masked_sort3A_523, %masked_sort3A_452 : vector<16xi1>, vector<16xf32>
        %select_n3A_527 = arith.select %lt3A_525, %masked_sort3A_524, %masked_sort3A_453 : vector<16xi1>, vector<16xi32>
        %masked_sort3A_528 = arith.constant dense<true> : vector<16xi1>
        %masked_sort3A_529, %masked_sort3A_530, %masked_sort3A_531 = tpu.sort %select_n3A_526, %select_n3A_527 masked %masked_sort3A_528 : (vector<16xf32>, vector<16xi32>, vector<16xi1>) -> (vector<16xi1>, vector<16xf32>, vector<16xi32>)
        %mul3A_532 = arith.constant 64 : i32
        %mul3A_533 = arith.muli %scan3A_474, %mul3A_532 : i32
        %add3A_534 = arith.constant 48 : i32
        %add3A_535 = arith.addi %mul3A_533, %add3A_534 : i32
        %get3A_536 = arith.index_cast %add3A_535 : i32 to index
        %get3A_537 = tpu.vector_load %arg5[%get3A_536] {strides = array<i32>} : memref<2048xf32, #tpu.memory_space<vmem>>, vector<16xf32>,
        %add3A_538 = vector.broadcast %add3A_535 : i32 to vector<16xi32>
        %add3A_539 = arith.addi %iota3A, %add3A_538 : vector<16xi32>
        %masked_sort3A_540 = arith.constant dense<true> : vector<16xi1>
        %masked_sort3A_541, %masked_sort3A_542, %masked_sort3A_543 = tpu.sort %get3A_537, %add3A_539 masked %masked_sort3A_540 {descending = true} : (vector<16xf32>, vector<16xi32>, vector<16xi1>) -> (vector<16xi1>, vector<16xf32>, vector<16xi32>)
        %lt3A_544 = arith.cmpf olt, %masked_sort3A_542, %masked_sort3A_471 : vector<16xf32>
        %select_n3A_545 = arith.select %lt3A_544, %masked_sort3A_542, %masked_sort3A_471 : vector<16xi1>, vector<16xf32>
        %select_n3A_546 = arith.select %lt3A_544, %masked_sort3A_543, %masked_sort3A_472 : vector<16xi1>, vector<16xi32>
        %masked_sort3A_547 = arith.constant dense<true> : vector<16xi1>
        %masked_sort3A_548, %masked_sort3A_549, %masked_sort3A_550 = tpu.sort %select_n3A_545, %select_n3A_546 masked %masked_sort3A_547 : (vector<16xf32>, vector<16xi32>, vector<16xi1>) -> (vector<16xi1>, vector<16xf32>, vector<16xi32>)
        %scan3A_551 = arith.constant 5 : i32
        %scan3A_552 = arith.addi %scan3A_155, %scan3A_551 : i32
        %mul3A_553 = arith.constant 64 : i32
        %mul3A_554 = arith.muli %scan3A_552, %mul3A_553 : i32
        %add3A_555 = arith.constant 0 : i32
        %add3A_556 = arith.addi %mul3A_554, %add3A_555 : i32
        %get3A_557 = arith.index_cast %add3A_556 : i32 to index
        %get3A_558 = tpu.vector_load %arg5[%get3A_557] {strides = array<i32>} : memref<2048xf32, #tpu.memory_space<vmem>>, vector<16xf32>,
        %add3A_559 = vector.broadcast %add3A_556 : i32 to vector<16xi32>
        %add3A_560 = arith.addi %iota3A, %add3A_559 : vector<16xi32>
        %masked_sort3A_561 = arith.constant dense<true> : vector<16xi1>
        %masked_sort3A_562, %masked_sort3A_563, %masked_sort3A_564 = tpu.sort %get3A_558, %add3A_560 masked %masked_sort3A_561 {descending = true} : (vector<16xf32>, vector<16xi32>, vector<16xi1>) -> (vector<16xi1>, vector<16xf32>, vector<16xi32>)
        %lt3A_565 = arith.cmpf olt, %masked_sort3A_563, %masked_sort3A_492 : vector<16xf32>
        %select_n3A_566 = arith.select %lt3A_565, %masked_sort3A_563, %masked_sort3A_492 : vector<16xi1>, vector<16xf32>
        %select_n3A_567 = arith.select %lt3A_565, %masked_sort3A_564, %masked_sort3A_493 : vector<16xi1>, vector<16xi32>
        %masked_sort3A_568 = arith.constant dense<true> : vector<16xi1>
        %masked_sort3A_569, %masked_sort3A_570, %masked_sort3A_571 = tpu.sort %select_n3A_566, %select_n3A_567 masked %masked_sort3A_568 : (vector<16xf32>, vector<16xi32>, vector<16xi1>) -> (vector<16xi1>, vector<16xf32>, vector<16xi32>)
        %mul3A_572 = arith.constant 64 : i32
        %mul3A_573 = arith.muli %scan3A_552, %mul3A_572 : i32
        %add3A_574 = arith.constant 16 : i32
        %add3A_575 = arith.addi %mul3A_573, %add3A_574 : i32
        %get3A_576 = arith.index_cast %add3A_575 : i32 to index
        %get3A_577 = tpu.vector_load %arg5[%get3A_576] {strides = array<i32>} : memref<2048xf32, #tpu.memory_space<vmem>>, vector<16xf32>,
        %add3A_578 = vector.broadcast %add3A_575 : i32 to vector<16xi32>
        %add3A_579 = arith.addi %iota3A, %add3A_578 : vector<16xi32>
        %masked_sort3A_580 = arith.constant dense<true> : vector<16xi1>
        %masked_sort3A_581, %masked_sort3A_582, %masked_sort3A_583 = tpu.sort %get3A_577, %add3A_579 masked %masked_sort3A_580 {descending = true} : (vector<16xf32>, vector<16xi32>, vector<16xi1>) -> (vector<16xi1>, vector<16xf32>, vector<16xi32>)
        %lt3A_584 = arith.cmpf olt, %masked_sort3A_582, %masked_sort3A_511 : vector<16xf32>
        %select_n3A_585 = arith.select %lt3A_584, %masked_sort3A_582, %masked_sort3A_511 : vector<16xi1>, vector<16xf32>
        %select_n3A_586 = arith.select %lt3A_584, %masked_sort3A_583, %masked_sort3A_512 : vector<16xi1>, vector<16xi32>
        %masked_sort3A_587 = arith.constant dense<true> : vector<16xi1>
        %masked_sort3A_588, %masked_sort3A_589, %masked_sort3A_590 = tpu.sort %select_n3A_585, %select_n3A_586 masked %masked_sort3A_587 : (vector<16xf32>, vector<16xi32>, vector<16xi1>) -> (vector<16xi1>, vector<16xf32>, vector<16xi32>)
        %mul3A_591 = arith.constant 64 : i32
        %mul3A_592 = arith.muli %scan3A_552, %mul3A_591 : i32
        %add3A_593 = arith.constant 32 : i32
        %add3A_594 = arith.addi %mul3A_592, %add3A_593 : i32
        %get3A_595 = arith.index_cast %add3A_594 : i32 to index
        %get3A_596 = tpu.vector_load %arg5[%get3A_595] {strides = array<i32>} : memref<2048xf32, #tpu.memory_space<vmem>>, vector<16xf32>,
        %add3A_597 = vector.broadcast %add3A_594 : i32 to vector<16xi32>
        %add3A_598 = arith.addi %iota3A, %add3A_597 : vector<16xi32>
        %masked_sort3A_599 = arith.constant dense<true> : vector<16xi1>
        %masked_sort3A_600, %masked_sort3A_601, %masked_sort3A_602 = tpu.sort %get3A_596, %add3A_598 masked %masked_sort3A_599 {descending = true} : (vector<16xf32>, vector<16xi32>, vector<16xi1>) -> (vector<16xi1>, vector<16xf32>, vector<16xi32>)
        %lt3A_603 = arith.cmpf olt, %masked_sort3A_601, %masked_sort3A_530 : vector<16xf32>
        %select_n3A_604 = arith.select %lt3A_603, %masked_sort3A_601, %masked_sort3A_530 : vector<16xi1>, vector<16xf32>
        %select_n3A_605 = arith.select %lt3A_603, %masked_sort3A_602, %masked_sort3A_531 : vector<16xi1>, vector<16xi32>
        %masked_sort3A_606 = arith.constant dense<true> : vector<16xi1>
        %masked_sort3A_607, %masked_sort3A_608, %masked_sort3A_609 = tpu.sort %select_n3A_604, %select_n3A_605 masked %masked_sort3A_606 : (vector<16xf32>, vector<16xi32>, vector<16xi1>) -> (vector<16xi1>, vector<16xf32>, vector<16xi32>)
        %mul3A_610 = arith.constant 64 : i32
        %mul3A_611 = arith.muli %scan3A_552, %mul3A_610 : i32
        %add3A_612 = arith.constant 48 : i32
        %add3A_613 = arith.addi %mul3A_611, %add3A_612 : i32
        %get3A_614 = arith.index_cast %add3A_613 : i32 to index
        %get3A_615 = tpu.vector_load %arg5[%get3A_614] {strides = array<i32>} : memref<2048xf32, #tpu.memory_space<vmem>>, vector<16xf32>,
        %add3A_616 = vector.broadcast %add3A_613 : i32 to vector<16xi32>
        %add3A_617 = arith.addi %iota3A, %add3A_616 : vector<16xi32>
        %masked_sort3A_618 = arith.constant dense<true> : vector<16xi1>
        %masked_sort3A_619, %masked_sort3A_620, %masked_sort3A_621 = tpu.sort %get3A_615, %add3A_617 masked %masked_sort3A_618 {descending = true} : (vector<16xf32>, vector<16xi32>, vector<16xi1>) -> (vector<16xi1>, vector<16xf32>, vector<16xi32>)
        %lt3A_622 = arith.cmpf olt, %masked_sort3A_620, %masked_sort3A_549 : vector<16xf32>
        %select_n3A_623 = arith.select %lt3A_622, %masked_sort3A_620, %masked_sort3A_549 : vector<16xi1>, vector<16xf32>
        %select_n3A_624 = arith.select %lt3A_622, %masked_sort3A_621, %masked_sort3A_550 : vector<16xi1>, vector<16xi32>
        %masked_sort3A_625 = arith.constant dense<true> : vector<16xi1>
        %masked_sort3A_626, %masked_sort3A_627, %masked_sort3A_628 = tpu.sort %select_n3A_623, %select_n3A_624 masked %masked_sort3A_625 : (vector<16xf32>, vector<16xi32>, vector<16xi1>) -> (vector<16xi1>, vector<16xf32>, vector<16xi32>)
        %scan3A_629 = arith.constant 6 : i32
        %scan3A_630 = arith.addi %scan3A_155, %scan3A_629 : i32
        %mul3A_631 = arith.constant 64 : i32
        %mul3A_632 = arith.muli %scan3A_630, %mul3A_631 : i32
        %add3A_633 = arith.constant 0 : i32
        %add3A_634 = arith.addi %mul3A_632, %add3A_633 : i32
        %get3A_635 = arith.index_cast %add3A_634 : i32 to index
        %get3A_636 = tpu.vector_load %arg5[%get3A_635] {strides = array<i32>} : memref<2048xf32, #tpu.memory_space<vmem>>, vector<16xf32>,
        %add3A_637 = vector.broadcast %add3A_634 : i32 to vector<16xi32>
        %add3A_638 = arith.addi %iota3A, %add3A_637 : vector<16xi32>
        %masked_sort3A_639 = arith.constant dense<true> : vector<16xi1>
        %masked_sort3A_640, %masked_sort3A_641, %masked_sort3A_642 = tpu.sort %get3A_636, %add3A_638 masked %masked_sort3A_639 {descending = true} : (vector<16xf32>, vector<16xi32>, vector<16xi1>) -> (vector<16xi1>, vector<16xf32>, vector<16xi32>)
        %lt3A_643 = arith.cmpf olt, %masked_sort3A_641, %masked_sort3A_570 : vector<16xf32>
        %select_n3A_644 = arith.select %lt3A_643, %masked_sort3A_641, %masked_sort3A_570 : vector<16xi1>, vector<16xf32>
        %select_n3A_645 = arith.select %lt3A_643, %masked_sort3A_642, %masked_sort3A_571 : vector<16xi1>, vector<16xi32>
        %masked_sort3A_646 = arith.constant dense<true> : vector<16xi1>
        %masked_sort3A_647, %masked_sort3A_648, %masked_sort3A_649 = tpu.sort %select_n3A_644, %select_n3A_645 masked %masked_sort3A_646 : (vector<16xf32>, vector<16xi32>, vector<16xi1>) -> (vector<16xi1>, vector<16xf32>, vector<16xi32>)
        %mul3A_650 = arith.constant 64 : i32
        %mul3A_651 = arith.muli %scan3A_630, %mul3A_650 : i32
        %add3A_652 = arith.constant 16 : i32
        %add3A_653 = arith.addi %mul3A_651, %add3A_652 : i32
        %get3A_654 = arith.index_cast %add3A_653 : i32 to index
        %get3A_655 = tpu.vector_load %arg5[%get3A_654] {strides = array<i32>} : memref<2048xf32, #tpu.memory_space<vmem>>, vector<16xf32>,
        %add3A_656 = vector.broadcast %add3A_653 : i32 to vector<16xi32>
        %add3A_657 = arith.addi %iota3A, %add3A_656 : vector<16xi32>
        %masked_sort3A_658 = arith.constant dense<true> : vector<16xi1>
        %masked_sort3A_659, %masked_sort3A_660, %masked_sort3A_661 = tpu.sort %get3A_655, %add3A_657 masked %masked_sort3A_658 {descending = true} : (vector<16xf32>, vector<16xi32>, vector<16xi1>) -> (vector<16xi1>, vector<16xf32>, vector<16xi32>)
        %lt3A_662 = arith.cmpf olt, %masked_sort3A_660, %masked_sort3A_589 : vector<16xf32>
        %select_n3A_663 = arith.select %lt3A_662, %masked_sort3A_660, %masked_sort3A_589 : vector<16xi1>, vector<16xf32>
        %select_n3A_664 = arith.select %lt3A_662, %masked_sort3A_661, %masked_sort3A_590 : vector<16xi1>, vector<16xi32>
        %masked_sort3A_665 = arith.constant dense<true> : vector<16xi1>
        %masked_sort3A_666, %masked_sort3A_667, %masked_sort3A_668 = tpu.sort %select_n3A_663, %select_n3A_664 masked %masked_sort3A_665 : (vector<16xf32>, vector<16xi32>, vector<16xi1>) -> (vector<16xi1>, vector<16xf32>, vector<16xi32>)
        %mul3A_669 = arith.constant 64 : i32
        %mul3A_670 = arith.muli %scan3A_630, %mul3A_669 : i32
        %add3A_671 = arith.constant 32 : i32
        %add3A_672 = arith.addi %mul3A_670, %add3A_671 : i32
        %get3A_673 = arith.index_cast %add3A_672 : i32 to index
        %get3A_674 = tpu.vector_load %arg5[%get3A_673] {strides = array<i32>} : memref<2048xf32, #tpu.memory_space<vmem>>, vector<16xf32>,
        %add3A_675 = vector.broadcast %add3A_672 : i32 to vector<16xi32>
        %add3A_676 = arith.addi %iota3A, %add3A_675 : vector<16xi32>
        %masked_sort3A_677 = arith.constant dense<true> : vector<16xi1>
        %masked_sort3A_678, %masked_sort3A_679, %masked_sort3A_680 = tpu.sort %get3A_674, %add3A_676 masked %masked_sort3A_677 {descending = true} : (vector<16xf32>, vector<16xi32>, vector<16xi1>) -> (vector<16xi1>, vector<16xf32>, vector<16xi32>)
        %lt3A_681 = arith.cmpf olt, %masked_sort3A_679, %masked_sort3A_608 : vector<16xf32>
        %select_n3A_682 = arith.select %lt3A_681, %masked_sort3A_679, %masked_sort3A_608 : vector<16xi1>, vector<16xf32>
        %select_n3A_683 = arith.select %lt3A_681, %masked_sort3A_680, %masked_sort3A_609 : vector<16xi1>, vector<16xi32>
        %masked_sort3A_684 = arith.constant dense<true> : vector<16xi1>
        %masked_sort3A_685, %masked_sort3A_686, %masked_sort3A_687 = tpu.sort %select_n3A_682, %select_n3A_683 masked %masked_sort3A_684 : (vector<16xf32>, vector<16xi32>, vector<16xi1>) -> (vector<16xi1>, vector<16xf32>, vector<16xi32>)
        %mul3A_688 = arith.constant 64 : i32
        %mul3A_689 = arith.muli %scan3A_630, %mul3A_688 : i32
        %add3A_690 = arith.constant 48 : i32
        %add3A_691 = arith.addi %mul3A_689, %add3A_690 : i32
        %get3A_692 = arith.index_cast %add3A_691 : i32 to index
        %get3A_693 = tpu.vector_load %arg5[%get3A_692] {strides = array<i32>} : memref<2048xf32, #tpu.memory_space<vmem>>, vector<16xf32>,
        %add3A_694 = vector.broadcast %add3A_691 : i32 to vector<16xi32>
        %add3A_695 = arith.addi %iota3A, %add3A_694 : vector<16xi32>
        %masked_sort3A_696 = arith.constant dense<true> : vector<16xi1>
        %masked_sort3A_697, %masked_sort3A_698, %masked_sort3A_699 = tpu.sort %get3A_693, %add3A_695 masked %masked_sort3A_696 {descending = true} : (vector<16xf32>, vector<16xi32>, vector<16xi1>) -> (vector<16xi1>, vector<16xf32>, vector<16xi32>)
        %lt3A_700 = arith.cmpf olt, %masked_sort3A_698, %masked_sort3A_627 : vector<16xf32>
        %select_n3A_701 = arith.select %lt3A_700, %masked_sort3A_698, %masked_sort3A_627 : vector<16xi1>, vector<16xf32>
        %select_n3A_702 = arith.select %lt3A_700, %masked_sort3A_699, %masked_sort3A_628 : vector<16xi1>, vector<16xi32>
        %masked_sort3A_703 = arith.constant dense<true> : vector<16xi1>
        %masked_sort3A_704, %masked_sort3A_705, %masked_sort3A_706 = tpu.sort %select_n3A_701, %select_n3A_702 masked %masked_sort3A_703 : (vector<16xf32>, vector<16xi32>, vector<16xi1>) -> (vector<16xi1>, vector<16xf32>, vector<16xi32>)
        %scan3A_707 = arith.constant 7 : i32
        %scan3A_708 = arith.addi %scan3A_155, %scan3A_707 : i32
        %mul3A_709 = arith.constant 64 : i32
        %mul3A_710 = arith.muli %scan3A_708, %mul3A_709 : i32
        %add3A_711 = arith.constant 0 : i32
        %add3A_712 = arith.addi %mul3A_710, %add3A_711 : i32
        %get3A_713 = arith.index_cast %add3A_712 : i32 to index
        %get3A_714 = tpu.vector_load %arg5[%get3A_713] {strides = array<i32>} : memref<2048xf32, #tpu.memory_space<vmem>>, vector<16xf32>,
        %add3A_715 = vector.broadcast %add3A_712 : i32 to vector<16xi32>
        %add3A_716 = arith.addi %iota3A, %add3A_715 : vector<16xi32>
        %masked_sort3A_717 = arith.constant dense<true> : vector<16xi1>
        %masked_sort3A_718, %masked_sort3A_719, %masked_sort3A_720 = tpu.sort %get3A_714, %add3A_716 masked %masked_sort3A_717 {descending = true} : (vector<16xf32>, vector<16xi32>, vector<16xi1>) -> (vector<16xi1>, vector<16xf32>, vector<16xi32>)
        %lt3A_721 = arith.cmpf olt, %masked_sort3A_719, %masked_sort3A_648 : vector<16xf32>
        %select_n3A_722 = arith.select %lt3A_721, %masked_sort3A_719, %masked_sort3A_648 : vector<16xi1>, vector<16xf32>
        %select_n3A_723 = arith.select %lt3A_721, %masked_sort3A_720, %masked_sort3A_649 : vector<16xi1>, vector<16xi32>
        %masked_sort3A_724 = arith.constant dense<true> : vector<16xi1>
        %masked_sort3A_725, %masked_sort3A_726, %masked_sort3A_727 = tpu.sort %select_n3A_722, %select_n3A_723 masked %masked_sort3A_724 : (vector<16xf32>, vector<16xi32>, vector<16xi1>) -> (vector<16xi1>, vector<16xf32>, vector<16xi32>)
        %mul3A_728 = arith.constant 64 : i32
        %mul3A_729 = arith.muli %scan3A_708, %mul3A_728 : i32
        %add3A_730 = arith.constant 16 : i32
        %add3A_731 = arith.addi %mul3A_729, %add3A_730 : i32
        %get3A_732 = arith.index_cast %add3A_731 : i32 to index
        %get3A_733 = tpu.vector_load %arg5[%get3A_732] {strides = array<i32>} : memref<2048xf32, #tpu.memory_space<vmem>>, vector<16xf32>,
        %add3A_734 = vector.broadcast %add3A_731 : i32 to vector<16xi32>
        %add3A_735 = arith.addi %iota3A, %add3A_734 : vector<16xi32>
        %masked_sort3A_736 = arith.constant dense<true> : vector<16xi1>
        %masked_sort3A_737, %masked_sort3A_738, %masked_sort3A_739 = tpu.sort %get3A_733, %add3A_735 masked %masked_sort3A_736 {descending = true} : (vector<16xf32>, vector<16xi32>, vector<16xi1>) -> (vector<16xi1>, vector<16xf32>, vector<16xi32>)
        %lt3A_740 = arith.cmpf olt, %masked_sort3A_738, %masked_sort3A_667 : vector<16xf32>
        %select_n3A_741 = arith.select %lt3A_740, %masked_sort3A_738, %masked_sort3A_667 : vector<16xi1>, vector<16xf32>
        %select_n3A_742 = arith.select %lt3A_740, %masked_sort3A_739, %masked_sort3A_668 : vector<16xi1>, vector<16xi32>
        %masked_sort3A_743 = arith.constant dense<true> : vector<16xi1>
        %masked_sort3A_744, %masked_sort3A_745, %masked_sort3A_746 = tpu.sort %select_n3A_741, %select_n3A_742 masked %masked_sort3A_743 : (vector<16xf32>, vector<16xi32>, vector<16xi1>) -> (vector<16xi1>, vector<16xf32>, vector<16xi32>)
        %mul3A_747 = arith.constant 64 : i32
        %mul3A_748 = arith.muli %scan3A_708, %mul3A_747 : i32
        %add3A_749 = arith.constant 32 : i32
        %add3A_750 = arith.addi %mul3A_748, %add3A_749 : i32
        %get3A_751 = arith.index_cast %add3A_750 : i32 to index
        %get3A_752 = tpu.vector_load %arg5[%get3A_751] {strides = array<i32>} : memref<2048xf32, #tpu.memory_space<vmem>>, vector<16xf32>,
        %add3A_753 = vector.broadcast %add3A_750 : i32 to vector<16xi32>
        %add3A_754 = arith.addi %iota3A, %add3A_753 : vector<16xi32>
        %masked_sort3A_755 = arith.constant dense<true> : vector<16xi1>
        %masked_sort3A_756, %masked_sort3A_757, %masked_sort3A_758 = tpu.sort %get3A_752, %add3A_754 masked %masked_sort3A_755 {descending = true} : (vector<16xf32>, vector<16xi32>, vector<16xi1>) -> (vector<16xi1>, vector<16xf32>, vector<16xi32>)
        %lt3A_759 = arith.cmpf olt, %masked_sort3A_757, %masked_sort3A_686 : vector<16xf32>
        %select_n3A_760 = arith.select %lt3A_759, %masked_sort3A_757, %masked_sort3A_686 : vector<16xi1>, vector<16xf32>
        %select_n3A_761 = arith.select %lt3A_759, %masked_sort3A_758, %masked_sort3A_687 : vector<16xi1>, vector<16xi32>
        %masked_sort3A_762 = arith.constant dense<true> : vector<16xi1>
        %masked_sort3A_763, %masked_sort3A_764, %masked_sort3A_765 = tpu.sort %select_n3A_760, %select_n3A_761 masked %masked_sort3A_762 : (vector<16xf32>, vector<16xi32>, vector<16xi1>) -> (vector<16xi1>, vector<16xf32>, vector<16xi32>)
        %mul3A_766 = arith.constant 64 : i32
        %mul3A_767 = arith.muli %scan3A_708, %mul3A_766 : i32
        %add3A_768 = arith.constant 48 : i32
        %add3A_769 = arith.addi %mul3A_767, %add3A_768 : i32
        %get3A_770 = arith.index_cast %add3A_769 : i32 to index
        %get3A_771 = tpu.vector_load %arg5[%get3A_770] {strides = array<i32>} : memref<2048xf32, #tpu.memory_space<vmem>>, vector<16xf32>,
        %add3A_772 = vector.broadcast %add3A_769 : i32 to vector<16xi32>
        %add3A_773 = arith.addi %iota3A, %add3A_772 : vector<16xi32>
        %masked_sort3A_774 = arith.constant dense<true> : vector<16xi1>
        %masked_sort3A_775, %masked_sort3A_776, %masked_sort3A_777 = tpu.sort %get3A_771, %add3A_773 masked %masked_sort3A_774 {descending = true} : (vector<16xf32>, vector<16xi32>, vector<16xi1>) -> (vector<16xi1>, vector<16xf32>, vector<16xi32>)
        %lt3A_778 = arith.cmpf olt, %masked_sort3A_776, %masked_sort3A_705 : vector<16xf32>
        %select_n3A_779 = arith.select %lt3A_778, %masked_sort3A_776, %masked_sort3A_705 : vector<16xi1>, vector<16xf32>
        %select_n3A_780 = arith.select %lt3A_778, %masked_sort3A_777, %masked_sort3A_706 : vector<16xi1>, vector<16xi32>
        %masked_sort3A_781 = arith.constant dense<true> : vector<16xi1>
        %masked_sort3A_782, %masked_sort3A_783, %masked_sort3A_784 = tpu.sort %select_n3A_779, %select_n3A_780 masked %masked_sort3A_781 : (vector<16xf32>, vector<16xi32>, vector<16xi1>) -> (vector<16xi1>, vector<16xf32>, vector<16xi32>)
        scf.yield %masked_sort3A_726, %masked_sort3A_727, %masked_sort3A_745, %masked_sort3A_746, %masked_sort3A_764, %masked_sort3A_765, %masked_sort3A_783, %masked_sort3A_784 : vector<16xf32>, vector<16xi32>, vector<16xf32>, vector<16xi32>, vector<16xf32>, vector<16xi32>, vector<16xf32>, vector<16xi32>
      }
      %scan3A_108 = arith.constant 32 : i32
      %masked_sort3A_109 = arith.constant dense<true> : vector<16xi1>
      %masked_sort3A_110, %masked_sort3A_111, %masked_sort3A_112 = tpu.sort %scan3A_107#2, %scan3A_107#3 masked %masked_sort3A_109 {descending = true} : (vector<16xf32>, vector<16xi32>, vector<16xi1>) -> (vector<16xi1>, vector<16xf32>, vector<16xi32>)
      %lt3A_113 = arith.cmpf olt, %masked_sort3A_111, %scan3A_107#0 : vector<16xf32>
      %select_n3A_114 = arith.select %lt3A_113, %masked_sort3A_111, %scan3A_107#0 : vector<16xi1>, vector<16xf32>
      %select_n3A_115 = arith.select %lt3A_113, %masked_sort3A_112, %scan3A_107#1 : vector<16xi1>, vector<16xi32>
      %masked_sort3A_116 = arith.constant dense<true> : vector<16xi1>
      %masked_sort3A_117, %masked_sort3A_118, %masked_sort3A_119 = tpu.sort %select_n3A_114, %select_n3A_115 masked %masked_sort3A_116 : (vector<16xf32>, vector<16xi32>, vector<16xi1>) -> (vector<16xi1>, vector<16xf32>, vector<16xi32>)
      %masked_sort3A_120 = arith.constant dense<true> : vector<16xi1>
      %masked_sort3A_121, %masked_sort3A_122, %masked_sort3A_123 = tpu.sort %scan3A_107#6, %scan3A_107#7 masked %masked_sort3A_120 {descending = true} : (vector<16xf32>, vector<16xi32>, vector<16xi1>) -> (vector<16xi1>, vector<16xf32>, vector<16xi32>)
      %lt3A_124 = arith.cmpf olt, %masked_sort3A_122, %scan3A_107#4 : vector<16xf32>
      %select_n3A_125 = arith.select %lt3A_124, %masked_sort3A_122, %scan3A_107#4 : vector<16xi1>, vector<16xf32>
      %select_n3A_126 = arith.select %lt3A_124, %masked_sort3A_123, %scan3A_107#5 : vector<16xi1>, vector<16xi32>
      %masked_sort3A_127 = arith.constant dense<true> : vector<16xi1>
      %masked_sort3A_128, %masked_sort3A_129, %masked_sort3A_130 = tpu.sort %select_n3A_125, %select_n3A_126 masked %masked_sort3A_127 : (vector<16xf32>, vector<16xi32>, vector<16xi1>) -> (vector<16xi1>, vector<16xf32>, vector<16xi32>)
      %masked_sort3A_131 = arith.constant dense<true> : vector<16xi1>
      %masked_sort3A_132, %masked_sort3A_133, %masked_sort3A_134 = tpu.sort %masked_sort3A_129, %masked_sort3A_130 masked %masked_sort3A_131 {descending = true} : (vector<16xf32>, vector<16xi32>, vector<16xi1>) -> (vector<16xi1>, vector<16xf32>, vector<16xi32>)
      %lt3A_135 = arith.cmpf olt, %masked_sort3A_133, %masked_sort3A_118 : vector<16xf32>
      %select_n3A_136 = arith.select %lt3A_135, %masked_sort3A_133, %masked_sort3A_118 : vector<16xi1>, vector<16xf32>
      %select_n3A_137 = arith.select %lt3A_135, %masked_sort3A_134, %masked_sort3A_119 : vector<16xi1>, vector<16xi32>
      %masked_sort3A_138 = arith.constant dense<true> : vector<16xi1>
      %masked_sort3A_139, %masked_sort3A_140, %masked_sort3A_141 = tpu.sort %select_n3A_136, %select_n3A_137 masked %masked_sort3A_138 : (vector<16xf32>, vector<16xi32>, vector<16xi1>) -> (vector<16xi1>, vector<16xf32>, vector<16xi32>)
      %add3A_142 = vector.broadcast %mul3A_20 : i32 to vector<16xi32>
      %add3A_143 = arith.addi %masked_sort3A_141, %add3A_142 : vector<16xi32>
      %add3A_144 = arith.constant 1 : i32
      %add3A_145 = arith.addi %mul3A_46, %add3A_144 : i32
      %mul3A_146 = arith.constant 16 : i32
      %mul3A_147 = arith.muli %add3A_145, %mul3A_146 : i32
      %swap3A_148 = arith.index_cast %mul3A_147 : i32 to index
      %swap3A_149 = tpu.vector_load %arg6[%swap3A_148] {strides = array<i32>} : memref<2048xi32, #tpu.memory_space<vmem>>, vector<16xi32>,
      tpu.vector_store %arg6[%swap3A_148], %add3A_143 {strides = array<i32>} : memref<2048xi32, #tpu.memory_space<vmem>>, vector<16xi32>,
      %lt3A_150 = arith.constant 63 : i32
      %lt3A_151 = arith.cmpi slt, %scan3A_44, %lt3A_150 : i32
      %convert_element_type3A_152 = arith.extui %lt3A_151 : i1 to i32
      %cond3A_153 = arith.constant 0 : i32
      %cond3A_154 = arith.cmpi ne, %convert_element_type3A_152, %cond3A_153 : i32
      scf.if %cond3A_154 {
        %add3A_155 = arith.addi %mul3A_2, %mul3A_46 : i32
        %add3A_156 = arith.constant 3 : i32
        %add3A_157 = arith.addi %add3A_155, %add3A_156 : i32
        %dma_start3A_158 = arith.constant 0 : i32
        %dma_start3A_159 = tpu.memref_slice %arg2[%add3A_157, %dma_start3A_158] : memref<4096x2048xf32, #tpu.memory_space<hbm>> -> memref<1x2048xf32, #tpu.memory_space<hbm>>
        %dma_start3A_160 = tpu.memref_squeeze %dma_start3A_159 : memref<1x2048xf32, #tpu.memory_space<hbm>> -> memref<2048xf32, #tpu.memory_space<hbm>>
        %dma_start3A_161 = arith.constant 0 : i32
        %dma_start3A_162 = tpu.memref_slice %arg2[%add3A_157, %dma_start3A_161] : memref<4096x2048xf32, #tpu.memory_space<hbm>> -> memref<1x2048xf32, #tpu.memory_space<hbm>>
        %dma_start3A_163 = tpu.memref_squeeze %dma_start3A_162 : memref<1x2048xf32, #tpu.memory_space<hbm>> -> memref<2048xf32, #tpu.memory_space<hbm>>
        tpu.enqueue_dma source(%dma_start3A_163 : memref<2048xf32, #tpu.memory_space<hbm>>) target(%arg5 : memref<2048xf32, #tpu.memory_space<vmem>>) target_semaphore(%arg8 : memref<!tpu.dma_semaphore, #tpu.memory_space<semaphore_mem>>)
      } else {
      }
    }
    %scan3A_41 = arith.constant 64 : i32
    %mul3A_42 = arith.constant 16 : i32
    %mul3A_43 = arith.muli %mul3A_2, %mul3A_42 : i32
    "tpu.region"() ({
      %run_scoped3A = tpu.sem_alloc : memref<!tpu.dma_semaphore, #tpu.memory_space<semaphore_mem>>
      %dma_start3A_44 = tpu.memref_slice %arg3[%mul3A_43] : memref<65536xi32, #tpu.memory_space<hbm>> -> memref<2048xi32, #tpu.memory_space<hbm>>
      %dma_start3A_45 = tpu.memref_slice %arg3[%mul3A_43] : memref<65536xi32, #tpu.memory_space<hbm>> -> memref<2048xi32, #tpu.memory_space<hbm>>
      tpu.enqueue_dma source(%arg6 : memref<2048xi32, #tpu.memory_space<vmem>>) target(%dma_start3A_45 : memref<2048xi32, #tpu.memory_space<hbm>>) target_semaphore(%run_scoped3A : memref<!tpu.dma_semaphore, #tpu.memory_space<semaphore_mem>>)
      %dma_wait3A = tpu.memref_slice %arg3[%mul3A_43] : memref<65536xi32, #tpu.memory_space<hbm>> -> memref<2048xi32, #tpu.memory_space<hbm>>
      %dma_wait3A_46 = tpu.memref_slice %arg3[%mul3A_43] : memref<65536xi32, #tpu.memory_space<hbm>> -> memref<2048xi32, #tpu.memory_space<hbm>>
      tpu.wait_dma2 semaphore(%run_scoped3A : memref<!tpu.dma_semaphore, #tpu.memory_space<semaphore_mem>>) src(%arg6 : memref<2048xi32, #tpu.memory_space<vmem>>) dst(%dma_wait3A_46 : memref<2048xi32, #tpu.memory_space<hbm>>)
      tpu.yield
    }) : () -> ()
    return
  }
}

#map = affine_map<(d0, d1) -> (0, 0)>
#map1 = affine_map<(d0, d1) -> (0)>
module attributes {stable_mosaic.version = 14 : i64} {
  func.func @gather_kernel(%arg0: i32, %arg1: i32, %arg2: memref<4096x128xf32, #tpu.memory_space<hbm>>, %arg3: memref<4096x128xf32, #tpu.memory_space<hbm>>, %arg4: memref<4096x128xf32, #tpu.memory_space<hbm>>, %arg5: memref<65536xi32, #tpu.memory_space<hbm>>, %arg6: memref<65536x128xf32, #tpu.memory_space<hbm>>, %arg7: memref<65536x128xf32, #tpu.memory_space<hbm>>, %arg8: memref<65536x128xf32, #tpu.memory_space<hbm>>, %arg9: memref<128xi32, #tpu.memory_space<vmem>>, %arg10: memref<128xi32, #tpu.memory_space<vmem>>, %arg11: memref<128x128xf32, #tpu.memory_space<vmem>>, %arg12: memref<128x128xf32, #tpu.memory_space<vmem>>, %arg13: memref<128x128xf32, #tpu.memory_space<vmem>>, %arg14: memref<128x128xf32, #tpu.memory_space<vmem>>, %arg15: memref<128x128xf32, #tpu.memory_space<vmem>>, %arg16: memref<128x128xf32, #tpu.memory_space<vmem>>, %arg17: memref<!tpu.dma_semaphore, #tpu.memory_space<semaphore_mem>>, %arg18: memref<!tpu.dma_semaphore, #tpu.memory_space<semaphore_mem>>) attributes {dimension_semantics = [#tpu.dimension_semantics<core_parallel>, #tpu.dimension_semantics<subcore_parallel>], iteration_bounds = array<i64: 2, 16>, scalar_prefetch = 0 : i64, scratch_operands = 10 : i64, tpu.core_type = #tpu.core_type<sc_vector_subcore>, window_params = [{transform_indices = #map}, {transform_indices = #map}, {transform_indices = #map}, {transform_indices = #map1}, {transform_indices = #map}, {transform_indices = #map}, {transform_indices = #map}]} {
    %mul3A = arith.constant 2 : i32
    %mul3A_0 = arith.muli %arg1, %mul3A : i32
    %add3A = arith.addi %mul3A_0, %arg0 : i32
    %mul3A_1 = arith.constant 2048 : i32
    %mul3A_2 = arith.muli %add3A, %mul3A_1 : i32
    %add3A_3 = arith.constant 0 : i32
    %add3A_4 = arith.addi %mul3A_2, %add3A_3 : i32
    "tpu.region"() ({
      %run_scoped3A = tpu.sem_alloc : memref<!tpu.dma_semaphore, #tpu.memory_space<semaphore_mem>>
      %dma_start3A_29 = tpu.memref_slice %arg5[%add3A_4] : memref<65536xi32, #tpu.memory_space<hbm>> -> memref<128xi32, #tpu.memory_space<hbm>>
      %dma_start3A_30 = tpu.memref_slice %arg5[%add3A_4] : memref<65536xi32, #tpu.memory_space<hbm>> -> memref<128xi32, #tpu.memory_space<hbm>>
      tpu.enqueue_dma source(%dma_start3A_30 : memref<128xi32, #tpu.memory_space<hbm>>) target(%arg9 : memref<128xi32, #tpu.memory_space<vmem>>) target_semaphore(%run_scoped3A : memref<!tpu.dma_semaphore, #tpu.memory_space<semaphore_mem>>)
      %dma_wait3A = tpu.memref_slice %arg5[%add3A_4] : memref<65536xi32, #tpu.memory_space<hbm>> -> memref<128xi32, #tpu.memory_space<hbm>>
      %dma_wait3A_31 = tpu.memref_slice %arg5[%add3A_4] : memref<65536xi32, #tpu.memory_space<hbm>> -> memref<128xi32, #tpu.memory_space<hbm>>
      tpu.wait_dma2 semaphore(%run_scoped3A : memref<!tpu.dma_semaphore, #tpu.memory_space<semaphore_mem>>) src(%dma_wait3A_31 : memref<128xi32, #tpu.memory_space<hbm>>) dst(%arg9 : memref<128xi32, #tpu.memory_space<vmem>>)
      tpu.yield
    }) : () -> ()
    %dma_start3A = arith.constant 0 : i32
    %dma_start3A_5 = arith.constant 0 : i32
    %dma_start3A_6 = tpu.memref_slice %arg2[%dma_start3A, %dma_start3A_5] : memref<4096x128xf32, #tpu.memory_space<hbm>> -> memref<4096x128xf32, #tpu.memory_space<hbm>>
    tpu.enqueue_indirect_dma source(%dma_start3A_6 : memref<4096x128xf32, #tpu.memory_space<hbm>>) target(%arg11 : memref<128x128xf32, #tpu.memory_space<vmem>>) offsets(%arg9 : memref<128xi32, #tpu.memory_space<vmem>>) semaphore(%arg17 : memref<!tpu.dma_semaphore, #tpu.memory_space<semaphore_mem>>)
    %dma_start3A_7 = arith.constant 0 : i32
    %dma_start3A_8 = arith.constant 0 : i32
    %dma_start3A_9 = tpu.memref_slice %arg3[%dma_start3A_7, %dma_start3A_8] : memref<4096x128xf32, #tpu.memory_space<hbm>> -> memref<4096x128xf32, #tpu.memory_space<hbm>>
    tpu.enqueue_indirect_dma source(%dma_start3A_9 : memref<4096x128xf32, #tpu.memory_space<hbm>>) target(%arg12 : memref<128x128xf32, #tpu.memory_space<vmem>>) offsets(%arg9 : memref<128xi32, #tpu.memory_space<vmem>>) semaphore(%arg17 : memref<!tpu.dma_semaphore, #tpu.memory_space<semaphore_mem>>)
    %dma_start3A_10 = arith.constant 0 : i32
    %dma_start3A_11 = arith.constant 0 : i32
    %dma_start3A_12 = tpu.memref_slice %arg4[%dma_start3A_10, %dma_start3A_11] : memref<4096x128xf32, #tpu.memory_space<hbm>> -> memref<4096x128xf32, #tpu.memory_space<hbm>>
    tpu.enqueue_indirect_dma source(%dma_start3A_12 : memref<4096x128xf32, #tpu.memory_space<hbm>>) target(%arg13 : memref<128x128xf32, #tpu.memory_space<vmem>>) offsets(%arg9 : memref<128xi32, #tpu.memory_space<vmem>>) semaphore(%arg17 : memref<!tpu.dma_semaphore, #tpu.memory_space<semaphore_mem>>)
    %add3A_13 = arith.constant 128 : i32
    %add3A_14 = arith.addi %mul3A_2, %add3A_13 : i32
    "tpu.region"() ({
      %run_scoped3A = tpu.sem_alloc : memref<!tpu.dma_semaphore, #tpu.memory_space<semaphore_mem>>
      %dma_start3A_29 = tpu.memref_slice %arg5[%add3A_14] : memref<65536xi32, #tpu.memory_space<hbm>> -> memref<128xi32, #tpu.memory_space<hbm>>
      %dma_start3A_30 = tpu.memref_slice %arg5[%add3A_14] : memref<65536xi32, #tpu.memory_space<hbm>> -> memref<128xi32, #tpu.memory_space<hbm>>
      tpu.enqueue_dma source(%dma_start3A_30 : memref<128xi32, #tpu.memory_space<hbm>>) target(%arg10 : memref<128xi32, #tpu.memory_space<vmem>>) target_semaphore(%run_scoped3A : memref<!tpu.dma_semaphore, #tpu.memory_space<semaphore_mem>>)
      %dma_wait3A = tpu.memref_slice %arg5[%add3A_14] : memref<65536xi32, #tpu.memory_space<hbm>> -> memref<128xi32, #tpu.memory_space<hbm>>
      %dma_wait3A_31 = tpu.memref_slice %arg5[%add3A_14] : memref<65536xi32, #tpu.memory_space<hbm>> -> memref<128xi32, #tpu.memory_space<hbm>>
      tpu.wait_dma2 semaphore(%run_scoped3A : memref<!tpu.dma_semaphore, #tpu.memory_space<semaphore_mem>>) src(%dma_wait3A_31 : memref<128xi32, #tpu.memory_space<hbm>>) dst(%arg10 : memref<128xi32, #tpu.memory_space<vmem>>)
      tpu.yield
    }) : () -> ()
    %dma_start3A_15 = arith.constant 0 : i32
    %dma_start3A_16 = arith.constant 0 : i32
    %dma_start3A_17 = tpu.memref_slice %arg2[%dma_start3A_15, %dma_start3A_16] : memref<4096x128xf32, #tpu.memory_space<hbm>> -> memref<4096x128xf32, #tpu.memory_space<hbm>>
    tpu.enqueue_indirect_dma source(%dma_start3A_17 : memref<4096x128xf32, #tpu.memory_space<hbm>>) target(%arg14 : memref<128x128xf32, #tpu.memory_space<vmem>>) offsets(%arg10 : memref<128xi32, #tpu.memory_space<vmem>>) semaphore(%arg18 : memref<!tpu.dma_semaphore, #tpu.memory_space<semaphore_mem>>)
    %dma_start3A_18 = arith.constant 0 : i32
    %dma_start3A_19 = arith.constant 0 : i32
    %dma_start3A_20 = tpu.memref_slice %arg3[%dma_start3A_18, %dma_start3A_19] : memref<4096x128xf32, #tpu.memory_space<hbm>> -> memref<4096x128xf32, #tpu.memory_space<hbm>>
    tpu.enqueue_indirect_dma source(%dma_start3A_20 : memref<4096x128xf32, #tpu.memory_space<hbm>>) target(%arg15 : memref<128x128xf32, #tpu.memory_space<vmem>>) offsets(%arg10 : memref<128xi32, #tpu.memory_space<vmem>>) semaphore(%arg18 : memref<!tpu.dma_semaphore, #tpu.memory_space<semaphore_mem>>)
    %dma_start3A_21 = arith.constant 0 : i32
    %dma_start3A_22 = arith.constant 0 : i32
    %dma_start3A_23 = tpu.memref_slice %arg4[%dma_start3A_21, %dma_start3A_22] : memref<4096x128xf32, #tpu.memory_space<hbm>> -> memref<4096x128xf32, #tpu.memory_space<hbm>>
    tpu.enqueue_indirect_dma source(%dma_start3A_23 : memref<4096x128xf32, #tpu.memory_space<hbm>>) target(%arg16 : memref<128x128xf32, #tpu.memory_space<vmem>>) offsets(%arg10 : memref<128xi32, #tpu.memory_space<vmem>>) semaphore(%arg18 : memref<!tpu.dma_semaphore, #tpu.memory_space<semaphore_mem>>)
    %scan3A = arith.constant 0 : i32
    %scan3A_24 = arith.constant 0 : i32
    %scan3A_25 = arith.constant 8 : i32
    %scan3A_26 = arith.addi %scan3A_24, %scan3A_25 : i32
    %scan3A_27 = arith.constant 1 : i32
    scf.for %scan3A_29 = %scan3A_24 to %scan3A_26 step %scan3A_27  : i32 {
      %mul3A_30 = arith.constant 2 : i32
      %mul3A_31 = arith.muli %mul3A_30, %scan3A_29 : i32
      %mul3A_32 = arith.constant 128 : i32
      %mul3A_33 = arith.muli %mul3A_31, %mul3A_32 : i32
      %add3A_34 = arith.addi %mul3A_2, %mul3A_33 : i32
      %dma_wait3A = arith.constant 0 : i32
      %dma_wait3A_35 = arith.constant 0 : i32
      %dma_wait3A_36 = tpu.memref_slice %arg2[%dma_wait3A, %dma_wait3A_35] : memref<4096x128xf32, #tpu.memory_space<hbm>> -> memref<4096x128xf32, #tpu.memory_space<hbm>>
      tpu.wait_indirect_dma semaphore(%arg17 : memref<!tpu.dma_semaphore, #tpu.memory_space<semaphore_mem>>) src(%dma_wait3A_36 : memref<4096x128xf32, #tpu.memory_space<hbm>>) dst(%arg11 : memref<128x128xf32, #tpu.memory_space<vmem>>)
      %dma_wait3A_37 = arith.constant 0 : i32
      %dma_wait3A_38 = arith.constant 0 : i32
      %dma_wait3A_39 = tpu.memref_slice %arg3[%dma_wait3A_37, %dma_wait3A_38] : memref<4096x128xf32, #tpu.memory_space<hbm>> -> memref<4096x128xf32, #tpu.memory_space<hbm>>
      tpu.wait_indirect_dma semaphore(%arg17 : memref<!tpu.dma_semaphore, #tpu.memory_space<semaphore_mem>>) src(%dma_wait3A_39 : memref<4096x128xf32, #tpu.memory_space<hbm>>) dst(%arg12 : memref<128x128xf32, #tpu.memory_space<vmem>>)
      %dma_wait3A_40 = arith.constant 0 : i32
      %dma_wait3A_41 = arith.constant 0 : i32
      %dma_wait3A_42 = tpu.memref_slice %arg4[%dma_wait3A_40, %dma_wait3A_41] : memref<4096x128xf32, #tpu.memory_space<hbm>> -> memref<4096x128xf32, #tpu.memory_space<hbm>>
      tpu.wait_indirect_dma semaphore(%arg17 : memref<!tpu.dma_semaphore, #tpu.memory_space<semaphore_mem>>) src(%dma_wait3A_42 : memref<4096x128xf32, #tpu.memory_space<hbm>>) dst(%arg13 : memref<128x128xf32, #tpu.memory_space<vmem>>)
      "tpu.region"() ({
        %run_scoped3A = tpu.sem_alloc : memref<!tpu.dma_semaphore, #tpu.memory_space<semaphore_mem>>
        %dma_start3A_68 = arith.constant 0 : i32
        %dma_start3A_69 = tpu.memref_slice %arg6[%add3A_34, %dma_start3A_68] : memref<65536x128xf32, #tpu.memory_space<hbm>> -> memref<128x128xf32, #tpu.memory_space<hbm>>
        %dma_start3A_70 = arith.constant 0 : i32
        %dma_start3A_71 = tpu.memref_slice %arg6[%add3A_34, %dma_start3A_70] : memref<65536x128xf32, #tpu.memory_space<hbm>> -> memref<128x128xf32, #tpu.memory_space<hbm>>
        tpu.enqueue_dma source(%arg11 : memref<128x128xf32, #tpu.memory_space<vmem>>) target(%dma_start3A_71 : memref<128x128xf32, #tpu.memory_space<hbm>>) target_semaphore(%run_scoped3A : memref<!tpu.dma_semaphore, #tpu.memory_space<semaphore_mem>>)
        %dma_wait3A_72 = arith.constant 0 : i32
        %dma_wait3A_73 = tpu.memref_slice %arg6[%add3A_34, %dma_wait3A_72] : memref<65536x128xf32, #tpu.memory_space<hbm>> -> memref<128x128xf32, #tpu.memory_space<hbm>>
        %dma_wait3A_74 = arith.constant 0 : i32
        %dma_wait3A_75 = tpu.memref_slice %arg6[%add3A_34, %dma_wait3A_74] : memref<65536x128xf32, #tpu.memory_space<hbm>> -> memref<128x128xf32, #tpu.memory_space<hbm>>
        tpu.wait_dma2 semaphore(%run_scoped3A : memref<!tpu.dma_semaphore, #tpu.memory_space<semaphore_mem>>) src(%arg11 : memref<128x128xf32, #tpu.memory_space<vmem>>) dst(%dma_wait3A_75 : memref<128x128xf32, #tpu.memory_space<hbm>>)
        tpu.yield
      }) : () -> ()
      "tpu.region"() ({
        %run_scoped3A = tpu.sem_alloc : memref<!tpu.dma_semaphore, #tpu.memory_space<semaphore_mem>>
        %dma_start3A_68 = arith.constant 0 : i32
        %dma_start3A_69 = tpu.memref_slice %arg7[%add3A_34, %dma_start3A_68] : memref<65536x128xf32, #tpu.memory_space<hbm>> -> memref<128x128xf32, #tpu.memory_space<hbm>>
        %dma_start3A_70 = arith.constant 0 : i32
        %dma_start3A_71 = tpu.memref_slice %arg7[%add3A_34, %dma_start3A_70] : memref<65536x128xf32, #tpu.memory_space<hbm>> -> memref<128x128xf32, #tpu.memory_space<hbm>>
        tpu.enqueue_dma source(%arg12 : memref<128x128xf32, #tpu.memory_space<vmem>>) target(%dma_start3A_71 : memref<128x128xf32, #tpu.memory_space<hbm>>) target_semaphore(%run_scoped3A : memref<!tpu.dma_semaphore, #tpu.memory_space<semaphore_mem>>)
        %dma_wait3A_72 = arith.constant 0 : i32
        %dma_wait3A_73 = tpu.memref_slice %arg7[%add3A_34, %dma_wait3A_72] : memref<65536x128xf32, #tpu.memory_space<hbm>> -> memref<128x128xf32, #tpu.memory_space<hbm>>
        %dma_wait3A_74 = arith.constant 0 : i32
        %dma_wait3A_75 = tpu.memref_slice %arg7[%add3A_34, %dma_wait3A_74] : memref<65536x128xf32, #tpu.memory_space<hbm>> -> memref<128x128xf32, #tpu.memory_space<hbm>>
        tpu.wait_dma2 semaphore(%run_scoped3A : memref<!tpu.dma_semaphore, #tpu.memory_space<semaphore_mem>>) src(%arg12 : memref<128x128xf32, #tpu.memory_space<vmem>>) dst(%dma_wait3A_75 : memref<128x128xf32, #tpu.memory_space<hbm>>)
        tpu.yield
      }) : () -> ()
      "tpu.region"() ({
        %run_scoped3A = tpu.sem_alloc : memref<!tpu.dma_semaphore, #tpu.memory_space<semaphore_mem>>
        %dma_start3A_68 = arith.constant 0 : i32
        %dma_start3A_69 = tpu.memref_slice %arg8[%add3A_34, %dma_start3A_68] : memref<65536x128xf32, #tpu.memory_space<hbm>> -> memref<128x128xf32, #tpu.memory_space<hbm>>
        %dma_start3A_70 = arith.constant 0 : i32
        %dma_start3A_71 = tpu.memref_slice %arg8[%add3A_34, %dma_start3A_70] : memref<65536x128xf32, #tpu.memory_space<hbm>> -> memref<128x128xf32, #tpu.memory_space<hbm>>
        tpu.enqueue_dma source(%arg13 : memref<128x128xf32, #tpu.memory_space<vmem>>) target(%dma_start3A_71 : memref<128x128xf32, #tpu.memory_space<hbm>>) target_semaphore(%run_scoped3A : memref<!tpu.dma_semaphore, #tpu.memory_space<semaphore_mem>>)
        %dma_wait3A_72 = arith.constant 0 : i32
        %dma_wait3A_73 = tpu.memref_slice %arg8[%add3A_34, %dma_wait3A_72] : memref<65536x128xf32, #tpu.memory_space<hbm>> -> memref<128x128xf32, #tpu.memory_space<hbm>>
        %dma_wait3A_74 = arith.constant 0 : i32
        %dma_wait3A_75 = tpu.memref_slice %arg8[%add3A_34, %dma_wait3A_74] : memref<65536x128xf32, #tpu.memory_space<hbm>> -> memref<128x128xf32, #tpu.memory_space<hbm>>
        tpu.wait_dma2 semaphore(%run_scoped3A : memref<!tpu.dma_semaphore, #tpu.memory_space<semaphore_mem>>) src(%arg13 : memref<128x128xf32, #tpu.memory_space<vmem>>) dst(%dma_wait3A_75 : memref<128x128xf32, #tpu.memory_space<hbm>>)
        tpu.yield
      }) : () -> ()
      %add3A_43 = arith.constant 2 : i32
      %add3A_44 = arith.addi %mul3A_31, %add3A_43 : i32
      %lt3A = arith.constant 16 : i32
      %lt3A_45 = arith.cmpi slt, %add3A_44, %lt3A : i32
      %convert_element_type3A = arith.extui %lt3A_45 : i1 to i32
      %cond3A = arith.constant 0 : i32
      %cond3A_46 = arith.cmpi ne, %convert_element_type3A, %cond3A : i32
      scf.if %cond3A_46 {
        %add3A_68 = arith.constant 2 : i32
        %add3A_69 = arith.addi %mul3A_31, %add3A_68 : i32
        %mul3A_70 = arith.constant 128 : i32
        %mul3A_71 = arith.muli %add3A_69, %mul3A_70 : i32
        %add3A_72 = arith.addi %mul3A_2, %mul3A_71 : i32
        "tpu.region"() ({
          %run_scoped3A = tpu.sem_alloc : memref<!tpu.dma_semaphore, #tpu.memory_space<semaphore_mem>>
          %dma_start3A_82 = tpu.memref_slice %arg5[%add3A_72] : memref<65536xi32, #tpu.memory_space<hbm>> -> memref<128xi32, #tpu.memory_space<hbm>>
          %dma_start3A_83 = tpu.memref_slice %arg5[%add3A_72] : memref<65536xi32, #tpu.memory_space<hbm>> -> memref<128xi32, #tpu.memory_space<hbm>>
          tpu.enqueue_dma source(%dma_start3A_83 : memref<128xi32, #tpu.memory_space<hbm>>) target(%arg9 : memref<128xi32, #tpu.memory_space<vmem>>) target_semaphore(%run_scoped3A : memref<!tpu.dma_semaphore, #tpu.memory_space<semaphore_mem>>)
          %dma_wait3A_84 = tpu.memref_slice %arg5[%add3A_72] : memref<65536xi32, #tpu.memory_space<hbm>> -> memref<128xi32, #tpu.memory_space<hbm>>
          %dma_wait3A_85 = tpu.memref_slice %arg5[%add3A_72] : memref<65536xi32, #tpu.memory_space<hbm>> -> memref<128xi32, #tpu.memory_space<hbm>>
          tpu.wait_dma2 semaphore(%run_scoped3A : memref<!tpu.dma_semaphore, #tpu.memory_space<semaphore_mem>>) src(%dma_wait3A_85 : memref<128xi32, #tpu.memory_space<hbm>>) dst(%arg9 : memref<128xi32, #tpu.memory_space<vmem>>)
          tpu.yield
        }) : () -> ()
        %dma_start3A_73 = arith.constant 0 : i32
        %dma_start3A_74 = arith.constant 0 : i32
        %dma_start3A_75 = tpu.memref_slice %arg2[%dma_start3A_73, %dma_start3A_74] : memref<4096x128xf32, #tpu.memory_space<hbm>> -> memref<4096x128xf32, #tpu.memory_space<hbm>>
        tpu.enqueue_indirect_dma source(%dma_start3A_75 : memref<4096x128xf32, #tpu.memory_space<hbm>>) target(%arg11 : memref<128x128xf32, #tpu.memory_space<vmem>>) offsets(%arg9 : memref<128xi32, #tpu.memory_space<vmem>>) semaphore(%arg17 : memref<!tpu.dma_semaphore, #tpu.memory_space<semaphore_mem>>)
        %dma_start3A_76 = arith.constant 0 : i32
        %dma_start3A_77 = arith.constant 0 : i32
        %dma_start3A_78 = tpu.memref_slice %arg3[%dma_start3A_76, %dma_start3A_77] : memref<4096x128xf32, #tpu.memory_space<hbm>> -> memref<4096x128xf32, #tpu.memory_space<hbm>>
        tpu.enqueue_indirect_dma source(%dma_start3A_78 : memref<4096x128xf32, #tpu.memory_space<hbm>>) target(%arg12 : memref<128x128xf32, #tpu.memory_space<vmem>>) offsets(%arg9 : memref<128xi32, #tpu.memory_space<vmem>>) semaphore(%arg17 : memref<!tpu.dma_semaphore, #tpu.memory_space<semaphore_mem>>)
        %dma_start3A_79 = arith.constant 0 : i32
        %dma_start3A_80 = arith.constant 0 : i32
        %dma_start3A_81 = tpu.memref_slice %arg4[%dma_start3A_79, %dma_start3A_80] : memref<4096x128xf32, #tpu.memory_space<hbm>> -> memref<4096x128xf32, #tpu.memory_space<hbm>>
        tpu.enqueue_indirect_dma source(%dma_start3A_81 : memref<4096x128xf32, #tpu.memory_space<hbm>>) target(%arg13 : memref<128x128xf32, #tpu.memory_space<vmem>>) offsets(%arg9 : memref<128xi32, #tpu.memory_space<vmem>>) semaphore(%arg17 : memref<!tpu.dma_semaphore, #tpu.memory_space<semaphore_mem>>)
      } else {
      }
      %add3A_47 = arith.constant 1 : i32
      %add3A_48 = arith.addi %mul3A_31, %add3A_47 : i32
      %mul3A_49 = arith.constant 128 : i32
      %mul3A_50 = arith.muli %add3A_48, %mul3A_49 : i32
      %add3A_51 = arith.addi %mul3A_2, %mul3A_50 : i32
      %dma_wait3A_52 = arith.constant 0 : i32
      %dma_wait3A_53 = arith.constant 0 : i32
      %dma_wait3A_54 = tpu.memref_slice %arg2[%dma_wait3A_52, %dma_wait3A_53] : memref<4096x128xf32, #tpu.memory_space<hbm>> -> memref<4096x128xf32, #tpu.memory_space<hbm>>
      tpu.wait_indirect_dma semaphore(%arg18 : memref<!tpu.dma_semaphore, #tpu.memory_space<semaphore_mem>>) src(%dma_wait3A_54 : memref<4096x128xf32, #tpu.memory_space<hbm>>) dst(%arg14 : memref<128x128xf32, #tpu.memory_space<vmem>>)
      %dma_wait3A_55 = arith.constant 0 : i32
      %dma_wait3A_56 = arith.constant 0 : i32
      %dma_wait3A_57 = tpu.memref_slice %arg3[%dma_wait3A_55, %dma_wait3A_56] : memref<4096x128xf32, #tpu.memory_space<hbm>> -> memref<4096x128xf32, #tpu.memory_space<hbm>>
      tpu.wait_indirect_dma semaphore(%arg18 : memref<!tpu.dma_semaphore, #tpu.memory_space<semaphore_mem>>) src(%dma_wait3A_57 : memref<4096x128xf32, #tpu.memory_space<hbm>>) dst(%arg15 : memref<128x128xf32, #tpu.memory_space<vmem>>)
      %dma_wait3A_58 = arith.constant 0 : i32
      %dma_wait3A_59 = arith.constant 0 : i32
      %dma_wait3A_60 = tpu.memref_slice %arg4[%dma_wait3A_58, %dma_wait3A_59] : memref<4096x128xf32, #tpu.memory_space<hbm>> -> memref<4096x128xf32, #tpu.memory_space<hbm>>
      tpu.wait_indirect_dma semaphore(%arg18 : memref<!tpu.dma_semaphore, #tpu.memory_space<semaphore_mem>>) src(%dma_wait3A_60 : memref<4096x128xf32, #tpu.memory_space<hbm>>) dst(%arg16 : memref<128x128xf32, #tpu.memory_space<vmem>>)
      "tpu.region"() ({
        %run_scoped3A = tpu.sem_alloc : memref<!tpu.dma_semaphore, #tpu.memory_space<semaphore_mem>>
        %dma_start3A_68 = arith.constant 0 : i32
        %dma_start3A_69 = tpu.memref_slice %arg6[%add3A_51, %dma_start3A_68] : memref<65536x128xf32, #tpu.memory_space<hbm>> -> memref<128x128xf32, #tpu.memory_space<hbm>>
        %dma_start3A_70 = arith.constant 0 : i32
        %dma_start3A_71 = tpu.memref_slice %arg6[%add3A_51, %dma_start3A_70] : memref<65536x128xf32, #tpu.memory_space<hbm>> -> memref<128x128xf32, #tpu.memory_space<hbm>>
        tpu.enqueue_dma source(%arg14 : memref<128x128xf32, #tpu.memory_space<vmem>>) target(%dma_start3A_71 : memref<128x128xf32, #tpu.memory_space<hbm>>) target_semaphore(%run_scoped3A : memref<!tpu.dma_semaphore, #tpu.memory_space<semaphore_mem>>)
        %dma_wait3A_72 = arith.constant 0 : i32
        %dma_wait3A_73 = tpu.memref_slice %arg6[%add3A_51, %dma_wait3A_72] : memref<65536x128xf32, #tpu.memory_space<hbm>> -> memref<128x128xf32, #tpu.memory_space<hbm>>
        %dma_wait3A_74 = arith.constant 0 : i32
        %dma_wait3A_75 = tpu.memref_slice %arg6[%add3A_51, %dma_wait3A_74] : memref<65536x128xf32, #tpu.memory_space<hbm>> -> memref<128x128xf32, #tpu.memory_space<hbm>>
        tpu.wait_dma2 semaphore(%run_scoped3A : memref<!tpu.dma_semaphore, #tpu.memory_space<semaphore_mem>>) src(%arg14 : memref<128x128xf32, #tpu.memory_space<vmem>>) dst(%dma_wait3A_75 : memref<128x128xf32, #tpu.memory_space<hbm>>)
        tpu.yield
      }) : () -> ()
      "tpu.region"() ({
        %run_scoped3A = tpu.sem_alloc : memref<!tpu.dma_semaphore, #tpu.memory_space<semaphore_mem>>
        %dma_start3A_68 = arith.constant 0 : i32
        %dma_start3A_69 = tpu.memref_slice %arg7[%add3A_51, %dma_start3A_68] : memref<65536x128xf32, #tpu.memory_space<hbm>> -> memref<128x128xf32, #tpu.memory_space<hbm>>
        %dma_start3A_70 = arith.constant 0 : i32
        %dma_start3A_71 = tpu.memref_slice %arg7[%add3A_51, %dma_start3A_70] : memref<65536x128xf32, #tpu.memory_space<hbm>> -> memref<128x128xf32, #tpu.memory_space<hbm>>
        tpu.enqueue_dma source(%arg15 : memref<128x128xf32, #tpu.memory_space<vmem>>) target(%dma_start3A_71 : memref<128x128xf32, #tpu.memory_space<hbm>>) target_semaphore(%run_scoped3A : memref<!tpu.dma_semaphore, #tpu.memory_space<semaphore_mem>>)
        %dma_wait3A_72 = arith.constant 0 : i32
        %dma_wait3A_73 = tpu.memref_slice %arg7[%add3A_51, %dma_wait3A_72] : memref<65536x128xf32, #tpu.memory_space<hbm>> -> memref<128x128xf32, #tpu.memory_space<hbm>>
        %dma_wait3A_74 = arith.constant 0 : i32
        %dma_wait3A_75 = tpu.memref_slice %arg7[%add3A_51, %dma_wait3A_74] : memref<65536x128xf32, #tpu.memory_space<hbm>> -> memref<128x128xf32, #tpu.memory_space<hbm>>
        tpu.wait_dma2 semaphore(%run_scoped3A : memref<!tpu.dma_semaphore, #tpu.memory_space<semaphore_mem>>) src(%arg15 : memref<128x128xf32, #tpu.memory_space<vmem>>) dst(%dma_wait3A_75 : memref<128x128xf32, #tpu.memory_space<hbm>>)
        tpu.yield
      }) : () -> ()
      "tpu.region"() ({
        %run_scoped3A = tpu.sem_alloc : memref<!tpu.dma_semaphore, #tpu.memory_space<semaphore_mem>>
        %dma_start3A_68 = arith.constant 0 : i32
        %dma_start3A_69 = tpu.memref_slice %arg8[%add3A_51, %dma_start3A_68] : memref<65536x128xf32, #tpu.memory_space<hbm>> -> memref<128x128xf32, #tpu.memory_space<hbm>>
        %dma_start3A_70 = arith.constant 0 : i32
        %dma_start3A_71 = tpu.memref_slice %arg8[%add3A_51, %dma_start3A_70] : memref<65536x128xf32, #tpu.memory_space<hbm>> -> memref<128x128xf32, #tpu.memory_space<hbm>>
        tpu.enqueue_dma source(%arg16 : memref<128x128xf32, #tpu.memory_space<vmem>>) target(%dma_start3A_71 : memref<128x128xf32, #tpu.memory_space<hbm>>) target_semaphore(%run_scoped3A : memref<!tpu.dma_semaphore, #tpu.memory_space<semaphore_mem>>)
        %dma_wait3A_72 = arith.constant 0 : i32
        %dma_wait3A_73 = tpu.memref_slice %arg8[%add3A_51, %dma_wait3A_72] : memref<65536x128xf32, #tpu.memory_space<hbm>> -> memref<128x128xf32, #tpu.memory_space<hbm>>
        %dma_wait3A_74 = arith.constant 0 : i32
        %dma_wait3A_75 = tpu.memref_slice %arg8[%add3A_51, %dma_wait3A_74] : memref<65536x128xf32, #tpu.memory_space<hbm>> -> memref<128x128xf32, #tpu.memory_space<hbm>>
        tpu.wait_dma2 semaphore(%run_scoped3A : memref<!tpu.dma_semaphore, #tpu.memory_space<semaphore_mem>>) src(%arg16 : memref<128x128xf32, #tpu.memory_space<vmem>>) dst(%dma_wait3A_75 : memref<128x128xf32, #tpu.memory_space<hbm>>)
        tpu.yield
      }) : () -> ()
      %add3A_61 = arith.constant 3 : i32
      %add3A_62 = arith.addi %mul3A_31, %add3A_61 : i32
      %lt3A_63 = arith.constant 16 : i32
      %lt3A_64 = arith.cmpi slt, %add3A_62, %lt3A_63 : i32
      %convert_element_type3A_65 = arith.extui %lt3A_64 : i1 to i32
      %cond3A_66 = arith.constant 0 : i32
      %cond3A_67 = arith.cmpi ne, %convert_element_type3A_65, %cond3A_66 : i32
      scf.if %cond3A_67 {
        %add3A_68 = arith.constant 3 : i32
        %add3A_69 = arith.addi %mul3A_31, %add3A_68 : i32
        %mul3A_70 = arith.constant 128 : i32
        %mul3A_71 = arith.muli %add3A_69, %mul3A_70 : i32
        %add3A_72 = arith.addi %mul3A_2, %mul3A_71 : i32
        "tpu.region"() ({
          %run_scoped3A = tpu.sem_alloc : memref<!tpu.dma_semaphore, #tpu.memory_space<semaphore_mem>>
          %dma_start3A_82 = tpu.memref_slice %arg5[%add3A_72] : memref<65536xi32, #tpu.memory_space<hbm>> -> memref<128xi32, #tpu.memory_space<hbm>>
          %dma_start3A_83 = tpu.memref_slice %arg5[%add3A_72] : memref<65536xi32, #tpu.memory_space<hbm>> -> memref<128xi32, #tpu.memory_space<hbm>>
          tpu.enqueue_dma source(%dma_start3A_83 : memref<128xi32, #tpu.memory_space<hbm>>) target(%arg10 : memref<128xi32, #tpu.memory_space<vmem>>) target_semaphore(%run_scoped3A : memref<!tpu.dma_semaphore, #tpu.memory_space<semaphore_mem>>)
          %dma_wait3A_84 = tpu.memref_slice %arg5[%add3A_72] : memref<65536xi32, #tpu.memory_space<hbm>> -> memref<128xi32, #tpu.memory_space<hbm>>
          %dma_wait3A_85 = tpu.memref_slice %arg5[%add3A_72] : memref<65536xi32, #tpu.memory_space<hbm>> -> memref<128xi32, #tpu.memory_space<hbm>>
          tpu.wait_dma2 semaphore(%run_scoped3A : memref<!tpu.dma_semaphore, #tpu.memory_space<semaphore_mem>>) src(%dma_wait3A_85 : memref<128xi32, #tpu.memory_space<hbm>>) dst(%arg10 : memref<128xi32, #tpu.memory_space<vmem>>)
          tpu.yield
        }) : () -> ()
        %dma_start3A_73 = arith.constant 0 : i32
        %dma_start3A_74 = arith.constant 0 : i32
        %dma_start3A_75 = tpu.memref_slice %arg2[%dma_start3A_73, %dma_start3A_74] : memref<4096x128xf32, #tpu.memory_space<hbm>> -> memref<4096x128xf32, #tpu.memory_space<hbm>>
        tpu.enqueue_indirect_dma source(%dma_start3A_75 : memref<4096x128xf32, #tpu.memory_space<hbm>>) target(%arg14 : memref<128x128xf32, #tpu.memory_space<vmem>>) offsets(%arg10 : memref<128xi32, #tpu.memory_space<vmem>>) semaphore(%arg18 : memref<!tpu.dma_semaphore, #tpu.memory_space<semaphore_mem>>)
        %dma_start3A_76 = arith.constant 0 : i32
        %dma_start3A_77 = arith.constant 0 : i32
        %dma_start3A_78 = tpu.memref_slice %arg3[%dma_start3A_76, %dma_start3A_77] : memref<4096x128xf32, #tpu.memory_space<hbm>> -> memref<4096x128xf32, #tpu.memory_space<hbm>>
        tpu.enqueue_indirect_dma source(%dma_start3A_78 : memref<4096x128xf32, #tpu.memory_space<hbm>>) target(%arg15 : memref<128x128xf32, #tpu.memory_space<vmem>>) offsets(%arg10 : memref<128xi32, #tpu.memory_space<vmem>>) semaphore(%arg18 : memref<!tpu.dma_semaphore, #tpu.memory_space<semaphore_mem>>)
        %dma_start3A_79 = arith.constant 0 : i32
        %dma_start3A_80 = arith.constant 0 : i32
        %dma_start3A_81 = tpu.memref_slice %arg4[%dma_start3A_79, %dma_start3A_80] : memref<4096x128xf32, #tpu.memory_space<hbm>> -> memref<4096x128xf32, #tpu.memory_space<hbm>>
        tpu.enqueue_indirect_dma source(%dma_start3A_81 : memref<4096x128xf32, #tpu.memory_space<hbm>>) target(%arg16 : memref<128x128xf32, #tpu.memory_space<vmem>>) offsets(%arg10 : memref<128xi32, #tpu.memory_space<vmem>>) semaphore(%arg18 : memref<!tpu.dma_semaphore, #tpu.memory_space<semaphore_mem>>)
      } else {
      }
    }
    %scan3A_28 = arith.constant 8 : i32
    return
  }
}

module attributes {stable_mosaic.version = 14 : i64} {
  func.func @_a2_body(%arg0: i32, %arg1: i32, %arg2: memref<256x16xf32, #tpu.memory_space<vmem>>, %arg3: memref<1x3x2048xf32, #tpu.memory_space<vmem>>, %arg4: memref<256x2048xf32, #tpu.memory_space<vmem>>) attributes {dimension_semantics = [#tpu.dimension_semantics<arbitrary>, #tpu.dimension_semantics<arbitrary>], iteration_bounds = array<i64: 2, 8>, scalar_prefetch = 0 : i64, scratch_operands = 0 : i64, tpu.core_type = #tpu.core_type<tc>, window_params = [{transform_indices = @transform_0, window_bounds = array<i64: 256, 16>}, {transform_indices = @transform_1, window_bounds = array<i64: 1, 3, 2048>}, {transform_indices = @transform_2, window_bounds = array<i64: 256, 2048>}]} {
    %get3A = arith.constant 0 : index
    %get3A_0 = arith.constant 0 : index
    %get3A_1 = vector.load %arg2[%get3A, %get3A_0] : memref<256x16xf32, #tpu.memory_space<vmem>>, vector<256x16xf32>
    %slice3A = vector.extract_strided_slice %get3A_1 {offsets = [0, 0], sizes = [256, 3], strides = [1, 1]} : vector<256x16xf32> to vector<256x3xf32>
    %get3A_2 = arith.constant 0 : index
    %get3A_3 = arith.constant 0 : index
    %get3A_4 = arith.constant 0 : index
    %get3A_5 = vector.load %arg3[%get3A_2, %get3A_3, %get3A_4] : memref<1x3x2048xf32, #tpu.memory_space<vmem>>, vector<1x3x2048xf32>
    %get3A_6 = vector.shape_cast %get3A_5 : vector<1x3x2048xf32> to vector<3x2048xf32>
    %dot_general3A = arith.constant dense<0.000000e+00> : vector<256x2048xf32>
    %dot_general3A_7 = tpu.matmul %slice3A, %get3A_6, %dot_general3A {dimension_numbers = #tpu.dot_dimension_numbers<[1], [0], [0], [1], [0, 0, 1, 1], [], []>, transpose_lhs_hint = false} : vector<256x3xf32>, vector<3x2048xf32>, vector<256x2048xf32> -> vector<256x2048xf32>
    %mul3A = arith.mulf %slice3A, %slice3A : vector<256x3xf32>
    %reduce_sum3A = arith.constant dense<0.000000e+00> : vector<256xf32>
    %reduce_sum3A_8 = vector.multi_reduction <add>, %mul3A, %reduce_sum3A [1] : vector<256x3xf32> to vector<256xf32>
    %broadcast_in_dim3A = vector.shape_cast %reduce_sum3A_8 : vector<256xf32> to vector<256x1xf32>
    %mul3A_9 = arith.mulf %get3A_6, %get3A_6 : vector<3x2048xf32>
    %reduce_sum3A_10 = arith.constant dense<0.000000e+00> : vector<2048xf32>
    %reduce_sum3A_11 = vector.multi_reduction <add>, %mul3A_9, %reduce_sum3A_10 [0] : vector<3x2048xf32> to vector<2048xf32>
    %broadcast_in_dim3A_12 = vector.shape_cast %reduce_sum3A_11 : vector<2048xf32> to vector<1x2048xf32>
    %add3A = vector.broadcast %broadcast_in_dim3A : vector<256x1xf32> to vector<256x2048xf32>
    %add3A_13 = vector.broadcast %broadcast_in_dim3A_12 : vector<1x2048xf32> to vector<256x2048xf32>
    %add3A_14 = arith.addf %add3A, %add3A_13 : vector<256x2048xf32>
    %mul3A_15 = arith.constant 2.000000e+00 : f32
    %mul3A_16 = vector.broadcast %mul3A_15 : f32 to vector<256x2048xf32>
    %mul3A_17 = arith.mulf %mul3A_16, %dot_general3A_7 : vector<256x2048xf32>
    %sub3A = arith.subf %add3A_14, %mul3A_17 : vector<256x2048xf32>
    %swap3A = arith.constant 0 : index
    %swap3A_18 = arith.constant 0 : index
    %swap3A_19 = vector.load %arg4[%swap3A, %swap3A_18] : memref<256x2048xf32, #tpu.memory_space<vmem>>, vector<256x2048xf32>
    tpu.vector_store %arg4[%swap3A, %swap3A_18], %sub3A {strides = array<i32>} : memref<256x2048xf32, #tpu.memory_space<vmem>>, vector<256x2048xf32>,
    return
  }
  func.func @transform_0(%arg0: i32, %arg1: i32) -> (i32, i32) {
    %mul3A = arith.constant 8 : i32
    %mul3A_0 = arith.muli %arg0, %mul3A : i32
    %add3A = arith.addi %mul3A_0, %arg1 : i32
    %c0_i32 = arith.constant 0 : i32
    %c0_i32_1 = arith.constant 0 : i32
    return %add3A, %c0_i32 : i32, i32
  }
  func.func @transform_1(%arg0: i32, %arg1: i32) -> (i32, i32, i32) {
    %c0_i32 = arith.constant 0 : i32
    %c0_i32_0 = arith.constant 0 : i32
    %c0_i32_1 = arith.constant 0 : i32
    return %arg0, %c0_i32, %c0_i32_0 : i32, i32, i32
  }
  func.func @transform_2(%arg0: i32, %arg1: i32) -> (i32, i32) {
    %mul3A = arith.constant 8 : i32
    %mul3A_0 = arith.muli %arg0, %mul3A : i32
    %add3A = arith.addi %mul3A_0, %arg1 : i32
    %c0_i32 = arith.constant 0 : i32
    %c0_i32_1 = arith.constant 0 : i32
    return %add3A, %c0_i32 : i32, i32
  }
}

module attributes {stable_mosaic.version = 14 : i64} {
  func.func @_a1_body(%arg0: memref<4096x64xf32, #tpu.memory_space<vmem>>, %arg1: memref<4096x16xf32, #tpu.memory_space<vmem>>, %arg2: memref<128x64xf32, #tpu.memory_space<vmem>>, %arg3: memref<1x128xf32, #tpu.memory_space<vmem>>, %arg4: memref<1x128xf32, #tpu.memory_space<vmem>>, %arg5: memref<128x128xf32, #tpu.memory_space<vmem>>, %arg6: memref<128x128xf32, #tpu.memory_space<vmem>>, %arg7: memref<128x128xf32, #tpu.memory_space<vmem>>, %arg8: memref<128x16xf32, #tpu.memory_space<vmem>>, %arg9: memref<4096x128xf32, #tpu.memory_space<vmem>>, %arg10: memref<4096x128xf32, #tpu.memory_space<vmem>>, %arg11: memref<4096x128xf32, #tpu.memory_space<vmem>>, %arg12: memref<4096x128xf32, #tpu.memory_space<vmem>>) attributes {dimension_semantics = [], scalar_prefetch = 0 : i64, scratch_operands = 0 : i64, tpu.core_type = #tpu.core_type<tc>} {
    %get3A = arith.constant 0 : index
    %get3A_0 = arith.constant 0 : index
    %get3A_1 = vector.load %arg0[%get3A, %get3A_0] : memref<4096x64xf32, #tpu.memory_space<vmem>>, vector<4096x64xf32>
    %get3A_2 = arith.constant 0 : index
    %get3A_3 = arith.constant 0 : index
    %get3A_4 = vector.load %arg2[%get3A_2, %get3A_3] : memref<128x64xf32, #tpu.memory_space<vmem>>, vector<128x64xf32>
    %dot_general3A = arith.constant dense<0.000000e+00> : vector<4096x128xf32>
    %dot_general3A_5 = tpu.matmul %get3A_1, %get3A_4, %dot_general3A {dimension_numbers = #tpu.dot_dimension_numbers<[1], [1], [0], [0], [0, 0, 1, 0], [], []>, precision = #tpu.contract_precision<fp32>, transpose_lhs_hint = false} : vector<4096x64xf32>, vector<128x64xf32>, vector<4096x128xf32> -> vector<4096x128xf32>
    %reduce_sum3A = arith.constant dense<0.000000e+00> : vector<128xf32>
    %reduce_sum3A_6 = vector.multi_reduction <add>, %dot_general3A_5, %reduce_sum3A [0] : vector<4096x128xf32> to vector<128xf32>
    %broadcast_in_dim3A = vector.shape_cast %reduce_sum3A_6 : vector<128xf32> to vector<1x128xf32>
    %div3A = arith.constant 4.096000e+03 : f32
    %div3A_7 = vector.broadcast %div3A : f32 to vector<1x128xf32>
    %div3A_8 = arith.divf %broadcast_in_dim3A, %div3A_7 : vector<1x128xf32>
    %mul3A = arith.mulf %dot_general3A_5, %dot_general3A_5 : vector<4096x128xf32>
    %reduce_sum3A_9 = arith.constant dense<0.000000e+00> : vector<128xf32>
    %reduce_sum3A_10 = vector.multi_reduction <add>, %mul3A, %reduce_sum3A_9 [0] : vector<4096x128xf32> to vector<128xf32>
    %broadcast_in_dim3A_11 = vector.shape_cast %reduce_sum3A_10 : vector<128xf32> to vector<1x128xf32>
    %div3A_12 = arith.constant 4.096000e+03 : f32
    %div3A_13 = vector.broadcast %div3A_12 : f32 to vector<1x128xf32>
    %div3A_14 = arith.divf %broadcast_in_dim3A_11, %div3A_13 : vector<1x128xf32>
    %mul3A_15 = arith.mulf %div3A_8, %div3A_8 : vector<1x128xf32>
    %sub3A = arith.subf %div3A_14, %mul3A_15 : vector<1x128xf32>
    %get3A_16 = arith.constant 0 : index
    %get3A_17 = arith.constant 0 : index
    %get3A_18 = vector.load %arg3[%get3A_16, %get3A_17] : memref<1x128xf32, #tpu.memory_space<vmem>>, vector<1x128xf32>
    %add3A = arith.constant 9.99999974E-6 : f32
    %add3A_19 = vector.broadcast %add3A : f32 to vector<1x128xf32>
    %add3A_20 = arith.addf %sub3A, %add3A_19 : vector<1x128xf32>
    %sqrt3A = math.sqrt %add3A_20 : vector<1x128xf32>
    %div3A_21 = arith.divf %get3A_18, %sqrt3A : vector<1x128xf32>
    %get3A_22 = arith.constant 0 : index
    %get3A_23 = arith.constant 0 : index
    %get3A_24 = vector.load %arg4[%get3A_22, %get3A_23] : memref<1x128xf32, #tpu.memory_space<vmem>>, vector<1x128xf32>
    %mul3A_25 = arith.mulf %div3A_8, %div3A_21 : vector<1x128xf32>
    %sub3A_26 = arith.subf %get3A_24, %mul3A_25 : vector<1x128xf32>
    %mul3A_27 = vector.broadcast %div3A_21 : vector<1x128xf32> to vector<4096x128xf32>
    %mul3A_28 = arith.mulf %dot_general3A_5, %mul3A_27 : vector<4096x128xf32>
    %add3A_29 = vector.broadcast %sub3A_26 : vector<1x128xf32> to vector<4096x128xf32>
    %add3A_30 = arith.addf %mul3A_28, %add3A_29 : vector<4096x128xf32>
    %ge3A = arith.constant 0.000000e+00 : f32
    %ge3A_31 = vector.broadcast %ge3A : f32 to vector<4096x128xf32>
    %ge3A_32 = arith.cmpf oge, %add3A_30, %ge3A_31 : vector<4096x128xf32>
    %mul3A_33 = arith.constant 2.000000e-01 : f32
    %mul3A_34 = vector.broadcast %mul3A_33 : f32 to vector<4096x128xf32>
    %mul3A_35 = arith.mulf %mul3A_34, %add3A_30 : vector<4096x128xf32>
    %select_n3A = arith.select %ge3A_32, %add3A_30, %mul3A_35 : vector<4096x128xi1>, vector<4096x128xf32>
    %get3A_36 = arith.constant 0 : index
    %get3A_37 = arith.constant 0 : index
    %get3A_38 = vector.load %arg5[%get3A_36, %get3A_37] : memref<128x128xf32, #tpu.memory_space<vmem>>, vector<128x128xf32>
    %dot_general3A_39 = arith.constant dense<0.000000e+00> : vector<4096x128xf32>
    %dot_general3A_40 = tpu.matmul %select_n3A, %get3A_38, %dot_general3A_39 {dimension_numbers = #tpu.dot_dimension_numbers<[1], [1], [0], [0], [0, 0, 1, 0], [], []>, precision = #tpu.contract_precision<fp32>, transpose_lhs_hint = false} : vector<4096x128xf32>, vector<128x128xf32>, vector<4096x128xf32> -> vector<4096x128xf32>
    %swap3A = arith.constant 0 : index
    %swap3A_41 = arith.constant 0 : index
    %swap3A_42 = vector.load %arg9[%swap3A, %swap3A_41] : memref<4096x128xf32, #tpu.memory_space<vmem>>, vector<4096x128xf32>
    tpu.vector_store %arg9[%swap3A, %swap3A_41], %dot_general3A_40 {strides = array<i32>} : memref<4096x128xf32, #tpu.memory_space<vmem>>, vector<4096x128xf32>,
    %get3A_43 = arith.constant 0 : index
    %get3A_44 = arith.constant 0 : index
    %get3A_45 = vector.load %arg6[%get3A_43, %get3A_44] : memref<128x128xf32, #tpu.memory_space<vmem>>, vector<128x128xf32>
    %dot_general3A_46 = arith.constant dense<0.000000e+00> : vector<4096x128xf32>
    %dot_general3A_47 = tpu.matmul %select_n3A, %get3A_45, %dot_general3A_46 {dimension_numbers = #tpu.dot_dimension_numbers<[1], [1], [0], [0], [0, 0, 1, 0], [], []>, precision = #tpu.contract_precision<fp32>, transpose_lhs_hint = false} : vector<4096x128xf32>, vector<128x128xf32>, vector<4096x128xf32> -> vector<4096x128xf32>
    %swap3A_48 = arith.constant 0 : index
    %swap3A_49 = arith.constant 0 : index
    %swap3A_50 = vector.load %arg10[%swap3A_48, %swap3A_49] : memref<4096x128xf32, #tpu.memory_space<vmem>>, vector<4096x128xf32>
    tpu.vector_store %arg10[%swap3A_48, %swap3A_49], %dot_general3A_47 {strides = array<i32>} : memref<4096x128xf32, #tpu.memory_space<vmem>>, vector<4096x128xf32>,
    %get3A_51 = arith.constant 0 : index
    %get3A_52 = arith.constant 0 : index
    %get3A_53 = vector.load %arg7[%get3A_51, %get3A_52] : memref<128x128xf32, #tpu.memory_space<vmem>>, vector<128x128xf32>
    %dot_general3A_54 = arith.constant dense<0.000000e+00> : vector<4096x128xf32>
    %dot_general3A_55 = tpu.matmul %select_n3A, %get3A_53, %dot_general3A_54 {dimension_numbers = #tpu.dot_dimension_numbers<[1], [1], [0], [0], [0, 0, 1, 0], [], []>, precision = #tpu.contract_precision<fp32>, transpose_lhs_hint = false} : vector<4096x128xf32>, vector<128x128xf32>, vector<4096x128xf32> -> vector<4096x128xf32>
    %swap3A_56 = arith.constant 0 : index
    %swap3A_57 = arith.constant 0 : index
    %swap3A_58 = vector.load %arg11[%swap3A_56, %swap3A_57] : memref<4096x128xf32, #tpu.memory_space<vmem>>, vector<4096x128xf32>
    tpu.vector_store %arg11[%swap3A_56, %swap3A_57], %dot_general3A_55 {strides = array<i32>} : memref<4096x128xf32, #tpu.memory_space<vmem>>, vector<4096x128xf32>,
    %get3A_59 = arith.constant 0 : index
    %get3A_60 = arith.constant 0 : index
    %get3A_61 = vector.load %arg1[%get3A_59, %get3A_60] : memref<4096x16xf32, #tpu.memory_space<vmem>>, vector<4096x16xf32>
    %get3A_62 = arith.constant 0 : index
    %get3A_63 = arith.constant 0 : index
    %get3A_64 = vector.load %arg8[%get3A_62, %get3A_63] : memref<128x16xf32, #tpu.memory_space<vmem>>, vector<128x16xf32>
    %dot_general3A_65 = arith.constant dense<0.000000e+00> : vector<4096x128xf32>
    %dot_general3A_66 = tpu.matmul %get3A_61, %get3A_64, %dot_general3A_65 {dimension_numbers = #tpu.dot_dimension_numbers<[1], [1], [0], [0], [0, 0, 1, 0], [], []>, precision = #tpu.contract_precision<fp32>, transpose_lhs_hint = false} : vector<4096x16xf32>, vector<128x16xf32>, vector<4096x128xf32> -> vector<4096x128xf32>
    %swap3A_67 = arith.constant 0 : index
    %swap3A_68 = arith.constant 0 : index
    %swap3A_69 = vector.load %arg12[%swap3A_67, %swap3A_68] : memref<4096x128xf32, #tpu.memory_space<vmem>>, vector<4096x128xf32>
    tpu.vector_store %arg12[%swap3A_67, %swap3A_68], %dot_general3A_66 {strides = array<i32>} : memref<4096x128xf32, #tpu.memory_space<vmem>>, vector<4096x128xf32>,
    return
  }
}

module attributes {stable_mosaic.version = 14 : i64} {
  func.func @_a3_body(%arg0: i32, %arg1: memref<128x128xf32, #tpu.memory_space<vmem>>, %arg2: memref<2048x128xf32, #tpu.memory_space<vmem>>, %arg3: memref<2x128xf32, #tpu.memory_space<vmem>>) attributes {dimension_semantics = [#tpu.dimension_semantics<arbitrary>], iteration_bounds = array<i64: 32>, scalar_prefetch = 0 : i64, scratch_operands = 0 : i64, tpu.core_type = #tpu.core_type<tc>, window_params = [{transform_indices = @transform_0, window_bounds = array<i64: 128, 128>}, {transform_indices = @transform_1, window_bounds = array<i64: 2048, 128>}, {pipeline_mode = #tpu.pipeline_mode<synchronous>, transform_indices = @transform_2, window_bounds = array<i64: 2, 128>}]} {
    %get3A = arith.constant 0 : index
    %get3A_0 = arith.constant 0 : index
    %get3A_1 = vector.load %arg1[%get3A, %get3A_0] : memref<128x128xf32, #tpu.memory_space<vmem>>, vector<128x128xf32>
    %broadcast_in_dim3A = vector.shape_cast %get3A_1 : vector<128x128xf32> to vector<128x1x128xf32>
    %broadcast_in_dim3A_2 = vector.shape_cast %broadcast_in_dim3A : vector<128x1x128xf32> to vector<128x1x128xf32>
    %broadcast_in_dim3A_3 = vector.broadcast %broadcast_in_dim3A_2 : vector<128x1x128xf32> to vector<128x16x128xf32>
    %reshape3A = vector.shape_cast %broadcast_in_dim3A_3 : vector<128x16x128xf32> to vector<2048x128xf32>
    %get3A_4 = arith.constant 0 : index
    %get3A_5 = arith.constant 0 : index
    %get3A_6 = vector.load %arg2[%get3A_4, %get3A_5] : memref<2048x128xf32, #tpu.memory_space<vmem>>, vector<2048x128xf32>
    %sub3A = arith.subf %reshape3A, %get3A_6 : vector<2048x128xf32>
    %eq3A = arith.constant 0 : i32
    %eq3A_7 = arith.cmpi eq, %arg0, %eq3A : i32
    %reduce_sum3A = arith.constant dense<0.000000e+00> : vector<128xf32>
    %reduce_sum3A_8 = vector.multi_reduction <add>, %sub3A, %reduce_sum3A [0] : vector<2048x128xf32> to vector<128xf32>
    %mul3A = arith.mulf %sub3A, %sub3A : vector<2048x128xf32>
    %reduce_sum3A_9 = arith.constant dense<0.000000e+00> : vector<128xf32>
    %reduce_sum3A_10 = vector.multi_reduction <add>, %mul3A, %reduce_sum3A_9 [0] : vector<2048x128xf32> to vector<128xf32>
    %stack3A = vector.shape_cast %reduce_sum3A_8 : vector<128xf32> to vector<1x128xf32>
    %stack3A_11 = vector.shape_cast %reduce_sum3A_10 : vector<128xf32> to vector<1x128xf32>
    %stack3A_12 = tpu.concatenate %stack3A, %stack3A_11 in 0 : vector<1x128xf32>, vector<1x128xf32> -> vector<2x128xf32>
    %convert_element_type3A = arith.extui %eq3A_7 : i1 to i32
    %cond3A = arith.constant 0 : i32
    %cond3A_13 = arith.cmpi ne, %convert_element_type3A, %cond3A : i32
    scf.if %cond3A_13 {
      %swap3A = arith.constant 0 : index
      %swap3A_18 = arith.constant 0 : index
      %swap3A_19 = vector.load %arg3[%swap3A, %swap3A_18] : memref<2x128xf32, #tpu.memory_space<vmem>>, vector<2x128xf32>
      tpu.vector_store %arg3[%swap3A, %swap3A_18], %stack3A_12 {strides = array<i32>} : memref<2x128xf32, #tpu.memory_space<vmem>>, vector<2x128xf32>,
    } else {
    }
    %not3A = arith.constant true
    %not3A_14 = arith.xori %eq3A_7, %not3A : i1
    %convert_element_type3A_15 = arith.extui %not3A_14 : i1 to i32
    %cond3A_16 = arith.constant 0 : i32
    %cond3A_17 = arith.cmpi ne, %convert_element_type3A_15, %cond3A_16 : i32
    scf.if %cond3A_17 {
      %get3A_18 = arith.constant 0 : index
      %get3A_19 = arith.constant 0 : index
      %get3A_20 = vector.load %arg3[%get3A_18, %get3A_19] : memref<2x128xf32, #tpu.memory_space<vmem>>, vector<2x128xf32>
      %add3A = arith.addf %get3A_20, %stack3A_12 : vector<2x128xf32>
      %swap3A = arith.constant 0 : index
      %swap3A_21 = arith.constant 0 : index
      %swap3A_22 = vector.load %arg3[%swap3A, %swap3A_21] : memref<2x128xf32, #tpu.memory_space<vmem>>, vector<2x128xf32>
      tpu.vector_store %arg3[%swap3A, %swap3A_21], %add3A {strides = array<i32>} : memref<2x128xf32, #tpu.memory_space<vmem>>, vector<2x128xf32>,
    } else {
    }
    return
  }
  func.func @transform_0(%arg0: i32) -> (i32, i32) {
    %c0_i32 = arith.constant 0 : i32
    %c0_i32_0 = arith.constant 0 : i32
    return %arg0, %c0_i32 : i32, i32
  }
  func.func @transform_1(%arg0: i32) -> (i32, i32) {
    %c0_i32 = arith.constant 0 : i32
    %c0_i32_0 = arith.constant 0 : i32
    return %arg0, %c0_i32 : i32, i32
  }
  func.func @transform_2(%arg0: i32) -> (i32, i32) {
    %c0_i32 = arith.constant 0 : i32
    %c0_i32_0 = arith.constant 0 : i32
    %c0_i32_1 = arith.constant 0 : i32
    return %c0_i32, %c0_i32_0 : i32, i32
  }
}

module attributes {stable_mosaic.version = 14 : i64} {
  func.func @_a4_body(%arg0: i32, %arg1: memref<128x128xf32, #tpu.memory_space<vmem>>, %arg2: memref<2048x128xf32, #tpu.memory_space<vmem>>, %arg3: memref<128x128xf32, #tpu.memory_space<vmem>>, %arg4: memref<1x128xf32, #tpu.memory_space<vmem>>, %arg5: memref<1x128xf32, #tpu.memory_space<vmem>>, %arg6: memref<2048x128xf32, #tpu.memory_space<vmem>>, %arg7: memref<2x128xf32, #tpu.memory_space<vmem>>) attributes {dimension_semantics = [#tpu.dimension_semantics<arbitrary>], iteration_bounds = array<i64: 32>, scalar_prefetch = 0 : i64, scratch_operands = 0 : i64, tpu.core_type = #tpu.core_type<tc>, window_params = [{transform_indices = @transform_0, window_bounds = array<i64: 128, 128>}, {transform_indices = @transform_1, window_bounds = array<i64: 2048, 128>}, {pipeline_mode = #tpu.pipeline_mode<synchronous>, transform_indices = @transform_2, window_bounds = array<i64: 128, 128>}, {pipeline_mode = #tpu.pipeline_mode<synchronous>, transform_indices = @transform_3, window_bounds = array<i64: 1, 128>}, {pipeline_mode = #tpu.pipeline_mode<synchronous>, transform_indices = @transform_4, window_bounds = array<i64: 1, 128>}, {transform_indices = @transform_5, window_bounds = array<i64: 2048, 128>}, {pipeline_mode = #tpu.pipeline_mode<synchronous>, transform_indices = @transform_6, window_bounds = array<i64: 2, 128>}]} {
    %get3A = arith.constant 0 : index
    %get3A_0 = arith.constant 0 : index
    %get3A_1 = vector.load %arg1[%get3A, %get3A_0] : memref<128x128xf32, #tpu.memory_space<vmem>>, vector<128x128xf32>
    %broadcast_in_dim3A = vector.shape_cast %get3A_1 : vector<128x128xf32> to vector<128x1x128xf32>
    %broadcast_in_dim3A_2 = vector.shape_cast %broadcast_in_dim3A : vector<128x1x128xf32> to vector<128x1x128xf32>
    %broadcast_in_dim3A_3 = vector.broadcast %broadcast_in_dim3A_2 : vector<128x1x128xf32> to vector<128x16x128xf32>
    %reshape3A = vector.shape_cast %broadcast_in_dim3A_3 : vector<128x16x128xf32> to vector<2048x128xf32>
    %get3A_4 = arith.constant 0 : index
    %get3A_5 = arith.constant 0 : index
    %get3A_6 = vector.load %arg2[%get3A_4, %get3A_5] : memref<2048x128xf32, #tpu.memory_space<vmem>>, vector<2048x128xf32>
    %sub3A = arith.subf %reshape3A, %get3A_6 : vector<2048x128xf32>
    %get3A_7 = arith.constant 0 : index
    %get3A_8 = arith.constant 0 : index
    %get3A_9 = vector.load %arg4[%get3A_7, %get3A_8] : memref<1x128xf32, #tpu.memory_space<vmem>>, vector<1x128xf32>
    %mul3A = vector.broadcast %get3A_9 : vector<1x128xf32> to vector<2048x128xf32>
    %mul3A_10 = arith.mulf %sub3A, %mul3A : vector<2048x128xf32>
    %get3A_11 = arith.constant 0 : index
    %get3A_12 = arith.constant 0 : index
    %get3A_13 = vector.load %arg5[%get3A_11, %get3A_12] : memref<1x128xf32, #tpu.memory_space<vmem>>, vector<1x128xf32>
    %add3A = vector.broadcast %get3A_13 : vector<1x128xf32> to vector<2048x128xf32>
    %add3A_14 = arith.addf %mul3A_10, %add3A : vector<2048x128xf32>
    %ge3A = arith.constant 0.000000e+00 : f32
    %ge3A_15 = vector.broadcast %ge3A : f32 to vector<2048x128xf32>
    %ge3A_16 = arith.cmpf oge, %add3A_14, %ge3A_15 : vector<2048x128xf32>
    %mul3A_17 = arith.constant 2.000000e-01 : f32
    %mul3A_18 = vector.broadcast %mul3A_17 : f32 to vector<2048x128xf32>
    %mul3A_19 = arith.mulf %mul3A_18, %add3A_14 : vector<2048x128xf32>
    %select_n3A = arith.select %ge3A_16, %add3A_14, %mul3A_19 : vector<2048x128xi1>, vector<2048x128xf32>
    %get3A_20 = arith.constant 0 : index
    %get3A_21 = arith.constant 0 : index
    %get3A_22 = vector.load %arg3[%get3A_20, %get3A_21] : memref<128x128xf32, #tpu.memory_space<vmem>>, vector<128x128xf32>
    %dot_general3A = arith.constant dense<0.000000e+00> : vector<2048x128xf32>
    %dot_general3A_23 = tpu.matmul %select_n3A, %get3A_22, %dot_general3A {dimension_numbers = #tpu.dot_dimension_numbers<[1], [1], [0], [0], [0, 0, 1, 0], [], []>, precision = #tpu.contract_precision<fp32>, transpose_lhs_hint = false} : vector<2048x128xf32>, vector<128x128xf32>, vector<2048x128xf32> -> vector<2048x128xf32>
    %swap3A = arith.constant 0 : index
    %swap3A_24 = arith.constant 0 : index
    %swap3A_25 = vector.load %arg6[%swap3A, %swap3A_24] : memref<2048x128xf32, #tpu.memory_space<vmem>>, vector<2048x128xf32>
    tpu.vector_store %arg6[%swap3A, %swap3A_24], %dot_general3A_23 {strides = array<i32>} : memref<2048x128xf32, #tpu.memory_space<vmem>>, vector<2048x128xf32>,
    %eq3A = arith.constant 0 : i32
    %eq3A_26 = arith.cmpi eq, %arg0, %eq3A : i32
    %reduce_sum3A = arith.constant dense<0.000000e+00> : vector<128xf32>
    %reduce_sum3A_27 = vector.multi_reduction <add>, %dot_general3A_23, %reduce_sum3A [0] : vector<2048x128xf32> to vector<128xf32>
    %mul3A_28 = arith.mulf %dot_general3A_23, %dot_general3A_23 : vector<2048x128xf32>
    %reduce_sum3A_29 = arith.constant dense<0.000000e+00> : vector<128xf32>
    %reduce_sum3A_30 = vector.multi_reduction <add>, %mul3A_28, %reduce_sum3A_29 [0] : vector<2048x128xf32> to vector<128xf32>
    %stack3A = vector.shape_cast %reduce_sum3A_27 : vector<128xf32> to vector<1x128xf32>
    %stack3A_31 = vector.shape_cast %reduce_sum3A_30 : vector<128xf32> to vector<1x128xf32>
    %stack3A_32 = tpu.concatenate %stack3A, %stack3A_31 in 0 : vector<1x128xf32>, vector<1x128xf32> -> vector<2x128xf32>
    %convert_element_type3A = arith.extui %eq3A_26 : i1 to i32
    %cond3A = arith.constant 0 : i32
    %cond3A_33 = arith.cmpi ne, %convert_element_type3A, %cond3A : i32
    scf.if %cond3A_33 {
      %swap3A_38 = arith.constant 0 : index
      %swap3A_39 = arith.constant 0 : index
      %swap3A_40 = vector.load %arg7[%swap3A_38, %swap3A_39] : memref<2x128xf32, #tpu.memory_space<vmem>>, vector<2x128xf32>
      tpu.vector_store %arg7[%swap3A_38, %swap3A_39], %stack3A_32 {strides = array<i32>} : memref<2x128xf32, #tpu.memory_space<vmem>>, vector<2x128xf32>,
    } else {
    }
    %not3A = arith.constant true
    %not3A_34 = arith.xori %eq3A_26, %not3A : i1
    %convert_element_type3A_35 = arith.extui %not3A_34 : i1 to i32
    %cond3A_36 = arith.constant 0 : i32
    %cond3A_37 = arith.cmpi ne, %convert_element_type3A_35, %cond3A_36 : i32
    scf.if %cond3A_37 {
      %get3A_38 = arith.constant 0 : index
      %get3A_39 = arith.constant 0 : index
      %get3A_40 = vector.load %arg7[%get3A_38, %get3A_39] : memref<2x128xf32, #tpu.memory_space<vmem>>, vector<2x128xf32>
      %add3A_41 = arith.addf %get3A_40, %stack3A_32 : vector<2x128xf32>
      %swap3A_42 = arith.constant 0 : index
      %swap3A_43 = arith.constant 0 : index
      %swap3A_44 = vector.load %arg7[%swap3A_42, %swap3A_43] : memref<2x128xf32, #tpu.memory_space<vmem>>, vector<2x128xf32>
      tpu.vector_store %arg7[%swap3A_42, %swap3A_43], %add3A_41 {strides = array<i32>} : memref<2x128xf32, #tpu.memory_space<vmem>>, vector<2x128xf32>,
    } else {
    }
    return
  }
  func.func @transform_0(%arg0: i32) -> (i32, i32) {
    %c0_i32 = arith.constant 0 : i32
    %c0_i32_0 = arith.constant 0 : i32
    return %arg0, %c0_i32 : i32, i32
  }
  func.func @transform_1(%arg0: i32) -> (i32, i32) {
    %c0_i32 = arith.constant 0 : i32
    %c0_i32_0 = arith.constant 0 : i32
    return %arg0, %c0_i32 : i32, i32
  }
  func.func @transform_2(%arg0: i32) -> (i32, i32) {
    %c0_i32 = arith.constant 0 : i32
    %c0_i32_0 = arith.constant 0 : i32
    %c0_i32_1 = arith.constant 0 : i32
    return %c0_i32, %c0_i32_0 : i32, i32
  }
  func.func @transform_3(%arg0: i32) -> (i32, i32) {
    %c0_i32 = arith.constant 0 : i32
    %c0_i32_0 = arith.constant 0 : i32
    %c0_i32_1 = arith.constant 0 : i32
    return %c0_i32, %c0_i32_0 : i32, i32
  }
  func.func @transform_4(%arg0: i32) -> (i32, i32) {
    %c0_i32 = arith.constant 0 : i32
    %c0_i32_0 = arith.constant 0 : i32
    %c0_i32_1 = arith.constant 0 : i32
    return %c0_i32, %c0_i32_0 : i32, i32
  }
  func.func @transform_5(%arg0: i32) -> (i32, i32) {
    %c0_i32 = arith.constant 0 : i32
    %c0_i32_0 = arith.constant 0 : i32
    return %arg0, %c0_i32 : i32, i32
  }
  func.func @transform_6(%arg0: i32) -> (i32, i32) {
    %c0_i32 = arith.constant 0 : i32
    %c0_i32_0 = arith.constant 0 : i32
    %c0_i32_1 = arith.constant 0 : i32
    return %c0_i32, %c0_i32_0 : i32, i32
  }
}

module attributes {stable_mosaic.version = 14 : i64} {
  func.func @_a5_body(%arg0: i32, %arg1: memref<2048x128xf32, #tpu.memory_space<vmem>>, %arg2: memref<128x128xf32, #tpu.memory_space<vmem>>, %arg3: memref<2048x128xf32, #tpu.memory_space<vmem>>, %arg4: memref<128x128xf32, #tpu.memory_space<vmem>>, %arg5: memref<1x128xf32, #tpu.memory_space<vmem>>, %arg6: memref<1x128xf32, #tpu.memory_space<vmem>>, %arg7: memref<2048x128xf32, #tpu.memory_space<vmem>>, %arg8: memref<2048x128xf32, #tpu.memory_space<vmem>>, %arg9: memref<2x128xf32, #tpu.memory_space<vmem>>) attributes {dimension_semantics = [#tpu.dimension_semantics<arbitrary>], iteration_bounds = array<i64: 32>, scalar_prefetch = 0 : i64, scratch_operands = 0 : i64, tpu.core_type = #tpu.core_type<tc>, window_params = [{transform_indices = @transform_0, window_bounds = array<i64: 2048, 128>}, {transform_indices = @transform_1, window_bounds = array<i64: 128, 128>}, {transform_indices = @transform_2, window_bounds = array<i64: 2048, 128>}, {pipeline_mode = #tpu.pipeline_mode<synchronous>, transform_indices = @transform_3, window_bounds = array<i64: 128, 128>}, {pipeline_mode = #tpu.pipeline_mode<synchronous>, transform_indices = @transform_4, window_bounds = array<i64: 1, 128>}, {pipeline_mode = #tpu.pipeline_mode<synchronous>, transform_indices = @transform_5, window_bounds = array<i64: 1, 128>}, {transform_indices = @transform_6, window_bounds = array<i64: 2048, 128>}, {transform_indices = @transform_7, window_bounds = array<i64: 2048, 128>}, {pipeline_mode = #tpu.pipeline_mode<synchronous>, transform_indices = @transform_8, window_bounds = array<i64: 2, 128>}]} {
    %get3A = arith.constant 0 : index
    %get3A_0 = arith.constant 0 : index
    %get3A_1 = vector.load %arg1[%get3A, %get3A_0] : memref<2048x128xf32, #tpu.memory_space<vmem>>, vector<2048x128xf32>
    %get3A_2 = arith.constant 0 : index
    %get3A_3 = arith.constant 0 : index
    %get3A_4 = vector.load %arg5[%get3A_2, %get3A_3] : memref<1x128xf32, #tpu.memory_space<vmem>>, vector<1x128xf32>
    %mul3A = vector.broadcast %get3A_4 : vector<1x128xf32> to vector<2048x128xf32>
    %mul3A_5 = arith.mulf %get3A_1, %mul3A : vector<2048x128xf32>
    %get3A_6 = arith.constant 0 : index
    %get3A_7 = arith.constant 0 : index
    %get3A_8 = vector.load %arg6[%get3A_6, %get3A_7] : memref<1x128xf32, #tpu.memory_space<vmem>>, vector<1x128xf32>
    %add3A = vector.broadcast %get3A_8 : vector<1x128xf32> to vector<2048x128xf32>
    %add3A_9 = arith.addf %mul3A_5, %add3A : vector<2048x128xf32>
    %ge3A = arith.constant 0.000000e+00 : f32
    %ge3A_10 = vector.broadcast %ge3A : f32 to vector<2048x128xf32>
    %ge3A_11 = arith.cmpf oge, %add3A_9, %ge3A_10 : vector<2048x128xf32>
    %mul3A_12 = arith.constant 2.000000e-01 : f32
    %mul3A_13 = vector.broadcast %mul3A_12 : f32 to vector<2048x128xf32>
    %mul3A_14 = arith.mulf %mul3A_13, %add3A_9 : vector<2048x128xf32>
    %select_n3A = arith.select %ge3A_11, %add3A_9, %mul3A_14 : vector<2048x128xi1>, vector<2048x128xf32>
    %swap3A = arith.constant 0 : index
    %swap3A_15 = arith.constant 0 : index
    %swap3A_16 = vector.load %arg7[%swap3A, %swap3A_15] : memref<2048x128xf32, #tpu.memory_space<vmem>>, vector<2048x128xf32>
    tpu.vector_store %arg7[%swap3A, %swap3A_15], %select_n3A {strides = array<i32>} : memref<2048x128xf32, #tpu.memory_space<vmem>>, vector<2048x128xf32>,
    %get3A_17 = arith.constant 0 : index
    %get3A_18 = arith.constant 0 : index
    %get3A_19 = vector.load %arg2[%get3A_17, %get3A_18] : memref<128x128xf32, #tpu.memory_space<vmem>>, vector<128x128xf32>
    %broadcast_in_dim3A = vector.shape_cast %get3A_19 : vector<128x128xf32> to vector<128x1x128xf32>
    %broadcast_in_dim3A_20 = vector.shape_cast %broadcast_in_dim3A : vector<128x1x128xf32> to vector<128x1x128xf32>
    %broadcast_in_dim3A_21 = vector.broadcast %broadcast_in_dim3A_20 : vector<128x1x128xf32> to vector<128x16x128xf32>
    %reshape3A = vector.shape_cast %broadcast_in_dim3A_21 : vector<128x16x128xf32> to vector<2048x128xf32>
    %get3A_22 = arith.constant 0 : index
    %get3A_23 = arith.constant 0 : index
    %get3A_24 = vector.load %arg3[%get3A_22, %get3A_23] : memref<2048x128xf32, #tpu.memory_space<vmem>>, vector<2048x128xf32>
    %sub3A = arith.subf %reshape3A, %get3A_24 : vector<2048x128xf32>
    %add3A_25 = arith.addf %sub3A, %select_n3A : vector<2048x128xf32>
    %get3A_26 = arith.constant 0 : index
    %get3A_27 = arith.constant 0 : index
    %get3A_28 = vector.load %arg4[%get3A_26, %get3A_27] : memref<128x128xf32, #tpu.memory_space<vmem>>, vector<128x128xf32>
    %dot_general3A = arith.constant dense<0.000000e+00> : vector<2048x128xf32>
    %dot_general3A_29 = tpu.matmul %add3A_25, %get3A_28, %dot_general3A {dimension_numbers = #tpu.dot_dimension_numbers<[1], [1], [0], [0], [0, 0, 1, 0], [], []>, precision = #tpu.contract_precision<fp32>, transpose_lhs_hint = false} : vector<2048x128xf32>, vector<128x128xf32>, vector<2048x128xf32> -> vector<2048x128xf32>
    %swap3A_30 = arith.constant 0 : index
    %swap3A_31 = arith.constant 0 : index
    %swap3A_32 = vector.load %arg8[%swap3A_30, %swap3A_31] : memref<2048x128xf32, #tpu.memory_space<vmem>>, vector<2048x128xf32>
    tpu.vector_store %arg8[%swap3A_30, %swap3A_31], %dot_general3A_29 {strides = array<i32>} : memref<2048x128xf32, #tpu.memory_space<vmem>>, vector<2048x128xf32>,
    %eq3A = arith.constant 0 : i32
    %eq3A_33 = arith.cmpi eq, %arg0, %eq3A : i32
    %reduce_sum3A = arith.constant dense<0.000000e+00> : vector<128xf32>
    %reduce_sum3A_34 = vector.multi_reduction <add>, %dot_general3A_29, %reduce_sum3A [0] : vector<2048x128xf32> to vector<128xf32>
    %mul3A_35 = arith.mulf %dot_general3A_29, %dot_general3A_29 : vector<2048x128xf32>
    %reduce_sum3A_36 = arith.constant dense<0.000000e+00> : vector<128xf32>
    %reduce_sum3A_37 = vector.multi_reduction <add>, %mul3A_35, %reduce_sum3A_36 [0] : vector<2048x128xf32> to vector<128xf32>
    %stack3A = vector.shape_cast %reduce_sum3A_34 : vector<128xf32> to vector<1x128xf32>
    %stack3A_38 = vector.shape_cast %reduce_sum3A_37 : vector<128xf32> to vector<1x128xf32>
    %stack3A_39 = tpu.concatenate %stack3A, %stack3A_38 in 0 : vector<1x128xf32>, vector<1x128xf32> -> vector<2x128xf32>
    %convert_element_type3A = arith.extui %eq3A_33 : i1 to i32
    %cond3A = arith.constant 0 : i32
    %cond3A_40 = arith.cmpi ne, %convert_element_type3A, %cond3A : i32
    scf.if %cond3A_40 {
      %swap3A_45 = arith.constant 0 : index
      %swap3A_46 = arith.constant 0 : index
      %swap3A_47 = vector.load %arg9[%swap3A_45, %swap3A_46] : memref<2x128xf32, #tpu.memory_space<vmem>>, vector<2x128xf32>
      tpu.vector_store %arg9[%swap3A_45, %swap3A_46], %stack3A_39 {strides = array<i32>} : memref<2x128xf32, #tpu.memory_space<vmem>>, vector<2x128xf32>,
    } else {
    }
    %not3A = arith.constant true
    %not3A_41 = arith.xori %eq3A_33, %not3A : i1
    %convert_element_type3A_42 = arith.extui %not3A_41 : i1 to i32
    %cond3A_43 = arith.constant 0 : i32
    %cond3A_44 = arith.cmpi ne, %convert_element_type3A_42, %cond3A_43 : i32
    scf.if %cond3A_44 {
      %get3A_45 = arith.constant 0 : index
      %get3A_46 = arith.constant 0 : index
      %get3A_47 = vector.load %arg9[%get3A_45, %get3A_46] : memref<2x128xf32, #tpu.memory_space<vmem>>, vector<2x128xf32>
      %add3A_48 = arith.addf %get3A_47, %stack3A_39 : vector<2x128xf32>
      %swap3A_49 = arith.constant 0 : index
      %swap3A_50 = arith.constant 0 : index
      %swap3A_51 = vector.load %arg9[%swap3A_49, %swap3A_50] : memref<2x128xf32, #tpu.memory_space<vmem>>, vector<2x128xf32>
      tpu.vector_store %arg9[%swap3A_49, %swap3A_50], %add3A_48 {strides = array<i32>} : memref<2x128xf32, #tpu.memory_space<vmem>>, vector<2x128xf32>,
    } else {
    }
    return
  }
  func.func @transform_0(%arg0: i32) -> (i32, i32) {
    %c0_i32 = arith.constant 0 : i32
    %c0_i32_0 = arith.constant 0 : i32
    return %arg0, %c0_i32 : i32, i32
  }
  func.func @transform_1(%arg0: i32) -> (i32, i32) {
    %c0_i32 = arith.constant 0 : i32
    %c0_i32_0 = arith.constant 0 : i32
    return %arg0, %c0_i32 : i32, i32
  }
  func.func @transform_2(%arg0: i32) -> (i32, i32) {
    %c0_i32 = arith.constant 0 : i32
    %c0_i32_0 = arith.constant 0 : i32
    return %arg0, %c0_i32 : i32, i32
  }
  func.func @transform_3(%arg0: i32) -> (i32, i32) {
    %c0_i32 = arith.constant 0 : i32
    %c0_i32_0 = arith.constant 0 : i32
    %c0_i32_1 = arith.constant 0 : i32
    return %c0_i32, %c0_i32_0 : i32, i32
  }
  func.func @transform_4(%arg0: i32) -> (i32, i32) {
    %c0_i32 = arith.constant 0 : i32
    %c0_i32_0 = arith.constant 0 : i32
    %c0_i32_1 = arith.constant 0 : i32
    return %c0_i32, %c0_i32_0 : i32, i32
  }
  func.func @transform_5(%arg0: i32) -> (i32, i32) {
    %c0_i32 = arith.constant 0 : i32
    %c0_i32_0 = arith.constant 0 : i32
    %c0_i32_1 = arith.constant 0 : i32
    return %c0_i32, %c0_i32_0 : i32, i32
  }
  func.func @transform_6(%arg0: i32) -> (i32, i32) {
    %c0_i32 = arith.constant 0 : i32
    %c0_i32_0 = arith.constant 0 : i32
    return %arg0, %c0_i32 : i32, i32
  }
  func.func @transform_7(%arg0: i32) -> (i32, i32) {
    %c0_i32 = arith.constant 0 : i32
    %c0_i32_0 = arith.constant 0 : i32
    return %arg0, %c0_i32 : i32, i32
  }
  func.func @transform_8(%arg0: i32) -> (i32, i32) {
    %c0_i32 = arith.constant 0 : i32
    %c0_i32_0 = arith.constant 0 : i32
    %c0_i32_1 = arith.constant 0 : i32
    return %c0_i32, %c0_i32_0 : i32, i32
  }
}

module attributes {stable_mosaic.version = 14 : i64} {
  func.func @_mm_body(%arg0: i32, %arg1: memref<2048x128xf32, #tpu.memory_space<vmem>>, %arg2: memref<128x128xf32, #tpu.memory_space<vmem>>, %arg3: memref<1x128xf32, #tpu.memory_space<vmem>>, %arg4: memref<1x128xf32, #tpu.memory_space<vmem>>, %arg5: memref<2048x128xf32, #tpu.memory_space<vmem>>, %arg6: memref<2x128xf32, #tpu.memory_space<vmem>>) attributes {dimension_semantics = [#tpu.dimension_semantics<arbitrary>], iteration_bounds = array<i64: 32>, scalar_prefetch = 0 : i64, scratch_operands = 0 : i64, tpu.core_type = #tpu.core_type<tc>, window_params = [{transform_indices = @transform_0, window_bounds = array<i64: 2048, 128>}, {pipeline_mode = #tpu.pipeline_mode<synchronous>, transform_indices = @transform_1, window_bounds = array<i64: 128, 128>}, {pipeline_mode = #tpu.pipeline_mode<synchronous>, transform_indices = @transform_2, window_bounds = array<i64: 1, 128>}, {pipeline_mode = #tpu.pipeline_mode<synchronous>, transform_indices = @transform_3, window_bounds = array<i64: 1, 128>}, {transform_indices = @transform_4, window_bounds = array<i64: 2048, 128>}, {pipeline_mode = #tpu.pipeline_mode<synchronous>, transform_indices = @transform_5, window_bounds = array<i64: 2, 128>}]} {
    %get3A = arith.constant 0 : index
    %get3A_0 = arith.constant 0 : index
    %get3A_1 = vector.load %arg1[%get3A, %get3A_0] : memref<2048x128xf32, #tpu.memory_space<vmem>>, vector<2048x128xf32>
    %get3A_2 = arith.constant 0 : index
    %get3A_3 = arith.constant 0 : index
    %get3A_4 = vector.load %arg3[%get3A_2, %get3A_3] : memref<1x128xf32, #tpu.memory_space<vmem>>, vector<1x128xf32>
    %mul3A = vector.broadcast %get3A_4 : vector<1x128xf32> to vector<2048x128xf32>
    %mul3A_5 = arith.mulf %get3A_1, %mul3A : vector<2048x128xf32>
    %get3A_6 = arith.constant 0 : index
    %get3A_7 = arith.constant 0 : index
    %get3A_8 = vector.load %arg4[%get3A_6, %get3A_7] : memref<1x128xf32, #tpu.memory_space<vmem>>, vector<1x128xf32>
    %add3A = vector.broadcast %get3A_8 : vector<1x128xf32> to vector<2048x128xf32>
    %add3A_9 = arith.addf %mul3A_5, %add3A : vector<2048x128xf32>
    %ge3A = arith.constant 0.000000e+00 : f32
    %ge3A_10 = vector.broadcast %ge3A : f32 to vector<2048x128xf32>
    %ge3A_11 = arith.cmpf oge, %add3A_9, %ge3A_10 : vector<2048x128xf32>
    %mul3A_12 = arith.constant 2.000000e-01 : f32
    %mul3A_13 = vector.broadcast %mul3A_12 : f32 to vector<2048x128xf32>
    %mul3A_14 = arith.mulf %mul3A_13, %add3A_9 : vector<2048x128xf32>
    %select_n3A = arith.select %ge3A_11, %add3A_9, %mul3A_14 : vector<2048x128xi1>, vector<2048x128xf32>
    %get3A_15 = arith.constant 0 : index
    %get3A_16 = arith.constant 0 : index
    %get3A_17 = vector.load %arg2[%get3A_15, %get3A_16] : memref<128x128xf32, #tpu.memory_space<vmem>>, vector<128x128xf32>
    %dot_general3A = arith.constant dense<0.000000e+00> : vector<2048x128xf32>
    %dot_general3A_18 = tpu.matmul %select_n3A, %get3A_17, %dot_general3A {dimension_numbers = #tpu.dot_dimension_numbers<[1], [1], [0], [0], [0, 0, 1, 0], [], []>, precision = #tpu.contract_precision<fp32>, transpose_lhs_hint = false} : vector<2048x128xf32>, vector<128x128xf32>, vector<2048x128xf32> -> vector<2048x128xf32>
    %swap3A = arith.constant 0 : index
    %swap3A_19 = arith.constant 0 : index
    %swap3A_20 = vector.load %arg5[%swap3A, %swap3A_19] : memref<2048x128xf32, #tpu.memory_space<vmem>>, vector<2048x128xf32>
    tpu.vector_store %arg5[%swap3A, %swap3A_19], %dot_general3A_18 {strides = array<i32>} : memref<2048x128xf32, #tpu.memory_space<vmem>>, vector<2048x128xf32>,
    %eq3A = arith.constant 0 : i32
    %eq3A_21 = arith.cmpi eq, %arg0, %eq3A : i32
    %reduce_sum3A = arith.constant dense<0.000000e+00> : vector<128xf32>
    %reduce_sum3A_22 = vector.multi_reduction <add>, %dot_general3A_18, %reduce_sum3A [0] : vector<2048x128xf32> to vector<128xf32>
    %mul3A_23 = arith.mulf %dot_general3A_18, %dot_general3A_18 : vector<2048x128xf32>
    %reduce_sum3A_24 = arith.constant dense<0.000000e+00> : vector<128xf32>
    %reduce_sum3A_25 = vector.multi_reduction <add>, %mul3A_23, %reduce_sum3A_24 [0] : vector<2048x128xf32> to vector<128xf32>
    %stack3A = vector.shape_cast %reduce_sum3A_22 : vector<128xf32> to vector<1x128xf32>
    %stack3A_26 = vector.shape_cast %reduce_sum3A_25 : vector<128xf32> to vector<1x128xf32>
    %stack3A_27 = tpu.concatenate %stack3A, %stack3A_26 in 0 : vector<1x128xf32>, vector<1x128xf32> -> vector<2x128xf32>
    %convert_element_type3A = arith.extui %eq3A_21 : i1 to i32
    %cond3A = arith.constant 0 : i32
    %cond3A_28 = arith.cmpi ne, %convert_element_type3A, %cond3A : i32
    scf.if %cond3A_28 {
      %swap3A_33 = arith.constant 0 : index
      %swap3A_34 = arith.constant 0 : index
      %swap3A_35 = vector.load %arg6[%swap3A_33, %swap3A_34] : memref<2x128xf32, #tpu.memory_space<vmem>>, vector<2x128xf32>
      tpu.vector_store %arg6[%swap3A_33, %swap3A_34], %stack3A_27 {strides = array<i32>} : memref<2x128xf32, #tpu.memory_space<vmem>>, vector<2x128xf32>,
    } else {
    }
    %not3A = arith.constant true
    %not3A_29 = arith.xori %eq3A_21, %not3A : i1
    %convert_element_type3A_30 = arith.extui %not3A_29 : i1 to i32
    %cond3A_31 = arith.constant 0 : i32
    %cond3A_32 = arith.cmpi ne, %convert_element_type3A_30, %cond3A_31 : i32
    scf.if %cond3A_32 {
      %get3A_33 = arith.constant 0 : index
      %get3A_34 = arith.constant 0 : index
      %get3A_35 = vector.load %arg6[%get3A_33, %get3A_34] : memref<2x128xf32, #tpu.memory_space<vmem>>, vector<2x128xf32>
      %add3A_36 = arith.addf %get3A_35, %stack3A_27 : vector<2x128xf32>
      %swap3A_37 = arith.constant 0 : index
      %swap3A_38 = arith.constant 0 : index
      %swap3A_39 = vector.load %arg6[%swap3A_37, %swap3A_38] : memref<2x128xf32, #tpu.memory_space<vmem>>, vector<2x128xf32>
      tpu.vector_store %arg6[%swap3A_37, %swap3A_38], %add3A_36 {strides = array<i32>} : memref<2x128xf32, #tpu.memory_space<vmem>>, vector<2x128xf32>,
    } else {
    }
    return
  }
  func.func @transform_0(%arg0: i32) -> (i32, i32) {
    %c0_i32 = arith.constant 0 : i32
    %c0_i32_0 = arith.constant 0 : i32
    return %arg0, %c0_i32 : i32, i32
  }
  func.func @transform_1(%arg0: i32) -> (i32, i32) {
    %c0_i32 = arith.constant 0 : i32
    %c0_i32_0 = arith.constant 0 : i32
    %c0_i32_1 = arith.constant 0 : i32
    return %c0_i32, %c0_i32_0 : i32, i32
  }
  func.func @transform_2(%arg0: i32) -> (i32, i32) {
    %c0_i32 = arith.constant 0 : i32
    %c0_i32_0 = arith.constant 0 : i32
    %c0_i32_1 = arith.constant 0 : i32
    return %c0_i32, %c0_i32_0 : i32, i32
  }
  func.func @transform_3(%arg0: i32) -> (i32, i32) {
    %c0_i32 = arith.constant 0 : i32
    %c0_i32_0 = arith.constant 0 : i32
    %c0_i32_1 = arith.constant 0 : i32
    return %c0_i32, %c0_i32_0 : i32, i32
  }
  func.func @transform_4(%arg0: i32) -> (i32, i32) {
    %c0_i32 = arith.constant 0 : i32
    %c0_i32_0 = arith.constant 0 : i32
    return %arg0, %c0_i32 : i32, i32
  }
  func.func @transform_5(%arg0: i32) -> (i32, i32) {
    %c0_i32 = arith.constant 0 : i32
    %c0_i32_0 = arith.constant 0 : i32
    %c0_i32_1 = arith.constant 0 : i32
    return %c0_i32, %c0_i32_0 : i32, i32
  }
}

module attributes {stable_mosaic.version = 14 : i64} {
  func.func @_a7_body(%arg0: i32, %arg1: memref<2048x128xf32, #tpu.memory_space<vmem>>, %arg2: memref<2048x128xf32, #tpu.memory_space<vmem>>, %arg3: memref<2048x128xf32, #tpu.memory_space<vmem>>, %arg4: memref<1x128xf32, #tpu.memory_space<vmem>>, %arg5: memref<1x128xf32, #tpu.memory_space<vmem>>, %arg6: memref<128x128xf32, #tpu.memory_space<vmem>>) attributes {dimension_semantics = [#tpu.dimension_semantics<arbitrary>], iteration_bounds = array<i64: 32>, scalar_prefetch = 0 : i64, scratch_operands = 0 : i64, tpu.core_type = #tpu.core_type<tc>, window_params = [{transform_indices = @transform_0, window_bounds = array<i64: 2048, 128>}, {transform_indices = @transform_1, window_bounds = array<i64: 2048, 128>}, {transform_indices = @transform_2, window_bounds = array<i64: 2048, 128>}, {pipeline_mode = #tpu.pipeline_mode<synchronous>, transform_indices = @transform_3, window_bounds = array<i64: 1, 128>}, {pipeline_mode = #tpu.pipeline_mode<synchronous>, transform_indices = @transform_4, window_bounds = array<i64: 1, 128>}, {transform_indices = @transform_5, window_bounds = array<i64: 128, 128>}]} {
    %get3A = arith.constant 0 : index
    %get3A_0 = arith.constant 0 : index
    %get3A_1 = vector.load %arg1[%get3A, %get3A_0] : memref<2048x128xf32, #tpu.memory_space<vmem>>, vector<2048x128xf32>
    %get3A_2 = arith.constant 0 : index
    %get3A_3 = arith.constant 0 : index
    %get3A_4 = vector.load %arg4[%get3A_2, %get3A_3] : memref<1x128xf32, #tpu.memory_space<vmem>>, vector<1x128xf32>
    %mul3A = vector.broadcast %get3A_4 : vector<1x128xf32> to vector<2048x128xf32>
    %mul3A_5 = arith.mulf %get3A_1, %mul3A : vector<2048x128xf32>
    %get3A_6 = arith.constant 0 : index
    %get3A_7 = arith.constant 0 : index
    %get3A_8 = vector.load %arg5[%get3A_6, %get3A_7] : memref<1x128xf32, #tpu.memory_space<vmem>>, vector<1x128xf32>
    %add3A = vector.broadcast %get3A_8 : vector<1x128xf32> to vector<2048x128xf32>
    %add3A_9 = arith.addf %mul3A_5, %add3A : vector<2048x128xf32>
    %ge3A = arith.constant 0.000000e+00 : f32
    %ge3A_10 = vector.broadcast %ge3A : f32 to vector<2048x128xf32>
    %ge3A_11 = arith.cmpf oge, %add3A_9, %ge3A_10 : vector<2048x128xf32>
    %mul3A_12 = arith.constant 2.000000e-01 : f32
    %mul3A_13 = vector.broadcast %mul3A_12 : f32 to vector<2048x128xf32>
    %mul3A_14 = arith.mulf %mul3A_13, %add3A_9 : vector<2048x128xf32>
    %select_n3A = arith.select %ge3A_11, %add3A_9, %mul3A_14 : vector<2048x128xi1>, vector<2048x128xf32>
    %mul3A_15 = arith.constant 0.0220970865 : f32
    %mul3A_16 = vector.broadcast %mul3A_15 : f32 to vector<2048x128xf32>
    %mul3A_17 = arith.mulf %select_n3A, %mul3A_16 : vector<2048x128xf32>
    %reshape3A = vector.shape_cast %mul3A_17 : vector<2048x128xf32> to vector<128x16x128xf32>
    %reduce_max3A = arith.constant dense<0xFF800000> : vector<128x128xf32>
    %reduce_max3A_18 = vector.multi_reduction <maximumf>, %reshape3A, %reduce_max3A [1] : vector<128x16x128xf32> to vector<128x128xf32>
    %broadcast_in_dim3A = vector.shape_cast %reduce_max3A_18 : vector<128x128xf32> to vector<128x1x128xf32>
    %sub3A = vector.broadcast %broadcast_in_dim3A : vector<128x1x128xf32> to vector<128x16x128xf32>
    %sub3A_19 = arith.subf %reshape3A, %sub3A : vector<128x16x128xf32>
    %exp3A = math.exp %sub3A_19 : vector<128x16x128xf32>
    %reduce_sum3A = arith.constant dense<0.000000e+00> : vector<128x128xf32>
    %reduce_sum3A_20 = vector.multi_reduction <add>, %exp3A, %reduce_sum3A [1] : vector<128x16x128xf32> to vector<128x128xf32>
    %broadcast_in_dim3A_21 = vector.shape_cast %reduce_sum3A_20 : vector<128x128xf32> to vector<128x1x128xf32>
    %div3A = vector.broadcast %broadcast_in_dim3A_21 : vector<128x1x128xf32> to vector<128x16x128xf32>
    %div3A_22 = arith.divf %exp3A, %div3A : vector<128x16x128xf32>
    %get3A_23 = arith.constant 0 : index
    %get3A_24 = arith.constant 0 : index
    %get3A_25 = vector.load %arg2[%get3A_23, %get3A_24] : memref<2048x128xf32, #tpu.memory_space<vmem>>, vector<2048x128xf32>
    %get3A_26 = arith.constant 0 : index
    %get3A_27 = arith.constant 0 : index
    %get3A_28 = vector.load %arg3[%get3A_26, %get3A_27] : memref<2048x128xf32, #tpu.memory_space<vmem>>, vector<2048x128xf32>
    %add3A_29 = arith.addf %get3A_25, %get3A_28 : vector<2048x128xf32>
    %reshape3A_30 = vector.shape_cast %add3A_29 : vector<2048x128xf32> to vector<128x16x128xf32>
    %mul3A_31 = arith.mulf %div3A_22, %reshape3A_30 : vector<128x16x128xf32>
    %reduce_sum3A_32 = arith.constant dense<0.000000e+00> : vector<128x128xf32>
    %reduce_sum3A_33 = vector.multi_reduction <add>, %mul3A_31, %reduce_sum3A_32 [1] : vector<128x16x128xf32> to vector<128x128xf32>
    %swap3A = arith.constant 0 : index
    %swap3A_34 = arith.constant 0 : index
    %swap3A_35 = vector.load %arg6[%swap3A, %swap3A_34] : memref<128x128xf32, #tpu.memory_space<vmem>>, vector<128x128xf32>
    tpu.vector_store %arg6[%swap3A, %swap3A_34], %reduce_sum3A_33 {strides = array<i32>} : memref<128x128xf32, #tpu.memory_space<vmem>>, vector<128x128xf32>,
    return
  }
  func.func @transform_0(%arg0: i32) -> (i32, i32) {
    %c0_i32 = arith.constant 0 : i32
    %c0_i32_0 = arith.constant 0 : i32
    return %arg0, %c0_i32 : i32, i32
  }
  func.func @transform_1(%arg0: i32) -> (i32, i32) {
    %c0_i32 = arith.constant 0 : i32
    %c0_i32_0 = arith.constant 0 : i32
    return %arg0, %c0_i32 : i32, i32
  }
  func.func @transform_2(%arg0: i32) -> (i32, i32) {
    %c0_i32 = arith.constant 0 : i32
    %c0_i32_0 = arith.constant 0 : i32
    return %arg0, %c0_i32 : i32, i32
  }
  func.func @transform_3(%arg0: i32) -> (i32, i32) {
    %c0_i32 = arith.constant 0 : i32
    %c0_i32_0 = arith.constant 0 : i32
    %c0_i32_1 = arith.constant 0 : i32
    return %c0_i32, %c0_i32_0 : i32, i32
  }
  func.func @transform_4(%arg0: i32) -> (i32, i32) {
    %c0_i32 = arith.constant 0 : i32
    %c0_i32_0 = arith.constant 0 : i32
    %c0_i32_1 = arith.constant 0 : i32
    return %c0_i32, %c0_i32_0 : i32, i32
  }
  func.func @transform_5(%arg0: i32) -> (i32, i32) {
    %c0_i32 = arith.constant 0 : i32
    %c0_i32_0 = arith.constant 0 : i32
    return %arg0, %c0_i32 : i32, i32
  }
}

module attributes {stable_mosaic.version = 14 : i64} {
  func.func @_a8_body(%arg0: memref<4096x128xf32, #tpu.memory_space<vmem>>, %arg1: memref<64x128xf32, #tpu.memory_space<vmem>>, %arg2: memref<4096x64xf32, #tpu.memory_space<vmem>>, %arg3: memref<2x64xf32, #tpu.memory_space<vmem>>) attributes {dimension_semantics = [], scalar_prefetch = 0 : i64, scratch_operands = 0 : i64, tpu.core_type = #tpu.core_type<tc>} {
    %get3A = arith.constant 0 : index
    %get3A_0 = arith.constant 0 : index
    %get3A_1 = vector.load %arg0[%get3A, %get3A_0] : memref<4096x128xf32, #tpu.memory_space<vmem>>, vector<4096x128xf32>
    %get3A_2 = arith.constant 0 : index
    %get3A_3 = arith.constant 0 : index
    %get3A_4 = vector.load %arg1[%get3A_2, %get3A_3] : memref<64x128xf32, #tpu.memory_space<vmem>>, vector<64x128xf32>
    %dot_general3A = arith.constant dense<0.000000e+00> : vector<4096x64xf32>
    %dot_general3A_5 = tpu.matmul %get3A_1, %get3A_4, %dot_general3A {dimension_numbers = #tpu.dot_dimension_numbers<[1], [1], [0], [0], [0, 0, 1, 0], [], []>, precision = #tpu.contract_precision<fp32>, transpose_lhs_hint = false} : vector<4096x128xf32>, vector<64x128xf32>, vector<4096x64xf32> -> vector<4096x64xf32>
    %swap3A = arith.constant 0 : index
    %swap3A_6 = arith.constant 0 : index
    %swap3A_7 = vector.load %arg2[%swap3A, %swap3A_6] : memref<4096x64xf32, #tpu.memory_space<vmem>>, vector<4096x64xf32>
    tpu.vector_store %arg2[%swap3A, %swap3A_6], %dot_general3A_5 {strides = array<i32>} : memref<4096x64xf32, #tpu.memory_space<vmem>>, vector<4096x64xf32>,
    %reduce_sum3A = arith.constant dense<0.000000e+00> : vector<64xf32>
    %reduce_sum3A_8 = vector.multi_reduction <add>, %dot_general3A_5, %reduce_sum3A [0] : vector<4096x64xf32> to vector<64xf32>
    %mul3A = arith.mulf %dot_general3A_5, %dot_general3A_5 : vector<4096x64xf32>
    %reduce_sum3A_9 = arith.constant dense<0.000000e+00> : vector<64xf32>
    %reduce_sum3A_10 = vector.multi_reduction <add>, %mul3A, %reduce_sum3A_9 [0] : vector<4096x64xf32> to vector<64xf32>
    %stack3A = vector.shape_cast %reduce_sum3A_8 : vector<64xf32> to vector<1x64xf32>
    %stack3A_11 = vector.shape_cast %reduce_sum3A_10 : vector<64xf32> to vector<1x64xf32>
    %stack3A_12 = tpu.concatenate %stack3A, %stack3A_11 in 0 : vector<1x64xf32>, vector<1x64xf32> -> vector<2x64xf32>
    %swap3A_13 = arith.constant 0 : index
    %swap3A_14 = arith.constant 0 : index
    %swap3A_15 = vector.load %arg3[%swap3A_13, %swap3A_14] : memref<2x64xf32, #tpu.memory_space<vmem>>, vector<2x64xf32>
    tpu.vector_store %arg3[%swap3A_13, %swap3A_14], %stack3A_12 {strides = array<i32>} : memref<2x64xf32, #tpu.memory_space<vmem>>, vector<2x64xf32>,
    %not3A = arith.constant true
    %not3A_16 = arith.constant true
    %not3A_17 = arith.xori %not3A, %not3A_16 : i1
    %convert_element_type3A = arith.extui %not3A_17 : i1 to i32
    %cond3A = arith.constant 0 : i32
    %cond3A_18 = arith.cmpi ne, %convert_element_type3A, %cond3A : i32
    scf.if %cond3A_18 {
      %get3A_19 = arith.constant 0 : index
      %get3A_20 = arith.constant 0 : index
      %get3A_21 = vector.load %arg3[%get3A_19, %get3A_20] : memref<2x64xf32, #tpu.memory_space<vmem>>, vector<2x64xf32>
      %add3A = arith.addf %get3A_21, %stack3A_12 : vector<2x64xf32>
      %swap3A_22 = arith.constant 0 : index
      %swap3A_23 = arith.constant 0 : index
      %swap3A_24 = vector.load %arg3[%swap3A_22, %swap3A_23] : memref<2x64xf32, #tpu.memory_space<vmem>>, vector<2x64xf32>
      tpu.vector_store %arg3[%swap3A_22, %swap3A_23], %add3A {strides = array<i32>} : memref<2x64xf32, #tpu.memory_space<vmem>>, vector<2x64xf32>,
    } else {
    }
    return
  }
}

module attributes {stable_mosaic.version = 14 : i64} {
  func.func @_a9_body(%arg0: i32, %arg1: memref<2048x64xf32, #tpu.memory_space<vmem>>, %arg2: memref<1x64x2048xf32, #tpu.memory_space<vmem>>, %arg3: memref<1x64xf32, #tpu.memory_space<vmem>>, %arg4: memref<1x64xf32, #tpu.memory_space<vmem>>, %arg5: memref<1x64x2048xf32, #tpu.memory_space<vmem>>) attributes {dimension_semantics = [#tpu.dimension_semantics<arbitrary>], iteration_bounds = array<i64: 2>, scalar_prefetch = 0 : i64, scratch_operands = 0 : i64, tpu.core_type = #tpu.core_type<tc>, window_params = [{transform_indices = @transform_0, window_bounds = array<i64: 2048, 64>}, {transform_indices = @transform_1, window_bounds = array<i64: 1, 64, 2048>}, {pipeline_mode = #tpu.pipeline_mode<synchronous>, transform_indices = @transform_2, window_bounds = array<i64: 1, 64>}, {pipeline_mode = #tpu.pipeline_mode<synchronous>, transform_indices = @transform_3, window_bounds = array<i64: 1, 64>}, {transform_indices = @transform_4, window_bounds = array<i64: 1, 64, 2048>}]} {
    %get3A = arith.constant 0 : index
    %get3A_0 = arith.constant 0 : index
    %get3A_1 = vector.load %arg1[%get3A, %get3A_0] : memref<2048x64xf32, #tpu.memory_space<vmem>>, vector<2048x64xf32>
    %get3A_2 = arith.constant 0 : index
    %get3A_3 = arith.constant 0 : index
    %get3A_4 = vector.load %arg3[%get3A_2, %get3A_3] : memref<1x64xf32, #tpu.memory_space<vmem>>, vector<1x64xf32>
    %mul3A = vector.broadcast %get3A_4 : vector<1x64xf32> to vector<2048x64xf32>
    %mul3A_5 = arith.mulf %get3A_1, %mul3A : vector<2048x64xf32>
    %get3A_6 = arith.constant 0 : index
    %get3A_7 = arith.constant 0 : index
    %get3A_8 = vector.load %arg4[%get3A_6, %get3A_7] : memref<1x64xf32, #tpu.memory_space<vmem>>, vector<1x64xf32>
    %add3A = vector.broadcast %get3A_8 : vector<1x64xf32> to vector<2048x64xf32>
    %add3A_9 = arith.addf %mul3A_5, %add3A : vector<2048x64xf32>
    %ge3A = arith.constant 0.000000e+00 : f32
    %ge3A_10 = vector.broadcast %ge3A : f32 to vector<2048x64xf32>
    %ge3A_11 = arith.cmpf oge, %add3A_9, %ge3A_10 : vector<2048x64xf32>
    %mul3A_12 = arith.constant 2.000000e-01 : f32
    %mul3A_13 = vector.broadcast %mul3A_12 : f32 to vector<2048x64xf32>
    %mul3A_14 = arith.mulf %mul3A_13, %add3A_9 : vector<2048x64xf32>
    %select_n3A = arith.select %ge3A_11, %add3A_9, %mul3A_14 : vector<2048x64xi1>, vector<2048x64xf32>
    %transpose3A = tpu.transpose %select_n3A, [1, 0] : vector<2048x64xf32> -> vector<64x2048xf32>
    %get3A_15 = arith.constant 0 : index
    %get3A_16 = arith.constant 0 : index
    %get3A_17 = arith.constant 0 : index
    %get3A_18 = vector.load %arg2[%get3A_15, %get3A_16, %get3A_17] : memref<1x64x2048xf32, #tpu.memory_space<vmem>>, vector<1x64x2048xf32>
    %get3A_19 = vector.shape_cast %get3A_18 : vector<1x64x2048xf32> to vector<64x2048xf32>
    %add3A_20 = arith.addf %transpose3A, %get3A_19 : vector<64x2048xf32>
    %swap3A = arith.constant 0 : index
    %swap3A_21 = arith.constant 0 : index
    %swap3A_22 = arith.constant 0 : index
    %swap3A_23 = vector.load %arg5[%swap3A, %swap3A_21, %swap3A_22] : memref<1x64x2048xf32, #tpu.memory_space<vmem>>, vector<1x64x2048xf32>
    %swap3A_24 = vector.shape_cast %swap3A_23 : vector<1x64x2048xf32> to vector<64x2048xf32>
    %swap3A_25 = vector.shape_cast %add3A_20 : vector<64x2048xf32> to vector<1x64x2048xf32>
    tpu.vector_store %arg5[%swap3A, %swap3A_21, %swap3A_22], %swap3A_25 {strides = array<i32>} : memref<1x64x2048xf32, #tpu.memory_space<vmem>>, vector<1x64x2048xf32>,
    return
  }
  func.func @transform_0(%arg0: i32) -> (i32, i32) {
    %c0_i32 = arith.constant 0 : i32
    %c0_i32_0 = arith.constant 0 : i32
    return %arg0, %c0_i32 : i32, i32
  }
  func.func @transform_1(%arg0: i32) -> (i32, i32, i32) {
    %c0_i32 = arith.constant 0 : i32
    %c0_i32_0 = arith.constant 0 : i32
    %c0_i32_1 = arith.constant 0 : i32
    return %arg0, %c0_i32, %c0_i32_0 : i32, i32, i32
  }
  func.func @transform_2(%arg0: i32) -> (i32, i32) {
    %c0_i32 = arith.constant 0 : i32
    %c0_i32_0 = arith.constant 0 : i32
    %c0_i32_1 = arith.constant 0 : i32
    return %c0_i32, %c0_i32_0 : i32, i32
  }
  func.func @transform_3(%arg0: i32) -> (i32, i32) {
    %c0_i32 = arith.constant 0 : i32
    %c0_i32_0 = arith.constant 0 : i32
    %c0_i32_1 = arith.constant 0 : i32
    return %c0_i32, %c0_i32_0 : i32, i32
  }
  func.func @transform_4(%arg0: i32) -> (i32, i32, i32) {
    %c0_i32 = arith.constant 0 : i32
    %c0_i32_0 = arith.constant 0 : i32
    %c0_i32_1 = arith.constant 0 : i32
    return %arg0, %c0_i32, %c0_i32_0 : i32, i32, i32
  }
}

</mosaic_0001>

<sc_bundles>
// kernel: kernel.13.cloned.1.call-start
scs
__scs_entry_jumppad:
0x0: {  	(pc) =	sbr.rel $0x88, $3  }
0x1: {  	(tag) =	ssettag $0x0;
	lr =	simm.s32 $0x1  }
0x2: {  	[smem:$0x3F8A] =	sst lr;
	_ =	strace $0xD0000000  }
0x3: {  	_ = 	snop  }
0x4: {  	_ = 	snop  }
0x5: {  	_ = 	snop  }
0x6: {  	_ = 	snop  }
0x7: {  	_ = 	snop  }
__scs_overlays_trampoline_lowered:
0x8: {  	[smem:$0x3F99] =	sst s0  }
0x9: {  	[smem:$0x3F9A] =	sst s1  }
0xa: {  	[smem:$0x3F9B] =	sst s2  }
0xb: {  	[smem:$0x3F9C] =	sst s3  }
0xc: {  	[smem:$0x3F9D] =	sst s4  }
0xd: {  	[smem:$0x3F9E] =	sst s5  }
0xe: {  	[smem:$0x3F9F] =	sst s6  }
0xf: {  	[smem:$0x3FA0] =	sst s7  }
0x10: {  	[smem:$0x3FA1] =	sst s8  }
0x11: {  	[smem:$0x3FA2] =	sst s9;
	s0 =	simm.s32 @!p0 $0x0  }
0x12: {  	s1 =	sld [smem:$0x3F88];
	s0 =	simm.s32 @p0 $0x1  }
0x13: {  	[smem:$0x3FA3] =	sst s0;
	s0 =	simm.s32 @!p1 $0x0  }
0x14: {  	s2 =	sld [smem:$0x3F87];
	s0 =	simm.s32 @p1 $0x1  }
0x15: {  	[smem:$0x3FA4] =	sst s0;
	s0 =	simm.s32 @!p2 $0x0  }
0x16: {  	s3 =	sld [smem:$0x3FDB];
	s0 =	simm.s32 @p2 $0x1  }
0x17: {  	s4 =	simm.s32 $0x1BF5;
	[smem:$0x3FA6] =	sst s0  }
0x18: {  	s0 =	sld [smem:$0x3F89];
	_ =	swait.ge [sflag:s4], $0x0  }
0x19: {  	s7 =	sld [smem:$0x3F8A]  }
0x1a: {  	s8 =	sadd.s32 $0xFFFFE003, lr  }
0x1b: {  	s9 =	sadd.s32 $0xFFFFFEF7, lr;
	s5 =	simm.s32 $0xFFFFFFFF;
	p2 =	slt.u32 s8, $0xFFFFF086  }
0x1c: {  	p1 =	slt.u32 s9, $0xF7A;
	s5 =	simm.s32 @!p2 $0x0  }
0x1d: {  	s5 =	simm.s32 @p1 $0x1;
	p0 =	seq.s32 s7, s2  }
0x1e: {  	s7 =	smul.u32 @!p0 $0xF7A, s2;
	p2 =	seq.s32 @!p0 s5, $0x0  }
0x1f: {  	s9 =	smul.u32 $0xF7A, s1;
	s8 =	simm.s32 @!p0 $0x1BF5;
	p2 =	por !p2, p0  }
0x20: {  	[sflag:s8] =	ssyncset.s32 @!p0 $0xFFFFF086;
	s6 =	sadd.s32 @!p0 s3, s7;
	s7 =	simm.s32 @!p0 $0x108  }
0x21: {  	s3 =	sadd.s32 s3, s9;
	s6 =	sadd.s32 @!p0 $0x88, s6;
	s7 =	simm.s32 @p2 $0x1082  }
0x22: {  	[simem:s7], [sflag:s8] =	dma.local @!p0 [hbm:s6], $0xF7A  }
0x23: {  	s9 =	sor.u32 $0xD0000000, s2;
	s6 =	simm.s32 $0x108;
	_ =	swait.ge @!p0 [sflag:s8], $0x0  }
0x24: {  	s3 =	sadd.s32 $0x88, s3;
	s6 =	simm.s32 @!p1 $0x1082;
	[sflag:s4] =	ssyncset.s32 $0xFFFFF086  }
0x25: {  	[simem:s6], [sflag:s4] =	dma.local [hbm:s3], $0xF7A  }
0x26: {  	[smem:$0x3F8A] =	sst s1;
	(tag) =	ssettag s2;
	_ =	strace s9  }
0x27: {  	s1 =	sld [smem:$0x3F9A]  }
0x28: {  	s2 =	sld [smem:$0x3F9B]  }
0x29: {  	s4 =	sld [smem:$0x3F9D]  }
0x2a: {  	p0 =	seq.s32 s5, $0x0;
	s5 =	sld [smem:$0x3F9E]  }
0x2b: {  	s6 =	sld [smem:$0x3F9F]  }
0x2c: {  	s7 =	sld [smem:$0x3FA0]  }
0x2d: {  	s3 =	simm.s32 $0x108;
	s8 =	sld [smem:$0x3FA1]  }
0x2e: {  	s3 =	simm.s32 @!p0 $0x1082;
	s9 =	sld [smem:$0x3FA2]  }
0x2f: {  	lr =	sadd.s32 s0, s3;
	s0 =	sld [smem:$0x3F99]  }
0x30: {  	s3 =	sld [smem:$0x3F9C]  }
0x31: {  	[smem:$0x3FA5] =	sst s10  }
0x32: {  	s10 =	sld [smem:$0x3FA3];
	_ =	sdelay $0x3  }
0x33: {  	p0 =	seq.s32 s10, $0x1;
	s10 =	sld [smem:$0x3FA5];
	_ =	sdelay $0x3  }
0x34: {  	[smem:$0x3FA5] =	sst s10  }
0x35: {  	s10 =	sld [smem:$0x3FA4];
	_ =	sdelay $0x3  }
0x36: {  	p1 =	seq.s32 s10, $0x1;
	s10 =	sld [smem:$0x3FA5];
	_ =	sdelay $0x3  }
0x37: {  	[smem:$0x3FA5] =	sst s10  }
0x38: {  	s10 =	sld [smem:$0x3FA6]  }
0x39: {  	_ = 	snop;
	(pc) =	sbr.ind lr, $3  }
0x3a: {  	_ = 	snop  }
0x3b: {  	_ = 	snop  }
0x3c: {  	p2 =	seq.s32 s10, $0x1;
	s10 =	sld [smem:$0x3FA5]  }
0x3d: {  	_ =	shalt  }
0x3e: {  	_ =	shalt  }
0x3f: {  	_ =	shalt  }
0x40: {  	_ =	shalt  }
0x41: {  	_ =	shalt  }
0x42: {  	_ =	shalt  }
0x43: {  	_ =	shalt  }
0x44: {  	_ =	shalt  }
0x45: {  	_ =	shalt  }
0x46: {  	_ =	shalt  }
0x47: {  	_ =	shalt  }
0x48: {  	_ =	shalt  }
0x49: {  	_ =	shalt  }
0x4a: {  	_ =	shalt  }
0x4b: {  	_ =	shalt  }
0x4c: {  	_ =	shalt  }
0x4d: {  	_ =	shalt  }
0x4e: {  	_ =	shalt  }
0x4f: {  	_ =	shalt  }
0x50: {  	_ =	shalt  }
0x51: {  	_ =	shalt  }
0x52: {  	_ =	shalt  }
0x53: {  	_ =	shalt  }
0x54: {  	_ =	shalt  }
0x55: {  	_ =	shalt  }
0x56: {  	_ =	shalt  }
0x57: {  	_ =	shalt  }
0x58: {  	_ =	shalt  }
0x59: {  	_ =	shalt  }
0x5a: {  	_ =	shalt  }
0x5b: {  	_ =	shalt  }
0x5c: {  	_ =	shalt  }
0x5d: {  	_ =	shalt  }
0x5e: {  	_ =	shalt  }
0x5f: {  	_ =	shalt  }
0x60: {  	_ =	shalt  }
0x61: {  	_ =	shalt  }
0x62: {  	_ =	shalt  }
0x63: {  	_ =	shalt  }
0x64: {  	_ =	shalt  }
0x65: {  	_ =	shalt  }
0x66: {  	_ =	shalt  }
0x67: {  	_ =	shalt  }
0x68: {  	_ =	shalt  }
0x69: {  	_ =	shalt  }
0x6a: {  	_ =	shalt  }
0x6b: {  	_ =	shalt  }
0x6c: {  	_ =	shalt  }
0x6d: {  	_ =	shalt  }
0x6e: {  	_ =	shalt  }
0x6f: {  	_ =	shalt  }
0x70: {  	_ =	shalt  }
0x71: {  	_ =	shalt  }
0x72: {  	_ =	shalt  }
0x73: {  	_ =	shalt  }
0x74: {  	_ =	shalt  }
0x75: {  	_ =	shalt  }
0x76: {  	_ =	shalt  }
0x77: {  	_ =	shalt  }
0x78: {  	_ =	shalt  }
0x79: {  	_ =	shalt  }
0x7a: {  	_ =	shalt  }
0x7b: {  	_ =	shalt  }
0x7c: {  	_ =	shalt  }
0x7d: {  	_ =	shalt  }
0x7e: {  	_ =	shalt  }
0x7f: {  	_ =	shalt  }
0x80: {  	_ =	shalt  }
0x81: {  	_ =	shalt  }
0x82: {  	_ =	shalt  }
0x83: {  	_ =	shalt  }
0x84: {  	_ =	shalt  }
0x85: {  	_ =	shalt  }
0x86: {  	_ =	shalt  }
0x87: {  	_ =	shalt  }
.Lfunc_end0:
.L_simem_size_0:
called_computation_lowered:
.L_overlay_start_0:
0x88: {  	s2 =	sld [smem:$0x3FD9]  }
0x89: {  	s3 =	sld [smem:$0x3FFE];
	_ =	sdelay $0x1  }
0x8a: {  	s1 =	srdreg.scid  }
0x8b: {  	s0 =	sand.u32 $0x1, s1  }
0x8c: {  	s17 =	sshll.u32 s0, $0xA;
	s2 =	sadd.s32 s3, s2  }
0x8d: {  	s2 =	sadd.s32 s2, s17  }
0x8e: {  	[smem:$0x3FB1] =	sst s2  }
0x8f: {  	_ = 	snop  }
0x90: {  	s2 =	sld [smem:$0x3FD0];
	(tm) =	ssettm $0x1  }
0x91: {  	s18 =	sld [smem:$0x3FFB];
	_ =	sdelay $0x3  }
0x92: {  	_ =	strace s18  }
0x93: {  	s3 =	sld [smem:$0x3FFC];
	_ =	sdelay $0x3  }
0x94: {  	_ =	strace s3  }
0x95: {  	s3 =	sld [smem:$0x3FFD];
	_ =	sdelay $0x3  }
0x96: {  	_ =	strace s3  }
0x97: {  	_ =	strace $0x8FFFFFFF  }
0x98: {  	s19 =	sld [smem:$0x3FDB];
	_ =	sdelay $0x1  }
0x99: {  	s4 =	simm.s32 $_scs_section_size  }
0x9a: {  	s5 =	simm.s32 $_size__tile_overlayer_lowered;
	s6 =	simm.s32 $_tile_overlayer_lowered  }
0x9b: {  	s22 =	simm.s32 $0x1BFF;
	s21 =	sshll.u32 s6, $0x1;
	s3 =	sadd.s32 s4, s19  }
0x9c: {  	s7 =	simm.s32 $0x0;
	s20 =	sshll.u32 s5, $0x1;
	s5 =	sadd.s32 s21, s3  }
0x9d: {  	[timem:s7], [sflag:s22] =	dma.local [hbm:s5], s20  }
0x9e: {  	_ =	swait.ge [sflag:s22], s20  }
0x9f: {  	s4 =	ssub.s32 $0x0, s20;
	[sflag:s22] =	ssyncset.done $0x0  }
0xa0: {  	[sflag:s22] =	ssyncadd.s32 s4;
	_ =	sdelay $0x1  }
0xa1: {  	s23 =	simm.s32 $0x1B8B  }
0xa2: {  	_ =	swait.ge [sflag:s23], $0x1  }
0xa3: {  	[sflag:s23] =	ssyncset.done $0x0  }
0xa4: {  	s25 =	simm.s32 $0x1B8E;
	s24 =	sld [smem:$0x3FFE];
	[sflag:s23] =	ssyncadd.s32 $0xFFFFFFFF  }
0xa5: {  	s26 =	simm.s32 $execute0_lowered;
	[smem:$0x3FD2] =	sst s25  }
0xa6: {  	s5 =	sshll.u32 s26, $0x1;
	_ =	strace $0x80000046;
	[dreg:$0x1] =	wrdreg $0xFFFFFFFF  }
0xa7: {  	s28 =	simm.s32 $_size_execute0_lowered;
	s3 =	sadd.s32 s3, s5;
	[dreg:$0x0] =	wrdreg $0x0  }
0xa8: {  	s5 =	sshll.u32 s28, $0x1;
	[dreg:$0x2] =	wrdreg s3  }
0xa9: {  	[dreg:$0x3] =	wrdreg s5  }
0xaa: {  	[dreg:$0x4] =	wrdreg $0xC0  }
0xab: {  	_ =	task [dreg:s7], $0x5FFFF  }
0xac: {  	[dreg:$0x1] =	wrdreg $0xFFFFFFFF  }
0xad: {  	[dreg:$0x0] =	wrdreg $0x60  }
0xae: {  	[dreg:$0x2] =	wrdreg s24  }
0xaf: {  	[dreg:$0x3] =	wrdreg s2  }
0xb0: {  	[dreg:$0x4] =	wrdreg $0x9  }
0xb1: {  	_ =	task.clear_ibuf [dreg:s7], $0x5FFFF;
	_ =	strace $0x90000046  }
0xb2: {  	s29 =	simm.s32 $0x9;
	_ =	strace $0x80000048  }
0xb3: {  	_ =	swait.ge [sflag:s29], $0x1  }
0xb4: {  	[sflag:s29] =	ssyncadd.s32 $0xFFFFFFFF  }
0xb5: {  	_ =	strace $0x90000048  }
0xb6: {  	_ =	sfence  }
0xb7: {  	s30 =	sld [smem:$0x0];
	_ =	sdelay $0x2  }
0xb8: {  	s31 =	sshll.u32 s1, $0xD;
	s1 =	sshrl.u32 s1, $0x2  }
0xb9: {  	s3 =	sand.u32 $0x4000, s31;
	s1 =	sadd.s32 s1, s30  }
0xba: {  	s0 =	sor.u32 s3, s0;
	s1 =	sshll.u32 s1, $0x11  }
0xbb: {  	s0 =	sor.u32 s1, s0  }
0xbc: {  	s0 =	sadd.s32 $0x8F2B, s0  }
0xbd: {  	[sflag:s0] =	ssyncadd.remote.s32 $0x1  }
0xbe: {  	_ =	sfence.sel $0xFFFF  }
0xbf: {  	[dreg:$0x0] =	wrdreg $0xFFFFFFFF;
	(pc) =	sbr.abs _section_cstart, $3  }
0xc0: {  	[dreg:$0x1] =	wrdreg $0xFFFFFFFF  }
0xc1: {  	_ =	task.clear_ibuf [dreg:s7], $0x2FFFF;
	_ =	strace $0x9FFFFFFF  }
0xc2: {  	(tm) =	ssettm $0x7FFFFFFF  }
0xc3: {  	_ =	shalt  }
tec
execute0_lowered:
.L_overlay_start_1:
0x0: {  	(tag) =	ssettag $0x1  }
0x1: {  	s3 =	rddreg [dreg:$0x0]  }
0x2: {  	s7 =	rddreg [dreg:$0x1]  }
0x3: {  	s0 =	rddreg [dreg:$0x2]  }
0x4: {  	s2 =	simm.s32 $0x0;
	s4 =	srdreg.scid;
	s1 =	stileid.u32  }
0x5: {  	s11 =	simm.s32 $0x800;
	s12 =	simm.s32 $0x1;
	s13 =	simm.s32 $0x2  }
0x6: {  	s15 =	simm.s32 $0x3;
	s16 =	simm.s32 $0x0;
	[smem:$0x7FF] =	sst s2  }
0x7: {  	s4 =	sand.u32 $0x1, s4;
	s6 =	sshll.u32 s1, $0x1;
	s3 =	sadd.s32 $0x5400, s3  }
0x8: {  	s9 =	sshll.u32 s1, $0x8;
	_ =	strace $0x80000047;
	s5 =	ssub.s32 $0x2, s4  }
.Ltmp0:
0x9: {  	s6 =	sor.u32 s4, s6;
	s14 =	sand.u32 $0x800, s9;
	(pc) =	sbr.rel .LBB2_1-.Ltmp0, $4  }
0xa: {  	s9 =	simm.s32 $0x80;
	s8 =	sshrl.u32 s5, $0x1;
	s4 =	sshll.u32 s6, $0x7  }
0xb: {  	s31 =	sshll.u32 s6, $0xF;
	s10 =	sshll.u32 s6, $0x8;
	v0 =	vmov s14;
	s14 =	simm.s32 $0x1000  }
0xc: {  	s8 =	ssub.s32 s5, s8;
	s5 =	sadd.s32 s3, s31;
	s7 =	sadd.s32 s7, s10  }
0xd: {  	v1 =	vlaneseq.u32;
	s10 =	simm.s32 $0x400;
	s6 =	sadd.s32 $0x10, s5;
	s8 =	smax.u32 s8, $0x1  }
.LBB2_8:
0xe: {  	s16 =	sadd.s32 $0x1, s16  }
0xf: {  	p0 =	sne.s32 s16, s8  }
.Ltmp1:
0x10: {  	_ = 	snop;
	(pc) =	sbr.rel @!p0 .LBB2_9-.Ltmp1, $4  }
0x11: {  	[hbm4b:s7+s2] =	stream.linear.scatter [tilespmem:s14], [sflag:$0x3], $0x800, $0x38;
	[tilespmem:$0x1800] =	vst v63  }
0x12: {  	_ =	swait.ge [sflag:s15], $0x800  }
0x13: {  	[sflag:s15] =	ssyncset.done $0x0  }
0x14: {  	[sflag:s15] =	ssyncadd.s32 $0xFFFFF800  }
.LBB2_1:
0x15: {  	[tilespmem:s2], [sflag:$0x1] =	stream.strided.gather [hbm4b:s5+s9], $0x800, s10, s9, $0x38;
	[tilespmem:$0x1800] =	vst v63  }
0x16: {  	s17 =	simm.s32 $0x0  }
0x17: {  	[tilespmem:s11], [sflag:$0x2] =	stream.strided.gather [hbm4b:s6+s9], $0x800, s10, s9, $0x38;
	[tilespmem:$0x1800] =	vst v63  }
.LBB2_2:
0x18: {  	_ =	swait.ge [sflag:s12], $0x800  }
0x19: {  	[sflag:s12] =	ssyncset.done $0x0  }
0x1a: {  	s19 =	simm.s32 $0x100;
	[sflag:s12] =	ssyncadd.s32 $0xFFFFF800  }
0x1b: {  	v2 =	vld [tilespmem:s19+$0xFFFFFF30]  }
0x1c: {  	v3 =	vld [tilespmem:s19+$0xFFFFFF20]  }
0x1d: {  	v4 =	vld [tilespmem:s19+$0xFFFFFF10]  }
0x1e: {  	s18 =	simm.s32 $0x30;
	v5 =	vld [tilespmem:s19+$0xFFFFFF00]  }
0x1f: {  	s20 =	simm.s32 $0x20;
	v6 =	vor.u32 s18, v1  }
0x20: {  	s23 =	simm.s32 $0x10;
	v7 =	vor.u32 s20, v1;
	(xrf1) =	vsort.dscd.msk.f32 $0xffff, v2, v6  }
0x21: {  	s24 =	simm.s32 $0x0;
	v2 =	vor.u32 s23, v1;
	(xrf1) =	vsort.dscd.msk.f32 $0xffff, v3, v7  }
0x22: {  	v3 =	vor.u32 s24, v1;
	(xrf1) =	vsort.dscd.msk.f32 $0xffff, v4, v2  }
0x23: {  	(xrf1) =	vsort.dscd.msk.f32 $0xffff, v5, v3;
	_ =	sdelay $0x7  }
0x24: {  	s25 =	simm.s32 $0x70;
	v2 =	vld [tilespmem:s19+$0xFFFFFF70]  }
0x25: {  	v8 =	vor.u32 s25, v1;
	v3 =	vld [tilespmem:s19+$0xFFFFFF60]  }
0x26: {  	v45 =	vld [tilespmem:s19+$0xFFFFFF50]  }
0x27: {  	v46 =	vld [tilespmem:s19+$0xFFFFFF40];
	v6, v47, _ =	vpop (xrf1)  }
0x28: {  	s26 =	simm.s32 $0x60;
	v9, v10, _ =	vpop (xrf1)  }
0x29: {  	s28 =	simm.s32 $0x50;
	v11 =	vor.u32 s26, v1;
	(xrf1) =	vsort.dscd.msk.f32 $0xffff, v2, v8;
	v2, v8, _ =	vpop (xrf1)  }
0x2a: {  	s29 =	simm.s32 $0x40;
	v12 =	vor.u32 s28, v1;
	(xrf1) =	vsort.dscd.msk.f32 $0xffff, v3, v11;
	v3 =	vimm.f32 $+Inf;
	v48, v13, _ =	vpop (xrf1)  }
0x2b: {  	v49 =	vimm.s32 $0x0;
	v14 =	vor.u32 s29, v1;
	(xrf1) =	vsort.dscd.msk.f32 $0xffff, v45, v12;
	vm0 =	vlt.f32 v48, v3  }
0x2c: {  	(xrf1) =	vsort.dscd.msk.f32 $0xffff, v46, v14;
	v50 =	vsel vm0, v48, v3;
	v51 =	vsel vm0, v13, v49  }
0x2d: {  	(xrf1) =	vsort.ascd.msk.f32 $0xffff, v50, v51  }
0x2e: {  	vm13 =	vlt.f32 v2, v3  }
0x2f: {  	v2 =	vsel vm13, v2, v3;
	v8 =	vsel vm13, v8, v49  }
0x30: {  	vm14 =	vlt.f32 v9, v3;
	(xrf1) =	vsort.ascd.msk.f32 $0xffff, v2, v8  }
0x31: {  	vm15 =	vlt.f32 v6, v3;
	v52 =	vsel vm14, v10, v49;
	v2 =	vsel vm14, v9, v3  }
0x32: {  	v4 =	vsel vm15, v47, v49;
	v3 =	vsel vm15, v6, v3;
	(xrf1) =	vsort.ascd.msk.f32 $0xffff, v2, v52  }
0x33: {  	(xrf1) =	vsort.ascd.msk.f32 $0xffff, v3, v4;
	_ =	sdelay $0x1  }
0x34: {  	v2 =	vld [tilespmem:s19+$0xFFFFFFB0]  }
0x35: {  	v3 =	vld [tilespmem:s19+$0xFFFFFFA0]  }
0x36: {  	v53 =	vld [tilespmem:s19+$0xFFFFFF90];
	v55, v54, _ =	vpop (xrf1)  }
0x37: {  	s30 =	simm.s32 $0xB0;
	v56 =	vld [tilespmem:s19+$0xFFFFFF80];
	v57, v58, _ =	vpop (xrf1)  }
0x38: {  	s31 =	simm.s32 $0xA0;
	v59 =	vor.u32 s30, v1;
	v60, v12, _ =	vpop (xrf1)  }
0x39: {  	s21 =	simm.s32 $0x90;
	v61 =	vor.u32 s31, v1;
	(xrf1) =	vsort.dscd.msk.f32 $0xffff, v2, v59;
	v2, v10, _ =	vpop (xrf1)  }
0x3a: {  	s22 =	simm.s32 $0x80;
	v62 =	vor.u32 s21, v1;
	(xrf1) =	vsort.dscd.msk.f32 $0xffff, v3, v61;
	v63, v15, _ =	vpop (xrf1)  }
0x3b: {  	v3 =	vor.u32 s22, v1;
	(xrf1) =	vsort.dscd.msk.f32 $0xffff, v53, v62;
	vm4 =	vlt.f32 v2, v63  }
0x3c: {  	(xrf1) =	vsort.dscd.msk.f32 $0xffff, v56, v3;
	v2 =	vsel vm4, v2, v63;
	v3 =	vsel vm4, v10, v15  }
0x3d: {  	v4, v14, _ =	vpop (xrf1);
	(xrf1) =	vsort.ascd.msk.f32 $0xffff, v2, v3  }
0x3e: {  	vm5 =	vlt.f32 v60, v4  }
0x3f: {  	v16, v17, _ =	vpop (xrf1);
	v4 =	vsel vm5, v60, v4;
	v15 =	vsel vm5, v12, v14  }
0x40: {  	vm6 =	vlt.f32 v57, v16;
	(xrf1) =	vsort.ascd.msk.f32 $0xffff, v4, v15;
	v2, v3, _ =	vpop (xrf1)  }
0x41: {  	v18 =	vsel vm6, v57, v16;
	v19 =	vsel vm6, v58, v17;
	vm7 =	vlt.f32 v55, v2  }
0x42: {  	(xrf1) =	vsort.ascd.msk.f32 $0xffff, v18, v19;
	v2 =	vsel vm7, v55, v2;
	v3 =	vsel vm7, v54, v3  }
0x43: {  	(xrf1) =	vsort.ascd.msk.f32 $0xffff, v2, v3;
	_ =	sdelay $0x1  }
0x44: {  	v2 =	vld [tilespmem:s19+$0xFFFFFFF0]  }
0x45: {  	v3 =	vld [tilespmem:s19+$0xFFFFFFE0]  }
0x46: {  	v20 =	vld [tilespmem:s19+$0xFFFFFFD0];
	v21, v22, _ =	vpop (xrf1)  }
0x47: {  	v23 =	vld [tilespmem:s19+$0xFFFFFFC0];
	s23 =	simm.s32 $0xF0;
	v24, v25, _ =	vpop (xrf1)  }
0x48: {  	s24 =	simm.s32 $0xE0;
	v26 =	vor.u32 s23, v1;
	v28, v27, _ =	vpop (xrf1)  }
0x49: {  	s25 =	simm.s32 $0xD0;
	v29 =	vor.u32 s24, v1;
	(xrf1) =	vsort.dscd.msk.f32 $0xffff, v2, v26;
	v2, v10, _ =	vpop (xrf1)  }
0x4a: {  	s26 =	simm.s32 $0xC0;
	v30 =	vor.u32 s25, v1;
	(xrf1) =	vsort.dscd.msk.f32 $0xffff, v3, v29;
	v32, v31, _ =	vpop (xrf1)  }
0x4b: {  	v3 =	vor.u32 s26, v1;
	(xrf1) =	vsort.dscd.msk.f32 $0xffff, v20, v30;
	vm8 =	vlt.f32 v2, v32  }
0x4c: {  	(xrf1) =	vsort.dscd.msk.f32 $0xffff, v23, v3;
	v2 =	vsel vm8, v2, v32;
	v3 =	vsel vm8, v10, v31  }
0x4d: {  	v4, v14, _ =	vpop (xrf1);
	(xrf1) =	vsort.ascd.msk.f32 $0xffff, v2, v3  }
0x4e: {  	vm9 =	vlt.f32 v28, v4  }
0x4f: {  	v34, v35, _ =	vpop (xrf1);
	v4 =	vsel vm9, v28, v4;
	v33 =	vsel vm9, v27, v14  }
0x50: {  	vm10 =	vlt.f32 v24, v34;
	(xrf1) =	vsort.ascd.msk.f32 $0xffff, v4, v33;
	v2, v3, _ =	vpop (xrf1)  }
0x51: {  	v36 =	vsel vm10, v24, v34;
	v37 =	vsel vm10, v25, v35;
	vm11 =	vlt.f32 v21, v2  }
0x52: {  	(xrf1) =	vsort.ascd.msk.f32 $0xffff, v36, v37;
	v2 =	vsel vm11, v21, v2;
	v3 =	vsel vm11, v22, v3  }
0x53: {  	(xrf1) =	vsort.ascd.msk.f32 $0xffff, v2, v3;
	_ =	sdelay $0x1  }
0x54: {  	v2 =	vld [tilespmem:s19+$0x30]  }
0x55: {  	v3 =	vld [tilespmem:s19+$0x20]  }
0x56: {  	v38 =	vld [tilespmem:s19+$0x10];
	v39, v40, _ =	vpop (xrf1)  }
0x57: {  	s28 =	simm.s32 $0x130;
	v41 =	vld [tilespmem:s19+$0x0];
	v42, v43, _ =	vpop (xrf1)  }
0x58: {  	s29 =	simm.s32 $0x120;
	v44 =	vor.u32 s28, v1;
	v46, v45, _ =	vpop (xrf1)  }
0x59: {  	s30 =	simm.s32 $0x110;
	v47 =	vor.u32 s29, v1;
	(xrf1) =	vsort.dscd.msk.f32 $0xffff, v2, v44;
	v2, v10, _ =	vpop (xrf1)  }
0x5a: {  	s31 =	simm.s32 $0x100;
	v48 =	vor.u32 s30, v1;
	(xrf1) =	vsort.dscd.msk.f32 $0xffff, v3, v47;
	v50, v49, _ =	vpop (xrf1)  }
0x5b: {  	v3 =	vor.u32 s31, v1;
	(xrf1) =	vsort.dscd.msk.f32 $0xffff, v38, v48;
	vm12 =	vlt.f32 v2, v50  }
0x5c: {  	(xrf1) =	vsort.dscd.msk.f32 $0xffff, v41, v3;
	v2 =	vsel vm12, v2, v50;
	v3 =	vsel vm12, v10, v49  }
0x5d: {  	v4, v14, _ =	vpop (xrf1);
	(xrf1) =	vsort.ascd.msk.f32 $0xffff, v2, v3  }
0x5e: {  	vm13 =	vlt.f32 v46, v4  }
0x5f: {  	v52, v53, _ =	vpop (xrf1);
	v4 =	vsel vm13, v46, v4;
	v51 =	vsel vm13, v45, v14  }
0x60: {  	vm14 =	vlt.f32 v42, v52;
	(xrf1) =	vsort.ascd.msk.f32 $0xffff, v4, v51;
	v2, v3, _ =	vpop (xrf1)  }
0x61: {  	v54 =	vsel vm14, v42, v52;
	v55 =	vsel vm14, v43, v53;
	vm15 =	vlt.f32 v39, v2  }
0x62: {  	(xrf1) =	vsort.ascd.msk.f32 $0xffff, v54, v55;
	v2 =	vsel vm15, v39, v2;
	v3 =	vsel vm15, v40, v3  }
0x63: {  	(xrf1) =	vsort.ascd.msk.f32 $0xffff, v2, v3;
	_ =	sdelay $0x1  }
0x64: {  	v2 =	vld [tilespmem:s19+$0x70]  }
0x65: {  	v3 =	vld [tilespmem:s19+$0x60]  }
0x66: {  	v56 =	vld [tilespmem:s19+$0x50];
	v57, v58, _ =	vpop (xrf1)  }
0x67: {  	s20 =	simm.s32 $0x170;
	v59 =	vld [tilespmem:s19+$0x40];
	v60, v61, _ =	vpop (xrf1)  }
0x68: {  	s21 =	simm.s32 $0x160;
	v62 =	vor.u32 s20, v1;
	v18, v63, _ =	vpop (xrf1)  }
0x69: {  	s22 =	simm.s32 $0x150;
	v19 =	vor.u32 s21, v1;
	(xrf1) =	vsort.dscd.msk.f32 $0xffff, v2, v62;
	v2, v10, _ =	vpop (xrf1)  }
0x6a: {  	s23 =	simm.s32 $0x140;
	v20 =	vor.u32 s22, v1;
	(xrf1) =	vsort.dscd.msk.f32 $0xffff, v3, v19;
	v22, v21, _ =	vpop (xrf1)  }
0x6b: {  	v3 =	vor.u32 s23, v1;
	(xrf1) =	vsort.dscd.msk.f32 $0xffff, v56, v20;
	vm4 =	vlt.f32 v2, v22  }
0x6c: {  	(xrf1) =	vsort.dscd.msk.f32 $0xffff, v59, v3;
	v2 =	vsel vm4, v2, v22;
	v3 =	vsel vm4, v10, v21  }
0x6d: {  	v4, v14, _ =	vpop (xrf1);
	(xrf1) =	vsort.ascd.msk.f32 $0xffff, v2, v3  }
0x6e: {  	vm5 =	vlt.f32 v18, v4  }
0x6f: {  	v24, v25, _ =	vpop (xrf1);
	v4 =	vsel vm5, v18, v4;
	v23 =	vsel vm5, v63, v14  }
0x70: {  	vm6 =	vlt.f32 v60, v24;
	(xrf1) =	vsort.ascd.msk.f32 $0xffff, v4, v23;
	v2, v3, _ =	vpop (xrf1)  }
0x71: {  	v26 =	vsel vm6, v60, v24;
	v27 =	vsel vm6, v61, v25;
	vm7 =	vlt.f32 v57, v2  }
0x72: {  	(xrf1) =	vsort.ascd.msk.f32 $0xffff, v26, v27;
	v2 =	vsel vm7, v57, v2;
	v3 =	vsel vm7, v58, v3  }
0x73: {  	(xrf1) =	vsort.ascd.msk.f32 $0xffff, v2, v3;
	_ =	sdelay $0x1  }
0x74: {  	v2 =	vld [tilespmem:s19+$0xB0]  }
0x75: {  	v3 =	vld [tilespmem:s19+$0xA0]  }
0x76: {  	v28 =	vld [tilespmem:s19+$0x90];
	v29, v30, _ =	vpop (xrf1)  }
0x77: {  	s24 =	simm.s32 $0x1B0;
	v31 =	vld [tilespmem:s19+$0x80];
	v32, v33, _ =	vpop (xrf1)  }
0x78: {  	s25 =	simm.s32 $0x1A0;
	v34 =	vor.u32 s24, v1;
	v36, v35, _ =	vpop (xrf1)  }
0x79: {  	s26 =	simm.s32 $0x190;
	v37 =	vor.u32 s25, v1;
	(xrf1) =	vsort.dscd.msk.f32 $0xffff, v2, v34;
	v2, v10, _ =	vpop (xrf1)  }
0x7a: {  	s28 =	simm.s32 $0x180;
	v38 =	vor.u32 s26, v1;
	(xrf1) =	vsort.dscd.msk.f32 $0xffff, v3, v37;
	v40, v39, _ =	vpop (xrf1)  }
0x7b: {  	v3 =	vor.u32 s28, v1;
	(xrf1) =	vsort.dscd.msk.f32 $0xffff, v28, v38;
	vm8 =	vlt.f32 v2, v40  }
0x7c: {  	(xrf1) =	vsort.dscd.msk.f32 $0xffff, v31, v3;
	v2 =	vsel vm8, v2, v40;
	v3 =	vsel vm8, v10, v39  }
0x7d: {  	v4, v14, _ =	vpop (xrf1);
	(xrf1) =	vsort.ascd.msk.f32 $0xffff, v2, v3  }
0x7e: {  	vm9 =	vlt.f32 v36, v4  }
0x7f: {  	v42, v43, _ =	vpop (xrf1);
	v4 =	vsel vm9, v36, v4;
	v41 =	vsel vm9, v35, v14  }
0x80: {  	vm10 =	vlt.f32 v32, v42;
	(xrf1) =	vsort.ascd.msk.f32 $0xffff, v4, v41;
	v2, v3, _ =	vpop (xrf1)  }
0x81: {  	v44 =	vsel vm10, v32, v42;
	v45 =	vsel vm10, v33, v43;
	vm11 =	vlt.f32 v29, v2  }
0x82: {  	(xrf1) =	vsort.ascd.msk.f32 $0xffff, v44, v45;
	v2 =	vsel vm11, v29, v2;
	v3 =	vsel vm11, v30, v3  }
0x83: {  	(xrf1) =	vsort.ascd.msk.f32 $0xffff, v2, v3;
	_ =	sdelay $0x1  }
0x84: {  	v2 =	vld [tilespmem:s19+$0xF0]  }
0x85: {  	v3 =	vld [tilespmem:s19+$0xE0]  }
0x86: {  	v46 =	vld [tilespmem:s19+$0xD0];
	v47, v48, _ =	vpop (xrf1)  }
0x87: {  	s18 =	simm.s32 $0x1F0;
	v49 =	vld [tilespmem:s19+$0xC0];
	v50, v51, _ =	vpop (xrf1)  }
0x88: {  	s29 =	simm.s32 $0x1E0;
	v52 =	vor.u32 s18, v1;
	v54, v53, _ =	vpop (xrf1)  }
0x89: {  	s30 =	simm.s32 $0x1D0;
	v55 =	vor.u32 s29, v1;
	(xrf1) =	vsort.dscd.msk.f32 $0xffff, v2, v52;
	v2, v10, _ =	vpop (xrf1)  }
0x8a: {  	s31 =	simm.s32 $0x1C0;
	v56 =	vor.u32 s30, v1;
	(xrf1) =	vsort.dscd.msk.f32 $0xffff, v3, v55;
	v58, v57, _ =	vpop (xrf1)  }
0x8b: {  	v3 =	vor.u32 s31, v1;
	(xrf1) =	vsort.dscd.msk.f32 $0xffff, v46, v56;
	vm12 =	vlt.f32 v2, v58  }
0x8c: {  	(xrf1) =	vsort.dscd.msk.f32 $0xffff, v49, v3;
	v3 =	vsel vm12, v10, v57  }
0x8d: {  	v4, v14, _ =	vpop (xrf1);
	v2 =	vsel vm12, v2, v58  }
0x8e: {  	vm13 =	vlt.f32 v54, v4  }
0x8f: {  	v60, v61, _ =	vpop (xrf1);
	v4 =	vsel vm13, v54, v4;
	v59 =	vsel vm13, v53, v14;
	(xrf1) =	vsort.ascd.msk.f32 $0xffff, v2, v3  }
0x90: {  	vm14 =	vlt.f32 v50, v60;
	v2, v3, _ =	vpop (xrf1);
	(xrf1) =	vsort.ascd.msk.f32 $0xffff, v4, v59  }
0x91: {  	v62 =	vsel vm14, v50, v60;
	v63 =	vsel vm14, v51, v61;
	vm15 =	vlt.f32 v47, v2  }
0x92: {  	(xrf1) =	vsort.ascd.msk.f32 $0xffff, v62, v63;
	v2 =	vsel vm15, v47, v2;
	v3 =	vsel vm15, v48, v3  }
0x93: {  	(xrf1) =	vsort.ascd.msk.f32 $0xffff, v2, v3;
	_ =	sdelay $0x1  }
0x94: {  	s20 =	simm.s32 $0x300;
	s19 =	simm.s32 $0x0  }
.LBB2_3:
0x95: {  	v2 =	vld [tilespmem:s20+$0xFFFFFF30]  }
0x96: {  	v3 =	vld [tilespmem:s20+$0xFFFFFF20]  }
0x97: {  	s18 =	sadd.s32 $0x200, s18;
	v4 =	vld [tilespmem:s20+$0xFFFFFF10];
	v5, v6, _ =	vpop (xrf1)  }
0x98: {  	s21 =	sadd.s32 $0xFFFFFE40, s18;
	v7 =	vld [tilespmem:s20+$0xFFFFFF00];
	v8, v9, _ =	vpop (xrf1)  }
0x99: {  	s22 =	sadd.s32 $0xFFFFFE30, s18;
	v14 =	vor.u32 s21, v1;
	v11, v12, _ =	vpop (xrf1)  }
0x9a: {  	s21 =	sadd.s32 $0xFFFFFE20, s18;
	v15 =	vor.u32 s22, v1;
	(xrf1) =	vsort.dscd.msk.f32 $0xffff, v2, v14;
	v2, v10, _ =	vpop (xrf1)  }
0x9b: {  	s22 =	sadd.s32 $0xFFFFFE10, s18;
	v14 =	vor.u32 s21, v1;
	(xrf1) =	vsort.dscd.msk.f32 $0xffff, v3, v15  }
0x9c: {  	v15 =	vor.u32 s22, v1;
	(xrf1) =	vsort.dscd.msk.f32 $0xffff, v4, v14;
	v4, v13, _ =	vpop (xrf1)  }
0x9d: {  	(xrf1) =	vsort.dscd.msk.f32 $0xffff, v7, v15;
	vm0 =	vlt.f32 v2, v4;
	v3, v7, _ =	vpop (xrf1)  }
0x9e: {  	s19 =	sadd.s32 $0x8, s19;
	v14 =	vsel vm0, v2, v4;
	v13 =	vsel vm0, v10, v13;
	vm0 =	vlt.f32 v11, v3  }
0x9f: {  	p0 =	slt.u32 s19, $0x18;
	v3 =	vsel vm0, v11, v3;
	v7 =	vsel vm0, v12, v7;
	v10, v11, _ =	vpop (xrf1);
	(xrf1) =	vsort.ascd.msk.f32 $0xffff, v14, v13  }
0xa0: {  	vm0 =	vlt.f32 v8, v10;
	v2, v4, _ =	vpop (xrf1);
	(xrf1) =	vsort.ascd.msk.f32 $0xffff, v3, v7  }
0xa1: {  	v3 =	vsel vm0, v8, v10;
	v7 =	vsel vm0, v9, v11;
	vm0 =	vlt.f32 v5, v2  }
0xa2: {  	v2 =	vsel vm0, v5, v2;
	v4 =	vsel vm0, v6, v4;
	(xrf1) =	vsort.ascd.msk.f32 $0xffff, v3, v7  }
0xa3: {  	(xrf1) =	vsort.ascd.msk.f32 $0xffff, v2, v4;
	_ =	sdelay $0x2  }
0xa4: {  	v2 =	vld [tilespmem:s20+$0xFFFFFF70]  }
0xa5: {  	v3 =	vld [tilespmem:s20+$0xFFFFFF60]  }
0xa6: {  	v4 =	vld [tilespmem:s20+$0xFFFFFF50];
	v5, v6, _ =	vpop (xrf1)  }
0xa7: {  	s21 =	sadd.s32 $0xFFFFFE80, s18;
	v7 =	vld [tilespmem:s20+$0xFFFFFF40];
	v8, v9, _ =	vpop (xrf1)  }
0xa8: {  	s22 =	sadd.s32 $0xFFFFFE70, s18;
	v10 =	vor.u32 s21, v1;
	v11, v12, _ =	vpop (xrf1)  }
0xa9: {  	v13 =	vor.u32 s22, v1;
	s21 =	sadd.s32 $0xFFFFFE60, s18;
	v14, v15, _ =	vpop (xrf1);
	(xrf1) =	vsort.dscd.msk.f32 $0xffff, v2, v10  }
0xaa: {  	s22 =	sadd.s32 $0xFFFFFE50, s18;
	v10 =	vor.u32 s21, v1;
	(xrf1) =	vsort.dscd.msk.f32 $0xffff, v3, v13  }
0xab: {  	v13 =	vor.u32 s22, v1;
	(xrf1) =	vsort.dscd.msk.f32 $0xffff, v4, v10;
	v2, v4, _ =	vpop (xrf1)  }
0xac: {  	vm0 =	vlt.f32 v14, v2;
	(xrf1) =	vsort.dscd.msk.f32 $0xffff, v7, v13;
	v3, v7, _ =	vpop (xrf1)  }
0xad: {  	v13 =	vsel vm0, v14, v2;
	v10 =	vsel vm0, v15, v4;
	vm0 =	vlt.f32 v11, v3  }
0xae: {  	v14 =	vsel vm0, v11, v3;
	v11 =	vsel vm0, v12, v7;
	(xrf1) =	vsort.ascd.msk.f32 $0xffff, v13, v10;
	v2, v4, _ =	vpop (xrf1)  }
0xaf: {  	vm0 =	vlt.f32 v8, v2;
	(xrf1) =	vsort.ascd.msk.f32 $0xffff, v14, v11;
	v3, v7, _ =	vpop (xrf1)  }
0xb0: {  	v2 =	vsel vm0, v8, v2;
	v4 =	vsel vm0, v9, v4;
	vm0 =	vlt.f32 v5, v3  }
0xb1: {  	v3 =	vsel vm0, v5, v3;
	v5 =	vsel vm0, v6, v7;
	(xrf1) =	vsort.ascd.msk.f32 $0xffff, v2, v4  }
0xb2: {  	(xrf1) =	vsort.ascd.msk.f32 $0xffff, v3, v5;
	_ =	sdelay $0x2  }
0xb3: {  	v2 =	vld [tilespmem:s20+$0xFFFFFFB0]  }
0xb4: {  	v3 =	vld [tilespmem:s20+$0xFFFFFFA0]  }
0xb5: {  	v4 =	vld [tilespmem:s20+$0xFFFFFF90];
	v5, v6, _ =	vpop (xrf1)  }
0xb6: {  	s21 =	sadd.s32 $0xFFFFFEC0, s18;
	v7 =	vld [tilespmem:s20+$0xFFFFFF80];
	v8, v9, _ =	vpop (xrf1)  }
0xb7: {  	s22 =	sadd.s32 $0xFFFFFEB0, s18;
	v10 =	vor.u32 s21, v1;
	v11, v12, _ =	vpop (xrf1)  }
0xb8: {  	v16 =	vor.u32 s22, v1;
	s21 =	sadd.s32 $0xFFFFFEA0, s18;
	v14, v15, _ =	vpop (xrf1);
	(xrf1) =	vsort.dscd.msk.f32 $0xffff, v2, v10  }
0xb9: {  	s22 =	sadd.s32 $0xFFFFFE90, s18;
	v17 =	vor.u32 s21, v1;
	(xrf1) =	vsort.dscd.msk.f32 $0xffff, v3, v16  }
0xba: {  	v3 =	vor.u32 s22, v1;
	v10, v13, _ =	vpop (xrf1);
	(xrf1) =	vsort.dscd.msk.f32 $0xffff, v4, v17  }
0xbb: {  	vm0 =	vlt.f32 v14, v10;
	v2, v4, _ =	vpop (xrf1);
	(xrf1) =	vsort.dscd.msk.f32 $0xffff, v7, v3  }
0xbc: {  	v14 =	vsel vm0, v14, v10;
	v13 =	vsel vm0, v15, v13;
	vm0 =	vlt.f32 v11, v2  }
0xbd: {  	v2 =	vsel vm0, v11, v2;
	v4 =	vsel vm0, v12, v4;
	v10, v11, _ =	vpop (xrf1);
	(xrf1) =	vsort.ascd.msk.f32 $0xffff, v14, v13  }
0xbe: {  	vm0 =	vlt.f32 v8, v10;
	v3, v7, _ =	vpop (xrf1);
	(xrf1) =	vsort.ascd.msk.f32 $0xffff, v2, v4  }
0xbf: {  	v2 =	vsel vm0, v8, v10;
	v4 =	vsel vm0, v9, v11;
	vm0 =	vlt.f32 v5, v3  }
0xc0: {  	v3 =	vsel vm0, v5, v3;
	v5 =	vsel vm0, v6, v7;
	(xrf1) =	vsort.ascd.msk.f32 $0xffff, v2, v4  }
0xc1: {  	(xrf1) =	vsort.ascd.msk.f32 $0xffff, v3, v5;
	_ =	sdelay $0x2  }
0xc2: {  	v2 =	vld [tilespmem:s20+$0xFFFFFFF0]  }
0xc3: {  	v3 =	vld [tilespmem:s20+$0xFFFFFFE0]  }
0xc4: {  	v4 =	vld [tilespmem:s20+$0xFFFFFFD0];
	v5, v6, _ =	vpop (xrf1)  }
0xc5: {  	s21 =	sadd.s32 $0xFFFFFF00, s18;
	v7 =	vld [tilespmem:s20+$0xFFFFFFC0];
	v8, v9, _ =	vpop (xrf1)  }
0xc6: {  	s22 =	sadd.s32 $0xFFFFFEF0, s18;
	v10 =	vor.u32 s21, v1;
	v11, v12, _ =	vpop (xrf1)  }
0xc7: {  	v16 =	vor.u32 s22, v1;
	s21 =	sadd.s32 $0xFFFFFEE0, s18;
	v14, v15, _ =	vpop (xrf1);
	(xrf1) =	vsort.dscd.msk.f32 $0xffff, v2, v10  }
0xc8: {  	s22 =	sadd.s32 $0xFFFFFED0, s18;
	v17 =	vor.u32 s21, v1;
	(xrf1) =	vsort.dscd.msk.f32 $0xffff, v3, v16  }
0xc9: {  	v3 =	vor.u32 s22, v1;
	v10, v13, _ =	vpop (xrf1);
	(xrf1) =	vsort.dscd.msk.f32 $0xffff, v4, v17  }
0xca: {  	vm0 =	vlt.f32 v14, v10;
	v2, v4, _ =	vpop (xrf1);
	(xrf1) =	vsort.dscd.msk.f32 $0xffff, v7, v3  }
0xcb: {  	v14 =	vsel vm0, v14, v10;
	v13 =	vsel vm0, v15, v13;
	vm0 =	vlt.f32 v11, v2  }
0xcc: {  	v2 =	vsel vm0, v11, v2;
	v4 =	vsel vm0, v12, v4;
	v10, v11, _ =	vpop (xrf1);
	(xrf1) =	vsort.ascd.msk.f32 $0xffff, v14, v13  }
0xcd: {  	vm0 =	vlt.f32 v8, v10;
	v3, v7, _ =	vpop (xrf1);
	(xrf1) =	vsort.ascd.msk.f32 $0xffff, v2, v4  }
0xce: {  	v2 =	vsel vm0, v8, v10;
	v4 =	vsel vm0, v9, v11;
	vm0 =	vlt.f32 v5, v3  }
0xcf: {  	v3 =	vsel vm0, v5, v3;
	v5 =	vsel vm0, v6, v7;
	(xrf1) =	vsort.ascd.msk.f32 $0xffff, v2, v4  }
0xd0: {  	(xrf1) =	vsort.ascd.msk.f32 $0xffff, v3, v5;
	_ =	sdelay $0x2  }
0xd1: {  	v2 =	vld [tilespmem:s20+$0x30]  }
0xd2: {  	v3 =	vld [tilespmem:s20+$0x20]  }
0xd3: {  	v4 =	vld [tilespmem:s20+$0x10];
	v5, v6, _ =	vpop (xrf1)  }
0xd4: {  	s21 =	sadd.s32 $0xFFFFFF40, s18;
	v7 =	vld [tilespmem:s20+$0x0];
	v8, v9, _ =	vpop (xrf1)  }
0xd5: {  	s22 =	sadd.s32 $0xFFFFFF30, s18;
	v10 =	vor.u32 s21, v1;
	v11, v12, _ =	vpop (xrf1)  }
0xd6: {  	v16 =	vor.u32 s22, v1;
	s21 =	sadd.s32 $0xFFFFFF20, s18;
	v14, v15, _ =	vpop (xrf1);
	(xrf1) =	vsort.dscd.msk.f32 $0xffff, v2, v10  }
0xd7: {  	s22 =	sadd.s32 $0xFFFFFF10, s18;
	v17 =	vor.u32 s21, v1;
	(xrf1) =	vsort.dscd.msk.f32 $0xffff, v3, v16  }
0xd8: {  	v3 =	vor.u32 s22, v1;
	v10, v13, _ =	vpop (xrf1);
	(xrf1) =	vsort.dscd.msk.f32 $0xffff, v4, v17  }
0xd9: {  	vm0 =	vlt.f32 v14, v10;
	v2, v4, _ =	vpop (xrf1);
	(xrf1) =	vsort.dscd.msk.f32 $0xffff, v7, v3  }
0xda: {  	v14 =	vsel vm0, v14, v10;
	v13 =	vsel vm0, v15, v13;
	vm0 =	vlt.f32 v11, v2  }
0xdb: {  	v2 =	vsel vm0, v11, v2;
	v4 =	vsel vm0, v12, v4;
	v10, v11, _ =	vpop (xrf1);
	(xrf1) =	vsort.ascd.msk.f32 $0xffff, v14, v13  }
0xdc: {  	vm0 =	vlt.f32 v8, v10;
	v3, v7, _ =	vpop (xrf1);
	(xrf1) =	vsort.ascd.msk.f32 $0xffff, v2, v4  }
0xdd: {  	v2 =	vsel vm0, v8, v10;
	v4 =	vsel vm0, v9, v11;
	vm0 =	vlt.f32 v5, v3  }
0xde: {  	v3 =	vsel vm0, v5, v3;
	v5 =	vsel vm0, v6, v7;
	(xrf1) =	vsort.ascd.msk.f32 $0xffff, v2, v4  }
0xdf: {  	(xrf1) =	vsort.ascd.msk.f32 $0xffff, v3, v5;
	_ =	sdelay $0x2  }
0xe0: {  	v2 =	vld [tilespmem:s20+$0x70]  }
0xe1: {  	v3 =	vld [tilespmem:s20+$0x60]  }
0xe2: {  	v4 =	vld [tilespmem:s20+$0x50];
	v5, v6, _ =	vpop (xrf1)  }
0xe3: {  	s21 =	sadd.s32 $0xFFFFFF80, s18;
	v7 =	vld [tilespmem:s20+$0x40];
	v8, v9, _ =	vpop (xrf1)  }
0xe4: {  	s22 =	sadd.s32 $0xFFFFFF70, s18;
	v10 =	vor.u32 s21, v1;
	v11, v12, _ =	vpop (xrf1)  }
0xe5: {  	v16 =	vor.u32 s22, v1;
	s21 =	sadd.s32 $0xFFFFFF60, s18;
	v14, v15, _ =	vpop (xrf1);
	(xrf1) =	vsort.dscd.msk.f32 $0xffff, v2, v10  }
0xe6: {  	s22 =	sadd.s32 $0xFFFFFF50, s18;
	v17 =	vor.u32 s21, v1;
	(xrf1) =	vsort.dscd.msk.f32 $0xffff, v3, v16  }
0xe7: {  	v3 =	vor.u32 s22, v1;
	v10, v13, _ =	vpop (xrf1);
	(xrf1) =	vsort.dscd.msk.f32 $0xffff, v4, v17  }
0xe8: {  	vm0 =	vlt.f32 v14, v10;
	v2, v4, _ =	vpop (xrf1);
	(xrf1) =	vsort.dscd.msk.f32 $0xffff, v7, v3  }
0xe9: {  	v14 =	vsel vm0, v14, v10;
	v13 =	vsel vm0, v15, v13;
	vm0 =	vlt.f32 v11, v2  }
0xea: {  	v2 =	vsel vm0, v11, v2;
	v4 =	vsel vm0, v12, v4;
	v10, v11, _ =	vpop (xrf1);
	(xrf1) =	vsort.ascd.msk.f32 $0xffff, v14, v13  }
0xeb: {  	vm0 =	vlt.f32 v8, v10;
	v3, v7, _ =	vpop (xrf1);
	(xrf1) =	vsort.ascd.msk.f32 $0xffff, v2, v4  }
0xec: {  	v2 =	vsel vm0, v8, v10;
	v4 =	vsel vm0, v9, v11;
	vm0 =	vlt.f32 v5, v3  }
0xed: {  	v3 =	vsel vm0, v5, v3;
	v5 =	vsel vm0, v6, v7;
	(xrf1) =	vsort.ascd.msk.f32 $0xffff, v2, v4  }
0xee: {  	(xrf1) =	vsort.ascd.msk.f32 $0xffff, v3, v5;
	_ =	sdelay $0x2  }
0xef: {  	v2 =	vld [tilespmem:s20+$0xB0]  }
0xf0: {  	v3 =	vld [tilespmem:s20+$0xA0]  }
0xf1: {  	v4 =	vld [tilespmem:s20+$0x90];
	v5, v6, _ =	vpop (xrf1)  }
0xf2: {  	s21 =	sadd.s32 $0xFFFFFFC0, s18;
	v7 =	vld [tilespmem:s20+$0x80];
	v8, v9, _ =	vpop (xrf1)  }
0xf3: {  	s22 =	sadd.s32 $0xFFFFFFB0, s18;
	v10 =	vor.u32 s21, v1;
	v11, v12, _ =	vpop (xrf1)  }
0xf4: {  	v16 =	vor.u32 s22, v1;
	s21 =	sadd.s32 $0xFFFFFFA0, s18;
	v14, v15, _ =	vpop (xrf1);
	(xrf1) =	vsort.dscd.msk.f32 $0xffff, v2, v10  }
0xf5: {  	s22 =	sadd.s32 $0xFFFFFF90, s18;
	v17 =	vor.u32 s21, v1;
	(xrf1) =	vsort.dscd.msk.f32 $0xffff, v3, v16  }
0xf6: {  	v3 =	vor.u32 s22, v1;
	v10, v13, _ =	vpop (xrf1);
	(xrf1) =	vsort.dscd.msk.f32 $0xffff, v4, v17  }
0xf7: {  	vm0 =	vlt.f32 v14, v10;
	v2, v4, _ =	vpop (xrf1);
	(xrf1) =	vsort.dscd.msk.f32 $0xffff, v7, v3  }
0xf8: {  	v14 =	vsel vm0, v14, v10;
	v13 =	vsel vm0, v15, v13;
	vm0 =	vlt.f32 v11, v2  }
0xf9: {  	v2 =	vsel vm0, v11, v2;
	v4 =	vsel vm0, v12, v4;
	v10, v11, _ =	vpop (xrf1);
	(xrf1) =	vsort.ascd.msk.f32 $0xffff, v14, v13  }
0xfa: {  	vm0 =	vlt.f32 v8, v10;
	v3, v7, _ =	vpop (xrf1);
	(xrf1) =	vsort.ascd.msk.f32 $0xffff, v2, v4  }
0xfb: {  	v2 =	vsel vm0, v8, v10;
	v4 =	vsel vm0, v9, v11;
	vm0 =	vlt.f32 v5, v3  }
0xfc: {  	v3 =	vsel vm0, v5, v3;
	v5 =	vsel vm0, v6, v7;
	(xrf1) =	vsort.ascd.msk.f32 $0xffff, v2, v4  }
0xfd: {  	(xrf1) =	vsort.ascd.msk.f32 $0xffff, v3, v5;
	_ =	sdelay $0x2  }
0xfe: {  	v2 =	vld [tilespmem:s20+$0xF0]  }
0xff: {  	v3 =	vld [tilespmem:s20+$0xE0]  }
0x100: {  	v4 =	vld [tilespmem:s20+$0xD0];
	v5, v6, _ =	vpop (xrf1)  }
0x101: {  	v7 =	vld [tilespmem:s20+$0xC0];
	v8, v9, _ =	vpop (xrf1)  }
0x102: {  	s21 =	sadd.s32 $0xFFFFFFF0, s18;
	v10 =	vor.u32 s18, v1;
	v11, v12, _ =	vpop (xrf1)  }
0x103: {  	s22 =	sadd.s32 $0xFFFFFFE0, s18;
	v16 =	vor.u32 s21, v1;
	v14, v15, _ =	vpop (xrf1);
	(xrf1) =	vsort.dscd.msk.f32 $0xffff, v2, v10  }
0x104: {  	s21 =	sadd.s32 $0xFFFFFFD0, s18;
	v17 =	vor.u32 s22, v1;
	(xrf1) =	vsort.dscd.msk.f32 $0xffff, v3, v16  }
0x105: {  	v3 =	vor.u32 s21, v1;
	v10, v13, _ =	vpop (xrf1);
	(xrf1) =	vsort.dscd.msk.f32 $0xffff, v4, v17  }
0x106: {  	vm0 =	vlt.f32 v14, v10;
	v2, v4, _ =	vpop (xrf1);
	(xrf1) =	vsort.dscd.msk.f32 $0xffff, v7, v3  }
0x107: {  	v14 =	vsel vm0, v14, v10;
	v13 =	vsel vm0, v15, v13;
	vm0 =	vlt.f32 v11, v2  }
0x108: {  	v2 =	vsel vm0, v11, v2;
	v4 =	vsel vm0, v12, v4;
	v10, v11, _ =	vpop (xrf1);
	(xrf1) =	vsort.ascd.msk.f32 $0xffff, v14, v13  }
0x109: {  	vm0 =	vlt.f32 v8, v10;
	v3, v7, _ =	vpop (xrf1);
	(xrf1) =	vsort.ascd.msk.f32 $0xffff, v2, v4  }
.Ltmp2:
0x10a: {  	v2 =	vsel vm0, v8, v10;
	v4 =	vsel vm0, v9, v11;
	vm0 =	vlt.f32 v5, v3;
	(pc) =	sbr.rel @p0 .LBB2_3-.Ltmp2, $3  }
0x10b: {  	v3 =	vsel vm0, v5, v3;
	v5 =	vsel vm0, v6, v7;
	(xrf1) =	vsort.ascd.msk.f32 $0xffff, v2, v4  }
0x10c: {  	(xrf1) =	vsort.ascd.msk.f32 $0xffff, v3, v5;
	_ =	sdelay $0x1  }
0x10d: {  	s20 =	sadd.s32 $0x200, s20  }
0x10e: {  	_ =	sdelay $0x2  }
0x10f: {  	v2, v3, _ =	vpop (xrf1)  }
0x110: {  	v4, v5, _ =	vpop (xrf1)  }
0x111: {  	v6, v7, _ =	vpop (xrf1)  }
0x112: {  	v8, v9, _ =	vpop (xrf1)  }
0x113: {  	v10, v11, _ =	vpop (xrf1)  }
0x114: {  	vm0 =	vlt.f32 v8, v10;
	v12, v13, _ =	vpop (xrf1)  }
0x115: {  	v8 =	vsel vm0, v8, v10;
	v9 =	vsel vm0, v9, v11;
	vm6 =	vlt.f32 v6, v12  }
0x116: {  	v6 =	vsel vm6, v6, v12;
	v7 =	vsel vm6, v7, v13;
	(xrf1) =	vsort.ascd.msk.f32 $0xffff, v8, v9  }
0x117: {  	(xrf1) =	vsort.ascd.msk.f32 $0xffff, v6, v7;
	_ =	sdelay $0x6  }
0x118: {  	v6, v7, _ =	vpop (xrf1)  }
0x119: {  	vm7 =	vlt.f32 v4, v6;
	v8, v9, _ =	vpop (xrf1)  }
0x11a: {  	v5 =	vsel vm7, v5, v7;
	vm8 =	vlt.f32 v2, v8  }
0x11b: {  	v4 =	vsel vm7, v4, v6;
	v3 =	vsel vm8, v3, v9  }
0x11c: {  	v2 =	vsel vm8, v2, v8;
	_ =	sdelay $0x1  }
0x11d: {  	(xrf1) =	vsort.ascd.msk.f32 $0xffff, v4, v5;
	v4, v5, _ =	vpop (xrf1)  }
0x11e: {  	(xrf1) =	vsort.ascd.msk.f32 $0xffff, v2, v3;
	v2, v3, _ =	vpop (xrf1)  }
0x11f: {  	(xrf1) =	vsort.dscd.msk.f32 $0xffff, v2, v3;
	_ =	sdelay $0xb  }
0x120: {  	v2, v3, _ =	vpop (xrf1)  }
0x121: {  	v31, v32, _ =	vpop (xrf1)  }
0x122: {  	v33, v34, _ =	vpop (xrf1)  }
0x123: {  	vm9 =	vlt.f32 v33, v4  }
0x124: {  	v4 =	vsel vm9, v33, v4;
	v5 =	vsel vm9, v34, v5  }
0x125: {  	(xrf1) =	vsort.ascd.msk.f32 $0xffff, v4, v5  }
0x126: {  	(xrf1) =	vsort.dscd.msk.f32 $0xffff, v31, v32;
	_ =	sdelay $0xc  }
0x127: {  	v4, v5, _ =	vpop (xrf1)  }
0x128: {  	v6, v7, _ =	vpop (xrf1)  }
0x129: {  	vm10 =	vlt.f32 v6, v2  }
0x12a: {  	v2 =	vsel vm10, v6, v2;
	v3 =	vsel vm10, v7, v3  }
0x12b: {  	(xrf1) =	vsort.ascd.msk.f32 $0xffff, v2, v3;
	_ =	sdelay $0xd  }
0x12c: {  	v2, v3, _ =	vpop (xrf1)  }
0x12d: {  	(xrf1) =	vsort.dscd.msk.f32 $0xffff, v2, v3;
	_ =	sdelay $0xd  }
0x12e: {  	v2, v3, _ =	vpop (xrf1)  }
0x12f: {  	vm11 =	vlt.f32 v2, v4  }
0x130: {  	v2 =	vsel vm11, v2, v4;
	v3 =	vsel vm11, v3, v5  }
0x131: {  	(xrf1) =	vsort.ascd.msk.f32 $0xffff, v2, v3;
	_ =	sdelay $0x9  }
0x132: {  	s18 =	sshll.u32 s17, $0x1;
	p0 =	seq.s32 s17, $0x3F  }
0x133: {  	s19 =	sor.u32 @!p0 s4, s18  }
0x134: {  	s19 =	sadd.s32 @!p0 $0x2, s19  }
0x135: {  	s21 =	sshll.u32 s17, $0x5;
	s20 =	sshll.u32 @!p0 s19, $0x4  }
0x136: {  	s23 =	simm.s32 @!p0 $0x0;
	s19 =	sshll.u32 @!p0 s19, $0x8;
	s20 =	sand.u32 @!p0 $0x60, s20;
	_, v2, _ =	vpop (xrf1)  }
0x137: {  	s22 =	sand.u32 @!p0 $0xFFFF800, s19;
	s19 =	sand.u32 $0x3FFFFFE0, s21;
	s20 =	sadd.s32 @!p0 s3, s20;
	v2 =	vadd.s32 v0, v2  }
0x138: {  	s21 =	simm.s32 @!p0 $0x80;
	s20 =	sadd.s32 @!p0 s22, s20;
	s22 =	simm.s32 @!p0 $0x400;
	[tilespmem:s19+$0x1000] =	vst v2  }
0x139: {  	[tilespmem:s23], [sflag:$0x1] =	stream.strided.gather @!p0 [hbm4b:s20+s21], $0x800, s22, s21, $0x38;
	[tilespmem:$0x1800] =	vst v63  }
0x13a: {  	_ =	swait.ge [sflag:s13], $0x800  }
0x13b: {  	[sflag:s13] =	ssyncset.done $0x0  }
0x13c: {  	s21 =	simm.s32 $0x900;
	[sflag:s13] =	ssyncadd.s32 $0xFFFFF800  }
0x13d: {  	v2 =	vld [tilespmem:s21+$0xFFFFFF30]  }
0x13e: {  	v3 =	vld [tilespmem:s21+$0xFFFFFF20]  }
0x13f: {  	v35 =	vld [tilespmem:s21+$0xFFFFFF10]  }
0x140: {  	s24 =	simm.s32 $0x30;
	v36 =	vld [tilespmem:s21+$0xFFFFFF00]  }
0x141: {  	s25 =	simm.s32 $0x20;
	v37 =	vor.u32 s24, v1  }
0x142: {  	s26 =	simm.s32 $0x10;
	v38 =	vor.u32 s25, v1;
	(xrf1) =	vsort.dscd.msk.f32 $0xffff, v2, v37  }
0x143: {  	s28 =	simm.s32 $0x0;
	v2 =	vor.u32 s26, v1;
	(xrf1) =	vsort.dscd.msk.f32 $0xffff, v3, v38  }
0x144: {  	v3 =	vor.u32 s28, v1;
	(xrf1) =	vsort.dscd.msk.f32 $0xffff, v35, v2  }
0x145: {  	(xrf1) =	vsort.dscd.msk.f32 $0xffff, v36, v3;
	_ =	sdelay $0x7  }
0x146: {  	v2 =	vld [tilespmem:s21+$0xFFFFFF70]  }
0x147: {  	v3 =	vld [tilespmem:s21+$0xFFFFFF60]  }
0x148: {  	v39 =	vld [tilespmem:s21+$0xFFFFFF50]  }
0x149: {  	s29 =	simm.s32 $0x70;
	v40 =	vld [tilespmem:s21+$0xFFFFFF40];
	v6, v41, _ =	vpop (xrf1)  }
0x14a: {  	s30 =	simm.s32 $0x60;
	v42 =	vor.u32 s29, v1;
	v44, v43, _ =	vpop (xrf1)  }
0x14b: {  	s31 =	simm.s32 $0x50;
	v45 =	vor.u32 s30, v1;
	(xrf1) =	vsort.dscd.msk.f32 $0xffff, v2, v42;
	v2, v8, _ =	vpop (xrf1)  }
0x14c: {  	v46 =	vor.u32 s31, v1;
	s23 =	simm.s32 $0x40;
	(xrf1) =	vsort.dscd.msk.f32 $0xffff, v3, v45;
	v3 =	vimm.f32 $+Inf;
	v48, v47, _ =	vpop (xrf1)  }
0x14d: {  	v49 =	vimm.s32 $0x0;
	v14 =	vor.u32 s23, v1;
	(xrf1) =	vsort.dscd.msk.f32 $0xffff, v39, v46;
	vm12 =	vlt.f32 v48, v3  }
0x14e: {  	(xrf1) =	vsort.dscd.msk.f32 $0xffff, v40, v14;
	v50 =	vsel vm12, v48, v3;
	v51 =	vsel vm12, v47, v49  }
0x14f: {  	(xrf1) =	vsort.ascd.msk.f32 $0xffff, v50, v51  }
0x150: {  	vm13 =	vlt.f32 v2, v3  }
0x151: {  	v2 =	vsel vm13, v2, v3;
	v8 =	vsel vm13, v8, v49  }
0x152: {  	vm14 =	vlt.f32 v44, v3;
	(xrf1) =	vsort.ascd.msk.f32 $0xffff, v2, v8  }
0x153: {  	vm15 =	vlt.f32 v6, v3;
	v52 =	vsel vm14, v43, v49;
	v2 =	vsel vm14, v44, v3  }
0x154: {  	v4 =	vsel vm15, v41, v49;
	v3 =	vsel vm15, v6, v3;
	(xrf1) =	vsort.ascd.msk.f32 $0xffff, v2, v52  }
0x155: {  	(xrf1) =	vsort.ascd.msk.f32 $0xffff, v3, v4;
	_ =	sdelay $0x1  }
0x156: {  	v2 =	vld [tilespmem:s21+$0xFFFFFFB0]  }
0x157: {  	v3 =	vld [tilespmem:s21+$0xFFFFFFA0]  }
0x158: {  	v53 =	vld [tilespmem:s21+$0xFFFFFF90];
	v55, v54, _ =	vpop (xrf1)  }
0x159: {  	s24 =	simm.s32 $0xB0;
	v56 =	vld [tilespmem:s21+$0xFFFFFF80];
	v57, v58, _ =	vpop (xrf1)  }
0x15a: {  	s25 =	simm.s32 $0xA0;
	v59 =	vor.u32 s24, v1;
	v60, v12, _ =	vpop (xrf1)  }
0x15b: {  	v61 =	vor.u32 s25, v1;
	s26 =	simm.s32 $0x90;
	(xrf1) =	vsort.dscd.msk.f32 $0xffff, v2, v59;
	v2, v10, _ =	vpop (xrf1)  }
0x15c: {  	s28 =	simm.s32 $0x80;
	v62 =	vor.u32 s26, v1;
	(xrf1) =	vsort.dscd.msk.f32 $0xffff, v3, v61;
	v63, v15, _ =	vpop (xrf1)  }
0x15d: {  	v3 =	vor.u32 s28, v1;
	(xrf1) =	vsort.dscd.msk.f32 $0xffff, v53, v62;
	vm4 =	vlt.f32 v2, v63  }
0x15e: {  	(xrf1) =	vsort.dscd.msk.f32 $0xffff, v56, v3;
	v2 =	vsel vm4, v2, v63;
	v3 =	vsel vm4, v10, v15  }
0x15f: {  	v4, v14, _ =	vpop (xrf1);
	(xrf1) =	vsort.ascd.msk.f32 $0xffff, v2, v3  }
0x160: {  	vm5 =	vlt.f32 v60, v4  }
0x161: {  	v16, v17, _ =	vpop (xrf1);
	v4 =	vsel vm5, v60, v4;
	v15 =	vsel vm5, v12, v14  }
0x162: {  	vm6 =	vlt.f32 v57, v16;
	(xrf1) =	vsort.ascd.msk.f32 $0xffff, v4, v15;
	v2, v3, _ =	vpop (xrf1)  }
0x163: {  	v18 =	vsel vm6, v57, v16;
	v19 =	vsel vm6, v58, v17;
	vm7 =	vlt.f32 v55, v2  }
0x164: {  	(xrf1) =	vsort.ascd.msk.f32 $0xffff, v18, v19;
	v2 =	vsel vm7, v55, v2;
	v3 =	vsel vm7, v54, v3  }
0x165: {  	(xrf1) =	vsort.ascd.msk.f32 $0xffff, v2, v3;
	_ =	sdelay $0x1  }
0x166: {  	v2 =	vld [tilespmem:s21+$0xFFFFFFF0]  }
0x167: {  	v3 =	vld [tilespmem:s21+$0xFFFFFFE0]  }
0x168: {  	v20 =	vld [tilespmem:s21+$0xFFFFFFD0];
	v21, v22, _ =	vpop (xrf1)  }
0x169: {  	s29 =	simm.s32 $0xF0;
	v23 =	vld [tilespmem:s21+$0xFFFFFFC0];
	v24, v25, _ =	vpop (xrf1)  }
0x16a: {  	s30 =	simm.s32 $0xE0;
	v26 =	vor.u32 s29, v1;
	v28, v27, _ =	vpop (xrf1)  }
0x16b: {  	s31 =	simm.s32 $0xD0;
	v29 =	vor.u32 s30, v1;
	(xrf1) =	vsort.dscd.msk.f32 $0xffff, v2, v26;
	v2, v10, _ =	vpop (xrf1)  }
0x16c: {  	v30 =	vor.u32 s31, v1;
	s23 =	simm.s32 $0xC0;
	(xrf1) =	vsort.dscd.msk.f32 $0xffff, v3, v29;
	v32, v31, _ =	vpop (xrf1)  }
0x16d: {  	v3 =	vor.u32 s23, v1;
	(xrf1) =	vsort.dscd.msk.f32 $0xffff, v20, v30;
	vm8 =	vlt.f32 v2, v32  }
0x16e: {  	(xrf1) =	vsort.dscd.msk.f32 $0xffff, v23, v3;
	v2 =	vsel vm8, v2, v32;
	v3 =	vsel vm8, v10, v31  }
0x16f: {  	v4, v14, _ =	vpop (xrf1);
	(xrf1) =	vsort.ascd.msk.f32 $0xffff, v2, v3  }
0x170: {  	vm9 =	vlt.f32 v28, v4  }
0x171: {  	v34, v35, _ =	vpop (xrf1);
	v4 =	vsel vm9, v28, v4;
	v33 =	vsel vm9, v27, v14  }
0x172: {  	vm10 =	vlt.f32 v24, v34;
	(xrf1) =	vsort.ascd.msk.f32 $0xffff, v4, v33;
	v2, v3, _ =	vpop (xrf1)  }
0x173: {  	v36 =	vsel vm10, v24, v34;
	v37 =	vsel vm10, v25, v35;
	vm11 =	vlt.f32 v21, v2  }
0x174: {  	(xrf1) =	vsort.ascd.msk.f32 $0xffff, v36, v37;
	v2 =	vsel vm11, v21, v2;
	v3 =	vsel vm11, v22, v3  }
0x175: {  	(xrf1) =	vsort.ascd.msk.f32 $0xffff, v2, v3;
	_ =	sdelay $0x1  }
0x176: {  	v2 =	vld [tilespmem:s21+$0x30]  }
0x177: {  	v3 =	vld [tilespmem:s21+$0x20]  }
0x178: {  	v38 =	vld [tilespmem:s21+$0x10];
	v39, v40, _ =	vpop (xrf1)  }
0x179: {  	s24 =	simm.s32 $0x130;
	v41 =	vld [tilespmem:s21+$0x0];
	v42, v43, _ =	vpop (xrf1)  }
0x17a: {  	s25 =	simm.s32 $0x120;
	v44 =	vor.u32 s24, v1;
	v46, v45, _ =	vpop (xrf1)  }
0x17b: {  	s26 =	simm.s32 $0x110;
	v47 =	vor.u32 s25, v1;
	(xrf1) =	vsort.dscd.msk.f32 $0xffff, v2, v44;
	v2, v10, _ =	vpop (xrf1)  }
0x17c: {  	v48 =	vor.u32 s26, v1;
	s28 =	simm.s32 $0x100;
	(xrf1) =	vsort.dscd.msk.f32 $0xffff, v3, v47;
	v50, v49, _ =	vpop (xrf1)  }
0x17d: {  	v3 =	vor.u32 s28, v1;
	(xrf1) =	vsort.dscd.msk.f32 $0xffff, v38, v48;
	vm12 =	vlt.f32 v2, v50  }
0x17e: {  	(xrf1) =	vsort.dscd.msk.f32 $0xffff, v41, v3;
	v2 =	vsel vm12, v2, v50;
	v3 =	vsel vm12, v10, v49  }
0x17f: {  	v4, v14, _ =	vpop (xrf1);
	(xrf1) =	vsort.ascd.msk.f32 $0xffff, v2, v3  }
0x180: {  	vm13 =	vlt.f32 v46, v4  }
0x181: {  	v52, v53, _ =	vpop (xrf1);
	v4 =	vsel vm13, v46, v4;
	v51 =	vsel vm13, v45, v14  }
0x182: {  	vm14 =	vlt.f32 v42, v52;
	(xrf1) =	vsort.ascd.msk.f32 $0xffff, v4, v51;
	v2, v3, _ =	vpop (xrf1)  }
0x183: {  	v54 =	vsel vm14, v42, v52;
	v55 =	vsel vm14, v43, v53;
	vm15 =	vlt.f32 v39, v2  }
0x184: {  	(xrf1) =	vsort.ascd.msk.f32 $0xffff, v54, v55;
	v2 =	vsel vm15, v39, v2;
	v3 =	vsel vm15, v40, v3  }
0x185: {  	(xrf1) =	vsort.ascd.msk.f32 $0xffff, v2, v3;
	_ =	sdelay $0x1  }
0x186: {  	v2 =	vld [tilespmem:s21+$0x70]  }
0x187: {  	v3 =	vld [tilespmem:s21+$0x60]  }
0x188: {  	v56 =	vld [tilespmem:s21+$0x50];
	v57, v58, _ =	vpop (xrf1)  }
0x189: {  	s29 =	simm.s32 $0x170;
	v59 =	vld [tilespmem:s21+$0x40];
	v60, v61, _ =	vpop (xrf1)  }
0x18a: {  	s30 =	simm.s32 $0x160;
	v62 =	vor.u32 s29, v1;
	v18, v63, _ =	vpop (xrf1)  }
0x18b: {  	s31 =	simm.s32 $0x150;
	v19 =	vor.u32 s30, v1;
	(xrf1) =	vsort.dscd.msk.f32 $0xffff, v2, v62;
	v2, v10, _ =	vpop (xrf1)  }
0x18c: {  	s23 =	simm.s32 $0x140;
	v20 =	vor.u32 s31, v1;
	(xrf1) =	vsort.dscd.msk.f32 $0xffff, v3, v19;
	v22, v21, _ =	vpop (xrf1)  }
0x18d: {  	v3 =	vor.u32 s23, v1;
	(xrf1) =	vsort.dscd.msk.f32 $0xffff, v56, v20;
	vm4 =	vlt.f32 v2, v22  }
0x18e: {  	(xrf1) =	vsort.dscd.msk.f32 $0xffff, v59, v3;
	v2 =	vsel vm4, v2, v22;
	v3 =	vsel vm4, v10, v21  }
0x18f: {  	v4, v14, _ =	vpop (xrf1);
	(xrf1) =	vsort.ascd.msk.f32 $0xffff, v2, v3  }
0x190: {  	vm5 =	vlt.f32 v18, v4  }
0x191: {  	v24, v25, _ =	vpop (xrf1);
	v4 =	vsel vm5, v18, v4;
	v23 =	vsel vm5, v63, v14  }
0x192: {  	vm6 =	vlt.f32 v60, v24;
	(xrf1) =	vsort.ascd.msk.f32 $0xffff, v4, v23;
	v2, v3, _ =	vpop (xrf1)  }
0x193: {  	v26 =	vsel vm6, v60, v24;
	v27 =	vsel vm6, v61, v25;
	vm7 =	vlt.f32 v57, v2  }
0x194: {  	(xrf1) =	vsort.ascd.msk.f32 $0xffff, v26, v27;
	v2 =	vsel vm7, v57, v2;
	v3 =	vsel vm7, v58, v3  }
0x195: {  	(xrf1) =	vsort.ascd.msk.f32 $0xffff, v2, v3;
	_ =	sdelay $0x1  }
0x196: {  	v2 =	vld [tilespmem:s21+$0xB0]  }
0x197: {  	v3 =	vld [tilespmem:s21+$0xA0]  }
0x198: {  	v28 =	vld [tilespmem:s21+$0x90];
	v29, v30, _ =	vpop (xrf1)  }
0x199: {  	s24 =	simm.s32 $0x1B0;
	v31 =	vld [tilespmem:s21+$0x80];
	v32, v33, _ =	vpop (xrf1)  }
0x19a: {  	s25 =	simm.s32 $0x1A0;
	v34 =	vor.u32 s24, v1;
	v36, v35, _ =	vpop (xrf1)  }
0x19b: {  	s26 =	simm.s32 $0x190;
	v37 =	vor.u32 s25, v1;
	(xrf1) =	vsort.dscd.msk.f32 $0xffff, v2, v34;
	v2, v10, _ =	vpop (xrf1)  }
0x19c: {  	s28 =	simm.s32 $0x180;
	v38 =	vor.u32 s26, v1;
	(xrf1) =	vsort.dscd.msk.f32 $0xffff, v3, v37;
	v40, v39, _ =	vpop (xrf1)  }
0x19d: {  	v3 =	vor.u32 s28, v1;
	(xrf1) =	vsort.dscd.msk.f32 $0xffff, v28, v38;
	vm8 =	vlt.f32 v2, v40  }
0x19e: {  	(xrf1) =	vsort.dscd.msk.f32 $0xffff, v31, v3;
	v2 =	vsel vm8, v2, v40;
	v3 =	vsel vm8, v10, v39  }
0x19f: {  	v4, v14, _ =	vpop (xrf1);
	(xrf1) =	vsort.ascd.msk.f32 $0xffff, v2, v3  }
0x1a0: {  	vm9 =	vlt.f32 v36, v4  }
0x1a1: {  	v42, v43, _ =	vpop (xrf1);
	v4 =	vsel vm9, v36, v4;
	v41 =	vsel vm9, v35, v14  }
0x1a2: {  	vm10 =	vlt.f32 v32, v42;
	(xrf1) =	vsort.ascd.msk.f32 $0xffff, v4, v41;
	v2, v3, _ =	vpop (xrf1)  }
0x1a3: {  	v44 =	vsel vm10, v32, v42;
	v45 =	vsel vm10, v33, v43;
	vm11 =	vlt.f32 v29, v2  }
0x1a4: {  	(xrf1) =	vsort.ascd.msk.f32 $0xffff, v44, v45;
	v2 =	vsel vm11, v29, v2;
	v3 =	vsel vm11, v30, v3  }
0x1a5: {  	(xrf1) =	vsort.ascd.msk.f32 $0xffff, v2, v3;
	_ =	sdelay $0x1  }
0x1a6: {  	v2 =	vld [tilespmem:s21+$0xF0]  }
0x1a7: {  	v3 =	vld [tilespmem:s21+$0xE0]  }
0x1a8: {  	v46 =	vld [tilespmem:s21+$0xD0];
	v47, v48, _ =	vpop (xrf1)  }
0x1a9: {  	s20 =	simm.s32 $0x1F0;
	v49 =	vld [tilespmem:s21+$0xC0];
	v50, v51, _ =	vpop (xrf1)  }
0x1aa: {  	s29 =	simm.s32 $0x1E0;
	v52 =	vor.u32 s20, v1;
	v54, v53, _ =	vpop (xrf1)  }
0x1ab: {  	s30 =	simm.s32 $0x1D0;
	v55 =	vor.u32 s29, v1;
	(xrf1) =	vsort.dscd.msk.f32 $0xffff, v2, v52;
	v2, v10, _ =	vpop (xrf1)  }
0x1ac: {  	s31 =	simm.s32 $0x1C0;
	v56 =	vor.u32 s30, v1;
	(xrf1) =	vsort.dscd.msk.f32 $0xffff, v3, v55;
	v58, v57, _ =	vpop (xrf1)  }
0x1ad: {  	v3 =	vor.u32 s31, v1;
	(xrf1) =	vsort.dscd.msk.f32 $0xffff, v46, v56;
	vm12 =	vlt.f32 v2, v58  }
0x1ae: {  	(xrf1) =	vsort.dscd.msk.f32 $0xffff, v49, v3;
	v3 =	vsel vm12, v10, v57  }
0x1af: {  	v4, v14, _ =	vpop (xrf1);
	v2 =	vsel vm12, v2, v58  }
0x1b0: {  	vm13 =	vlt.f32 v54, v4  }
0x1b1: {  	v60, v61, _ =	vpop (xrf1);
	v4 =	vsel vm13, v54, v4;
	v59 =	vsel vm13, v53, v14;
	(xrf1) =	vsort.ascd.msk.f32 $0xffff, v2, v3  }
0x1b2: {  	vm14 =	vlt.f32 v50, v60;
	v2, v3, _ =	vpop (xrf1);
	(xrf1) =	vsort.ascd.msk.f32 $0xffff, v4, v59  }
0x1b3: {  	v62 =	vsel vm14, v50, v60;
	v63 =	vsel vm14, v51, v61;
	vm15 =	vlt.f32 v47, v2  }
0x1b4: {  	(xrf1) =	vsort.ascd.msk.f32 $0xffff, v62, v63;
	v2 =	vsel vm15, v47, v2;
	v3 =	vsel vm15, v48, v3  }
0x1b5: {  	(xrf1) =	vsort.ascd.msk.f32 $0xffff, v2, v3;
	_ =	sdelay $0x1  }
0x1b6: {  	s22 =	simm.s32 $0xB00;
	s21 =	simm.s32 $0x0  }
.LBB2_5:
0x1b7: {  	v2 =	vld [tilespmem:s22+$0xFFFFFF30]  }
0x1b8: {  	v3 =	vld [tilespmem:s22+$0xFFFFFF20]  }
0x1b9: {  	s20 =	sadd.s32 $0x200, s20;
	v4 =	vld [tilespmem:s22+$0xFFFFFF10];
	v5, v6, _ =	vpop (xrf1)  }
0x1ba: {  	s23 =	sadd.s32 $0xFFFFFE40, s20;
	v7 =	vld [tilespmem:s22+$0xFFFFFF00];
	v8, v9, _ =	vpop (xrf1)  }
0x1bb: {  	s24 =	sadd.s32 $0xFFFFFE30, s20;
	v14 =	vor.u32 s23, v1;
	v11, v12, _ =	vpop (xrf1)  }
0x1bc: {  	s23 =	sadd.s32 $0xFFFFFE20, s20;
	v15 =	vor.u32 s24, v1;
	(xrf1) =	vsort.dscd.msk.f32 $0xffff, v2, v14;
	v2, v10, _ =	vpop (xrf1)  }
0x1bd: {  	s24 =	sadd.s32 $0xFFFFFE10, s20;
	v14 =	vor.u32 s23, v1;
	(xrf1) =	vsort.dscd.msk.f32 $0xffff, v3, v15  }
0x1be: {  	v15 =	vor.u32 s24, v1;
	(xrf1) =	vsort.dscd.msk.f32 $0xffff, v4, v14;
	v4, v13, _ =	vpop (xrf1)  }
0x1bf: {  	(xrf1) =	vsort.dscd.msk.f32 $0xffff, v7, v15;
	vm0 =	vlt.f32 v2, v4;
	v3, v7, _ =	vpop (xrf1)  }
0x1c0: {  	s21 =	sadd.s32 $0x8, s21;
	v14 =	vsel vm0, v2, v4;
	v13 =	vsel vm0, v10, v13;
	vm0 =	vlt.f32 v11, v3  }
0x1c1: {  	p1 =	slt.u32 s21, $0x18;
	v3 =	vsel vm0, v11, v3;
	v7 =	vsel vm0, v12, v7;
	v10, v11, _ =	vpop (xrf1);
	(xrf1) =	vsort.ascd.msk.f32 $0xffff, v14, v13  }
0x1c2: {  	vm0 =	vlt.f32 v8, v10;
	v2, v4, _ =	vpop (xrf1);
	(xrf1) =	vsort.ascd.msk.f32 $0xffff, v3, v7  }
0x1c3: {  	v3 =	vsel vm0, v8, v10;
	v7 =	vsel vm0, v9, v11;
	vm0 =	vlt.f32 v5, v2  }
0x1c4: {  	v2 =	vsel vm0, v5, v2;
	v4 =	vsel vm0, v6, v4;
	(xrf1) =	vsort.ascd.msk.f32 $0xffff, v3, v7  }
0x1c5: {  	(xrf1) =	vsort.ascd.msk.f32 $0xffff, v2, v4;
	_ =	sdelay $0x2  }
0x1c6: {  	v2 =	vld [tilespmem:s22+$0xFFFFFF70]  }
0x1c7: {  	v3 =	vld [tilespmem:s22+$0xFFFFFF60]  }
0x1c8: {  	v4 =	vld [tilespmem:s22+$0xFFFFFF50];
	v5, v6, _ =	vpop (xrf1)  }
0x1c9: {  	s23 =	sadd.s32 $0xFFFFFE80, s20;
	v7 =	vld [tilespmem:s22+$0xFFFFFF40];
	v8, v9, _ =	vpop (xrf1)  }
0x1ca: {  	s24 =	sadd.s32 $0xFFFFFE70, s20;
	v10 =	vor.u32 s23, v1;
	v11, v12, _ =	vpop (xrf1)  }
0x1cb: {  	v13 =	vor.u32 s24, v1;
	s23 =	sadd.s32 $0xFFFFFE60, s20;
	v14, v15, _ =	vpop (xrf1);
	(xrf1) =	vsort.dscd.msk.f32 $0xffff, v2, v10  }
0x1cc: {  	s24 =	sadd.s32 $0xFFFFFE50, s20;
	v10 =	vor.u32 s23, v1;
	(xrf1) =	vsort.dscd.msk.f32 $0xffff, v3, v13  }
0x1cd: {  	v13 =	vor.u32 s24, v1;
	(xrf1) =	vsort.dscd.msk.f32 $0xffff, v4, v10;
	v2, v4, _ =	vpop (xrf1)  }
0x1ce: {  	vm0 =	vlt.f32 v14, v2;
	(xrf1) =	vsort.dscd.msk.f32 $0xffff, v7, v13;
	v3, v7, _ =	vpop (xrf1)  }
0x1cf: {  	v13 =	vsel vm0, v14, v2;
	v10 =	vsel vm0, v15, v4;
	vm0 =	vlt.f32 v11, v3  }
0x1d0: {  	v14 =	vsel vm0, v11, v3;
	v11 =	vsel vm0, v12, v7;
	(xrf1) =	vsort.ascd.msk.f32 $0xffff, v13, v10;
	v2, v4, _ =	vpop (xrf1)  }
0x1d1: {  	vm0 =	vlt.f32 v8, v2;
	(xrf1) =	vsort.ascd.msk.f32 $0xffff, v14, v11;
	v3, v7, _ =	vpop (xrf1)  }
0x1d2: {  	v2 =	vsel vm0, v8, v2;
	v4 =	vsel vm0, v9, v4;
	vm0 =	vlt.f32 v5, v3  }
0x1d3: {  	v3 =	vsel vm0, v5, v3;
	v5 =	vsel vm0, v6, v7;
	(xrf1) =	vsort.ascd.msk.f32 $0xffff, v2, v4  }
0x1d4: {  	(xrf1) =	vsort.ascd.msk.f32 $0xffff, v3, v5;
	_ =	sdelay $0x2  }
0x1d5: {  	v2 =	vld [tilespmem:s22+$0xFFFFFFB0]  }
0x1d6: {  	v3 =	vld [tilespmem:s22+$0xFFFFFFA0]  }
0x1d7: {  	v4 =	vld [tilespmem:s22+$0xFFFFFF90];
	v5, v6, _ =	vpop (xrf1)  }
0x1d8: {  	s23 =	sadd.s32 $0xFFFFFEC0, s20;
	v7 =	vld [tilespmem:s22+$0xFFFFFF80];
	v8, v9, _ =	vpop (xrf1)  }
0x1d9: {  	s24 =	sadd.s32 $0xFFFFFEB0, s20;
	v10 =	vor.u32 s23, v1;
	v11, v12, _ =	vpop (xrf1)  }
0x1da: {  	v16 =	vor.u32 s24, v1;
	s23 =	sadd.s32 $0xFFFFFEA0, s20;
	v14, v15, _ =	vpop (xrf1);
	(xrf1) =	vsort.dscd.msk.f32 $0xffff, v2, v10  }
0x1db: {  	s24 =	sadd.s32 $0xFFFFFE90, s20;
	v17 =	vor.u32 s23, v1;
	(xrf1) =	vsort.dscd.msk.f32 $0xffff, v3, v16  }
0x1dc: {  	v3 =	vor.u32 s24, v1;
	v10, v13, _ =	vpop (xrf1);
	(xrf1) =	vsort.dscd.msk.f32 $0xffff, v4, v17  }
0x1dd: {  	vm0 =	vlt.f32 v14, v10;
	v2, v4, _ =	vpop (xrf1);
	(xrf1) =	vsort.dscd.msk.f32 $0xffff, v7, v3  }
0x1de: {  	v14 =	vsel vm0, v14, v10;
	v13 =	vsel vm0, v15, v13;
	vm0 =	vlt.f32 v11, v2  }
0x1df: {  	v2 =	vsel vm0, v11, v2;
	v4 =	vsel vm0, v12, v4;
	v10, v11, _ =	vpop (xrf1);
	(xrf1) =	vsort.ascd.msk.f32 $0xffff, v14, v13  }
0x1e0: {  	vm0 =	vlt.f32 v8, v10;
	v3, v7, _ =	vpop (xrf1);
	(xrf1) =	vsort.ascd.msk.f32 $0xffff, v2, v4  }
0x1e1: {  	v2 =	vsel vm0, v8, v10;
	v4 =	vsel vm0, v9, v11;
	vm0 =	vlt.f32 v5, v3  }
0x1e2: {  	v3 =	vsel vm0, v5, v3;
	v5 =	vsel vm0, v6, v7;
	(xrf1) =	vsort.ascd.msk.f32 $0xffff, v2, v4  }
0x1e3: {  	(xrf1) =	vsort.ascd.msk.f32 $0xffff, v3, v5;
	_ =	sdelay $0x2  }
0x1e4: {  	v2 =	vld [tilespmem:s22+$0xFFFFFFF0]  }
0x1e5: {  	v3 =	vld [tilespmem:s22+$0xFFFFFFE0]  }
0x1e6: {  	v4 =	vld [tilespmem:s22+$0xFFFFFFD0];
	v5, v6, _ =	vpop (xrf1)  }
0x1e7: {  	s23 =	sadd.s32 $0xFFFFFF00, s20;
	v7 =	vld [tilespmem:s22+$0xFFFFFFC0];
	v8, v9, _ =	vpop (xrf1)  }
0x1e8: {  	s24 =	sadd.s32 $0xFFFFFEF0, s20;
	v10 =	vor.u32 s23, v1;
	v11, v12, _ =	vpop (xrf1)  }
0x1e9: {  	v16 =	vor.u32 s24, v1;
	s23 =	sadd.s32 $0xFFFFFEE0, s20;
	v14, v15, _ =	vpop (xrf1);
	(xrf1) =	vsort.dscd.msk.f32 $0xffff, v2, v10  }
0x1ea: {  	s24 =	sadd.s32 $0xFFFFFED0, s20;
	v17 =	vor.u32 s23, v1;
	(xrf1) =	vsort.dscd.msk.f32 $0xffff, v3, v16  }
0x1eb: {  	v3 =	vor.u32 s24, v1;
	v10, v13, _ =	vpop (xrf1);
	(xrf1) =	vsort.dscd.msk.f32 $0xffff, v4, v17  }
0x1ec: {  	vm0 =	vlt.f32 v14, v10;
	v2, v4, _ =	vpop (xrf1);
	(xrf1) =	vsort.dscd.msk.f32 $0xffff, v7, v3  }
0x1ed: {  	v14 =	vsel vm0, v14, v10;
	v13 =	vsel vm0, v15, v13;
	vm0 =	vlt.f32 v11, v2  }
0x1ee: {  	v2 =	vsel vm0, v11, v2;
	v4 =	vsel vm0, v12, v4;
	v10, v11, _ =	vpop (xrf1);
	(xrf1) =	vsort.ascd.msk.f32 $0xffff, v14, v13  }
0x1ef: {  	vm0 =	vlt.f32 v8, v10;
	v3, v7, _ =	vpop (xrf1);
	(xrf1) =	vsort.ascd.msk.f32 $0xffff, v2, v4  }
0x1f0: {  	v2 =	vsel vm0, v8, v10;
	v4 =	vsel vm0, v9, v11;
	vm0 =	vlt.f32 v5, v3  }
0x1f1: {  	v3 =	vsel vm0, v5, v3;
	v5 =	vsel vm0, v6, v7;
	(xrf1) =	vsort.ascd.msk.f32 $0xffff, v2, v4  }
0x1f2: {  	(xrf1) =	vsort.ascd.msk.f32 $0xffff, v3, v5;
	_ =	sdelay $0x2  }
0x1f3: {  	v2 =	vld [tilespmem:s22+$0x30]  }
0x1f4: {  	v3 =	vld [tilespmem:s22+$0x20]  }
0x1f5: {  	v4 =	vld [tilespmem:s22+$0x10];
	v5, v6, _ =	vpop (xrf1)  }
0x1f6: {  	s23 =	sadd.s32 $0xFFFFFF40, s20;
	v7 =	vld [tilespmem:s22+$0x0];
	v8, v9, _ =	vpop (xrf1)  }
0x1f7: {  	s24 =	sadd.s32 $0xFFFFFF30, s20;
	v10 =	vor.u32 s23, v1;
	v11, v12, _ =	vpop (xrf1)  }
0x1f8: {  	v16 =	vor.u32 s24, v1;
	s23 =	sadd.s32 $0xFFFFFF20, s20;
	v14, v15, _ =	vpop (xrf1);
	(xrf1) =	vsort.dscd.msk.f32 $0xffff, v2, v10  }
0x1f9: {  	s24 =	sadd.s32 $0xFFFFFF10, s20;
	v17 =	vor.u32 s23, v1;
	(xrf1) =	vsort.dscd.msk.f32 $0xffff, v3, v16  }
0x1fa: {  	v3 =	vor.u32 s24, v1;
	v10, v13, _ =	vpop (xrf1);
	(xrf1) =	vsort.dscd.msk.f32 $0xffff, v4, v17  }
0x1fb: {  	vm0 =	vlt.f32 v14, v10;
	v2, v4, _ =	vpop (xrf1);
	(xrf1) =	vsort.dscd.msk.f32 $0xffff, v7, v3  }
0x1fc: {  	v14 =	vsel vm0, v14, v10;
	v13 =	vsel vm0, v15, v13;
	vm0 =	vlt.f32 v11, v2  }
0x1fd: {  	v2 =	vsel vm0, v11, v2;
	v4 =	vsel vm0, v12, v4;
	v10, v11, _ =	vpop (xrf1);
	(xrf1) =	vsort.ascd.msk.f32 $0xffff, v14, v13  }
0x1fe: {  	vm0 =	vlt.f32 v8, v10;
	v3, v7, _ =	vpop (xrf1);
	(xrf1) =	vsort.ascd.msk.f32 $0xffff, v2, v4  }
0x1ff: {  	v2 =	vsel vm0, v8, v10;
	v4 =	vsel vm0, v9, v11;
	vm0 =	vlt.f32 v5, v3  }
0x200: {  	v3 =	vsel vm0, v5, v3;
	v5 =	vsel vm0, v6, v7;
	(xrf1) =	vsort.ascd.msk.f32 $0xffff, v2, v4  }
0x201: {  	(xrf1) =	vsort.ascd.msk.f32 $0xffff, v3, v5;
	_ =	sdelay $0x2  }
0x202: {  	v2 =	vld [tilespmem:s22+$0x70]  }
0x203: {  	v3 =	vld [tilespmem:s22+$0x60]  }
0x204: {  	v4 =	vld [tilespmem:s22+$0x50];
	v5, v6, _ =	vpop (xrf1)  }
0x205: {  	s23 =	sadd.s32 $0xFFFFFF80, s20;
	v7 =	vld [tilespmem:s22+$0x40];
	v8, v9, _ =	vpop (xrf1)  }
0x206: {  	s24 =	sadd.s32 $0xFFFFFF70, s20;
	v10 =	vor.u32 s23, v1;
	v11, v12, _ =	vpop (xrf1)  }
0x207: {  	v16 =	vor.u32 s24, v1;
	s23 =	sadd.s32 $0xFFFFFF60, s20;
	v14, v15, _ =	vpop (xrf1);
	(xrf1) =	vsort.dscd.msk.f32 $0xffff, v2, v10  }
0x208: {  	s24 =	sadd.s32 $0xFFFFFF50, s20;
	v17 =	vor.u32 s23, v1;
	(xrf1) =	vsort.dscd.msk.f32 $0xffff, v3, v16  }
0x209: {  	v3 =	vor.u32 s24, v1;
	v10, v13, _ =	vpop (xrf1);
	(xrf1) =	vsort.dscd.msk.f32 $0xffff, v4, v17  }
0x20a: {  	vm0 =	vlt.f32 v14, v10;
	v2, v4, _ =	vpop (xrf1);
	(xrf1) =	vsort.dscd.msk.f32 $0xffff, v7, v3  }
0x20b: {  	v14 =	vsel vm0, v14, v10;
	v13 =	vsel vm0, v15, v13;
	vm0 =	vlt.f32 v11, v2  }
0x20c: {  	v2 =	vsel vm0, v11, v2;
	v4 =	vsel vm0, v12, v4;
	v10, v11, _ =	vpop (xrf1);
	(xrf1) =	vsort.ascd.msk.f32 $0xffff, v14, v13  }
0x20d: {  	vm0 =	vlt.f32 v8, v10;
	v3, v7, _ =	vpop (xrf1);
	(xrf1) =	vsort.ascd.msk.f32 $0xffff, v2, v4  }
0x20e: {  	v2 =	vsel vm0, v8, v10;
	v4 =	vsel vm0, v9, v11;
	vm0 =	vlt.f32 v5, v3  }
0x20f: {  	v3 =	vsel vm0, v5, v3;
	v5 =	vsel vm0, v6, v7;
	(xrf1) =	vsort.ascd.msk.f32 $0xffff, v2, v4  }
0x210: {  	(xrf1) =	vsort.ascd.msk.f32 $0xffff, v3, v5;
	_ =	sdelay $0x2  }
0x211: {  	v2 =	vld [tilespmem:s22+$0xB0]  }
0x212: {  	v3 =	vld [tilespmem:s22+$0xA0]  }
0x213: {  	v4 =	vld [tilespmem:s22+$0x90];
	v5, v6, _ =	vpop (xrf1)  }
0x214: {  	s23 =	sadd.s32 $0xFFFFFFC0, s20;
	v7 =	vld [tilespmem:s22+$0x80];
	v8, v9, _ =	vpop (xrf1)  }
0x215: {  	s24 =	sadd.s32 $0xFFFFFFB0, s20;
	v10 =	vor.u32 s23, v1;
	v11, v12, _ =	vpop (xrf1)  }
0x216: {  	v16 =	vor.u32 s24, v1;
	s23 =	sadd.s32 $0xFFFFFFA0, s20;
	v14, v15, _ =	vpop (xrf1);
	(xrf1) =	vsort.dscd.msk.f32 $0xffff, v2, v10  }
0x217: {  	s24 =	sadd.s32 $0xFFFFFF90, s20;
	v17 =	vor.u32 s23, v1;
	(xrf1) =	vsort.dscd.msk.f32 $0xffff, v3, v16  }
0x218: {  	v3 =	vor.u32 s24, v1;
	v10, v13, _ =	vpop (xrf1);
	(xrf1) =	vsort.dscd.msk.f32 $0xffff, v4, v17  }
0x219: {  	vm0 =	vlt.f32 v14, v10;
	v2, v4, _ =	vpop (xrf1);
	(xrf1) =	vsort.dscd.msk.f32 $0xffff, v7, v3  }
0x21a: {  	v14 =	vsel vm0, v14, v10;
	v13 =	vsel vm0, v15, v13;
	vm0 =	vlt.f32 v11, v2  }
0x21b: {  	v2 =	vsel vm0, v11, v2;
	v4 =	vsel vm0, v12, v4;
	v10, v11, _ =	vpop (xrf1);
	(xrf1) =	vsort.ascd.msk.f32 $0xffff, v14, v13  }
0x21c: {  	vm0 =	vlt.f32 v8, v10;
	v3, v7, _ =	vpop (xrf1);
	(xrf1) =	vsort.ascd.msk.f32 $0xffff, v2, v4  }
0x21d: {  	v2 =	vsel vm0, v8, v10;
	v4 =	vsel vm0, v9, v11;
	vm0 =	vlt.f32 v5, v3  }
0x21e: {  	v3 =	vsel vm0, v5, v3;
	v5 =	vsel vm0, v6, v7;
	(xrf1) =	vsort.ascd.msk.f32 $0xffff, v2, v4  }
0x21f: {  	(xrf1) =	vsort.ascd.msk.f32 $0xffff, v3, v5;
	_ =	sdelay $0x2  }
0x220: {  	v2 =	vld [tilespmem:s22+$0xF0]  }
0x221: {  	v3 =	vld [tilespmem:s22+$0xE0]  }
0x222: {  	v4 =	vld [tilespmem:s22+$0xD0];
	v5, v6, _ =	vpop (xrf1)  }
0x223: {  	v7 =	vld [tilespmem:s22+$0xC0];
	v8, v9, _ =	vpop (xrf1)  }
0x224: {  	s23 =	sadd.s32 $0xFFFFFFF0, s20;
	v10 =	vor.u32 s20, v1;
	v11, v12, _ =	vpop (xrf1)  }
0x225: {  	s24 =	sadd.s32 $0xFFFFFFE0, s20;
	v16 =	vor.u32 s23, v1;
	v14, v15, _ =	vpop (xrf1);
	(xrf1) =	vsort.dscd.msk.f32 $0xffff, v2, v10  }
0x226: {  	s23 =	sadd.s32 $0xFFFFFFD0, s20;
	v17 =	vor.u32 s24, v1;
	(xrf1) =	vsort.dscd.msk.f32 $0xffff, v3, v16  }
0x227: {  	v3 =	vor.u32 s23, v1;
	v10, v13, _ =	vpop (xrf1);
	(xrf1) =	vsort.dscd.msk.f32 $0xffff, v4, v17  }
0x228: {  	vm0 =	vlt.f32 v14, v10;
	v2, v4, _ =	vpop (xrf1);
	(xrf1) =	vsort.dscd.msk.f32 $0xffff, v7, v3  }
0x229: {  	v14 =	vsel vm0, v14, v10;
	v13 =	vsel vm0, v15, v13;
	vm0 =	vlt.f32 v11, v2  }
0x22a: {  	v2 =	vsel vm0, v11, v2;
	v4 =	vsel vm0, v12, v4;
	v10, v11, _ =	vpop (xrf1);
	(xrf1) =	vsort.ascd.msk.f32 $0xffff, v14, v13  }
0x22b: {  	vm0 =	vlt.f32 v8, v10;
	v3, v7, _ =	vpop (xrf1);
	(xrf1) =	vsort.ascd.msk.f32 $0xffff, v2, v4  }
.Ltmp3:
0x22c: {  	v2 =	vsel vm0, v8, v10;
	v4 =	vsel vm0, v9, v11;
	vm0 =	vlt.f32 v5, v3;
	(pc) =	sbr.rel @p1 .LBB2_5-.Ltmp3, $3  }
0x22d: {  	v3 =	vsel vm0, v5, v3;
	v5 =	vsel vm0, v6, v7;
	(xrf1) =	vsort.ascd.msk.f32 $0xffff, v2, v4  }
0x22e: {  	(xrf1) =	vsort.ascd.msk.f32 $0xffff, v3, v5;
	_ =	sdelay $0x1  }
0x22f: {  	s22 =	sadd.s32 $0x200, s22  }
0x230: {  	_ =	sdelay $0x2  }
0x231: {  	v2, v3, _ =	vpop (xrf1)  }
0x232: {  	v4, v5, _ =	vpop (xrf1)  }
0x233: {  	v6, v7, _ =	vpop (xrf1)  }
0x234: {  	v8, v9, _ =	vpop (xrf1)  }
0x235: {  	v10, v11, _ =	vpop (xrf1)  }
0x236: {  	vm0 =	vlt.f32 v8, v10;
	v12, v13, _ =	vpop (xrf1)  }
0x237: {  	v8 =	vsel vm0, v8, v10;
	v9 =	vsel vm0, v9, v11;
	vm10 =	vlt.f32 v6, v12  }
0x238: {  	v6 =	vsel vm10, v6, v12;
	v7 =	vsel vm10, v7, v13;
	(xrf1) =	vsort.ascd.msk.f32 $0xffff, v8, v9  }
0x239: {  	(xrf1) =	vsort.ascd.msk.f32 $0xffff, v6, v7;
	_ =	sdelay $0x6  }
0x23a: {  	v6, v7, _ =	vpop (xrf1)  }
0x23b: {  	vm11 =	vlt.f32 v4, v6;
	v8, v9, _ =	vpop (xrf1)  }
0x23c: {  	v5 =	vsel vm11, v5, v7;
	vm12 =	vlt.f32 v2, v8  }
0x23d: {  	v4 =	vsel vm11, v4, v6;
	v3 =	vsel vm12, v3, v9  }
0x23e: {  	v2 =	vsel vm12, v2, v8;
	_ =	sdelay $0x1  }
0x23f: {  	(xrf1) =	vsort.ascd.msk.f32 $0xffff, v4, v5;
	v4, v5, _ =	vpop (xrf1)  }
0x240: {  	(xrf1) =	vsort.ascd.msk.f32 $0xffff, v2, v3;
	v2, v3, _ =	vpop (xrf1)  }
0x241: {  	(xrf1) =	vsort.dscd.msk.f32 $0xffff, v2, v3;
	_ =	sdelay $0xb  }
0x242: {  	v2, v3, _ =	vpop (xrf1)  }
0x243: {  	v60, v61, _ =	vpop (xrf1)  }
0x244: {  	v62, v63, _ =	vpop (xrf1)  }
0x245: {  	vm13 =	vlt.f32 v62, v4  }
0x246: {  	v4 =	vsel vm13, v62, v4;
	v5 =	vsel vm13, v63, v5  }
0x247: {  	(xrf1) =	vsort.ascd.msk.f32 $0xffff, v4, v5  }
0x248: {  	(xrf1) =	vsort.dscd.msk.f32 $0xffff, v60, v61;
	_ =	sdelay $0xc  }
0x249: {  	v4, v5, _ =	vpop (xrf1)  }
0x24a: {  	v6, v7, _ =	vpop (xrf1)  }
0x24b: {  	vm14 =	vlt.f32 v6, v2  }
0x24c: {  	v2 =	vsel vm14, v6, v2;
	v3 =	vsel vm14, v7, v3  }
0x24d: {  	(xrf1) =	vsort.ascd.msk.f32 $0xffff, v2, v3;
	_ =	sdelay $0xd  }
0x24e: {  	v2, v3, _ =	vpop (xrf1)  }
0x24f: {  	(xrf1) =	vsort.dscd.msk.f32 $0xffff, v2, v3;
	_ =	sdelay $0xd  }
0x250: {  	v2, v3, _ =	vpop (xrf1)  }
0x251: {  	vm15 =	vlt.f32 v2, v4  }
0x252: {  	v2 =	vsel vm15, v2, v4;
	v3 =	vsel vm15, v3, v5  }
0x253: {  	(xrf1) =	vsort.ascd.msk.f32 $0xffff, v2, v3;
	_ =	sdelay $0xb  }
.Ltmp4:
0x254: {  	_ = 	snop;
	(pc) =	sbr.rel @p0 .LBB2_8-.Ltmp4, $4  }
0x255: {  	_ = 	snop  }
0x256: {  	_, v2, _ =	vpop (xrf1)  }
0x257: {  	v2 =	vadd.s32 v0, v2  }
0x258: {  	[tilespmem:s19+$0x1010] =	vst v2  }
0x259: {  	s18 =	sor.u32 s4, s18  }
0x25a: {  	s18 =	sadd.s32 $0x3, s18  }
.Ltmp5:
0x25b: {  	s19 =	sshll.u32 s18, $0x4;
	(pc) =	sbr.rel .LBB2_2-.Ltmp5, $4  }
0x25c: {  	s18 =	sshll.u32 s18, $0x8;
	s19 =	sand.u32 $0x70, s19  }
0x25d: {  	s18 =	sand.u32 $0xFFFF800, s18;
	s19 =	sadd.s32 s3, s19  }
0x25e: {  	s17 =	sadd.s32 $0x1, s17;
	s18 =	sadd.s32 s18, s19  }
0x25f: {  	[tilespmem:s11], [sflag:$0x2] =	stream.strided.gather [hbm4b:s18+s9], $0x800, s10, s9, $0x38;
	[tilespmem:$0x1800] =	vst v63  }
.LBB2_9:
0x260: {  	_ =	sfence.sel $0x180000  }
0x261: {  	[bflag:$0x0] =	sbarrier.arrive $0xFFFF  }
0x262: {  	p0 =	sne.s32 s1, $0x0;
	_ =	strace $0x90000047  }
0x263: {  	s0 =	sadd.s32 @!p0 $0x100000, s0;
	[bflag:$0x2] =	sbarrier.arrive $0xFFFF  }
0x264: {  	[sflag:s0] =	ssyncadd.tile.s32 @!p0 $0x1;
	_ =	shalt  }
.Lfunc_end2:
_tile_overlayer_lowered:
.L_overlay_start_2:
0x265: {  	(tag) =	ssettag $0x2  }
0x266: {  	s0 =	rddreg [dreg:$0x0];
	s2 =	stileid.u32  }
0x267: {  	s1 =	rddreg [dreg:$0x1];
	p0 =	sne.s32 s2, $0x0  }
0x268: {  	s3 =	rddreg [dreg:$0x2];
	[bflag:$0x3] =	sbarrier.arrive $0xFFFF;
	s2 =	simm.s32 @!p0 $0x1C03  }
0x269: {  	[timem:s3], [sflag:s2] =	dma.local @!p0 [hbm:s0], s1  }
0x26a: {  	s0 =	simm.s32 @!p0 $0x3  }
0x26b: {  	_ =	swait.ge @!p0 [sflag:s0], s1  }
0x26c: {  	s1 =	ssub.s32 @!p0 $0x0, s1;
	[sflag:s0] =	ssyncset.done @!p0 $0x0  }
0x26d: {  	[sflag:s0] =	ssyncadd.s32 @!p0 s1  }
0x26e: {  	[bflag:$0x3] =	sbarrier.arrive $0xFFFF  }
0x26f: {  	_ =	shalt  }

// kernel: kernel.16.cloned.1.call-start
scs
__scs_entry_jumppad:
0x0: {  	(pc) =	sbr.rel $0x88, $3  }
0x1: {  	(tag) =	ssettag $0x0;
	lr =	simm.s32 $0x1  }
0x2: {  	[smem:$0x3F8A] =	sst lr;
	_ =	strace $0xD0000000  }
0x3: {  	_ = 	snop  }
0x4: {  	_ = 	snop  }
0x5: {  	_ = 	snop  }
0x6: {  	_ = 	snop  }
0x7: {  	_ = 	snop  }
__scs_overlays_trampoline_lowered:
0x8: {  	[smem:$0x3F99] =	sst s0  }
0x9: {  	[smem:$0x3F9A] =	sst s1  }
0xa: {  	[smem:$0x3F9B] =	sst s2  }
0xb: {  	[smem:$0x3F9C] =	sst s3  }
0xc: {  	[smem:$0x3F9D] =	sst s4  }
0xd: {  	[smem:$0x3F9E] =	sst s5  }
0xe: {  	[smem:$0x3F9F] =	sst s6  }
0xf: {  	[smem:$0x3FA0] =	sst s7  }
0x10: {  	[smem:$0x3FA1] =	sst s8  }
0x11: {  	[smem:$0x3FA2] =	sst s9;
	s0 =	simm.s32 @!p0 $0x0  }
0x12: {  	s1 =	sld [smem:$0x3F88];
	s0 =	simm.s32 @p0 $0x1  }
0x13: {  	[smem:$0x3FA3] =	sst s0;
	s0 =	simm.s32 @!p1 $0x0  }
0x14: {  	s2 =	sld [smem:$0x3F87];
	s0 =	simm.s32 @p1 $0x1  }
0x15: {  	[smem:$0x3FA4] =	sst s0;
	s0 =	simm.s32 @!p2 $0x0  }
0x16: {  	s3 =	sld [smem:$0x3FDB];
	s0 =	simm.s32 @p2 $0x1  }
0x17: {  	s4 =	simm.s32 $0x1BF5;
	[smem:$0x3FA6] =	sst s0  }
0x18: {  	s0 =	sld [smem:$0x3F89];
	_ =	swait.ge [sflag:s4], $0x0  }
0x19: {  	s7 =	sld [smem:$0x3F8A]  }
0x1a: {  	s8 =	sadd.s32 $0xFFFFE003, lr  }
0x1b: {  	s9 =	sadd.s32 $0xFFFFFEF7, lr;
	s5 =	simm.s32 $0xFFFFFFFF;
	p2 =	slt.u32 s8, $0xFFFFF086  }
0x1c: {  	p1 =	slt.u32 s9, $0xF7A;
	s5 =	simm.s32 @!p2 $0x0  }
0x1d: {  	s5 =	simm.s32 @p1 $0x1;
	p0 =	seq.s32 s7, s2  }
0x1e: {  	s7 =	smul.u32 @!p0 $0xF7A, s2;
	p2 =	seq.s32 @!p0 s5, $0x0  }
0x1f: {  	s9 =	smul.u32 $0xF7A, s1;
	s8 =	simm.s32 @!p0 $0x1BF5;
	p2 =	por !p2, p0  }
0x20: {  	[sflag:s8] =	ssyncset.s32 @!p0 $0xFFFFF086;
	s6 =	sadd.s32 @!p0 s3, s7;
	s7 =	simm.s32 @!p0 $0x108  }
0x21: {  	s3 =	sadd.s32 s3, s9;
	s6 =	sadd.s32 @!p0 $0x88, s6;
	s7 =	simm.s32 @p2 $0x1082  }
0x22: {  	[simem:s7], [sflag:s8] =	dma.local @!p0 [hbm:s6], $0xF7A  }
0x23: {  	s9 =	sor.u32 $0xD0000000, s2;
	s6 =	simm.s32 $0x108;
	_ =	swait.ge @!p0 [sflag:s8], $0x0  }
0x24: {  	s3 =	sadd.s32 $0x88, s3;
	s6 =	simm.s32 @!p1 $0x1082;
	[sflag:s4] =	ssyncset.s32 $0xFFFFF086  }
0x25: {  	[simem:s6], [sflag:s4] =	dma.local [hbm:s3], $0xF7A  }
0x26: {  	[smem:$0x3F8A] =	sst s1;
	(tag) =	ssettag s2;
	_ =	strace s9  }
0x27: {  	s1 =	sld [smem:$0x3F9A]  }
0x28: {  	s2 =	sld [smem:$0x3F9B]  }
0x29: {  	s4 =	sld [smem:$0x3F9D]  }
0x2a: {  	p0 =	seq.s32 s5, $0x0;
	s5 =	sld [smem:$0x3F9E]  }
0x2b: {  	s6 =	sld [smem:$0x3F9F]  }
0x2c: {  	s7 =	sld [smem:$0x3FA0]  }
0x2d: {  	s3 =	simm.s32 $0x108;
	s8 =	sld [smem:$0x3FA1]  }
0x2e: {  	s3 =	simm.s32 @!p0 $0x1082;
	s9 =	sld [smem:$0x3FA2]  }
0x2f: {  	lr =	sadd.s32 s0, s3;
	s0 =	sld [smem:$0x3F99]  }
0x30: {  	s3 =	sld [smem:$0x3F9C]  }
0x31: {  	[smem:$0x3FA5] =	sst s10  }
0x32: {  	s10 =	sld [smem:$0x3FA3];
	_ =	sdelay $0x3  }
0x33: {  	p0 =	seq.s32 s10, $0x1;
	s10 =	sld [smem:$0x3FA5];
	_ =	sdelay $0x3  }
0x34: {  	[smem:$0x3FA5] =	sst s10  }
0x35: {  	s10 =	sld [smem:$0x3FA4];
	_ =	sdelay $0x3  }
0x36: {  	p1 =	seq.s32 s10, $0x1;
	s10 =	sld [smem:$0x3FA5];
	_ =	sdelay $0x3  }
0x37: {  	[smem:$0x3FA5] =	sst s10  }
0x38: {  	s10 =	sld [smem:$0x3FA6]  }
0x39: {  	_ = 	snop;
	(pc) =	sbr.ind lr, $3  }
0x3a: {  	_ = 	snop  }
0x3b: {  	_ = 	snop  }
0x3c: {  	p2 =	seq.s32 s10, $0x1;
	s10 =	sld [smem:$0x3FA5]  }
0x3d: {  	_ =	shalt  }
0x3e: {  	_ =	shalt  }
0x3f: {  	_ =	shalt  }
0x40: {  	_ =	shalt  }
0x41: {  	_ =	shalt  }
0x42: {  	_ =	shalt  }
0x43: {  	_ =	shalt  }
0x44: {  	_ =	shalt  }
0x45: {  	_ =	shalt  }
0x46: {  	_ =	shalt  }
0x47: {  	_ =	shalt  }
0x48: {  	_ =	shalt  }
0x49: {  	_ =	shalt  }
0x4a: {  	_ =	shalt  }
0x4b: {  	_ =	shalt  }
0x4c: {  	_ =	shalt  }
0x4d: {  	_ =	shalt  }
0x4e: {  	_ =	shalt  }
0x4f: {  	_ =	shalt  }
0x50: {  	_ =	shalt  }
0x51: {  	_ =	shalt  }
0x52: {  	_ =	shalt  }
0x53: {  	_ =	shalt  }
0x54: {  	_ =	shalt  }
0x55: {  	_ =	shalt  }
0x56: {  	_ =	shalt  }
0x57: {  	_ =	shalt  }
0x58: {  	_ =	shalt  }
0x59: {  	_ =	shalt  }
0x5a: {  	_ =	shalt  }
0x5b: {  	_ =	shalt  }
0x5c: {  	_ =	shalt  }
0x5d: {  	_ =	shalt  }
0x5e: {  	_ =	shalt  }
0x5f: {  	_ =	shalt  }
0x60: {  	_ =	shalt  }
0x61: {  	_ =	shalt  }
0x62: {  	_ =	shalt  }
0x63: {  	_ =	shalt  }
0x64: {  	_ =	shalt  }
0x65: {  	_ =	shalt  }
0x66: {  	_ =	shalt  }
0x67: {  	_ =	shalt  }
0x68: {  	_ =	shalt  }
0x69: {  	_ =	shalt  }
0x6a: {  	_ =	shalt  }
0x6b: {  	_ =	shalt  }
0x6c: {  	_ =	shalt  }
0x6d: {  	_ =	shalt  }
0x6e: {  	_ =	shalt  }
0x6f: {  	_ =	shalt  }
0x70: {  	_ =	shalt  }
0x71: {  	_ =	shalt  }
0x72: {  	_ =	shalt  }
0x73: {  	_ =	shalt  }
0x74: {  	_ =	shalt  }
0x75: {  	_ =	shalt  }
0x76: {  	_ =	shalt  }
0x77: {  	_ =	shalt  }
0x78: {  	_ =	shalt  }
0x79: {  	_ =	shalt  }
0x7a: {  	_ =	shalt  }
0x7b: {  	_ =	shalt  }
0x7c: {  	_ =	shalt  }
0x7d: {  	_ =	shalt  }
0x7e: {  	_ =	shalt  }
0x7f: {  	_ =	shalt  }
0x80: {  	_ =	shalt  }
0x81: {  	_ =	shalt  }
0x82: {  	_ =	shalt  }
0x83: {  	_ =	shalt  }
0x84: {  	_ =	shalt  }
0x85: {  	_ =	shalt  }
0x86: {  	_ =	shalt  }
0x87: {  	_ =	shalt  }
.Lfunc_end0:
.L_simem_size_0:
called_computation.1_lowered:
.L_overlay_start_0:
0x88: {  	s2 =	sld [smem:$0x3FD9]  }
0x89: {  	s3 =	sld [smem:$0x3FFE];
	_ =	sdelay $0x1  }
0x8a: {  	s1 =	srdreg.scid  }
0x8b: {  	s0 =	sand.u32 $0x1, s1  }
0x8c: {  	s17 =	sshll.u32 s0, $0xA;
	s2 =	sadd.s32 s3, s2  }
0x8d: {  	s2 =	sadd.s32 s2, s17  }
0x8e: {  	[smem:$0x3FB1] =	sst s2  }
0x8f: {  	_ = 	snop  }
0x90: {  	s2 =	sld [smem:$0x3FD0];
	(tm) =	ssettm $0x1  }
0x91: {  	s18 =	sld [smem:$0x3FFB];
	_ =	sdelay $0x3  }
0x92: {  	_ =	strace s18  }
0x93: {  	s3 =	sld [smem:$0x3FFC];
	_ =	sdelay $0x3  }
0x94: {  	_ =	strace s3  }
0x95: {  	s3 =	sld [smem:$0x3FFD];
	_ =	sdelay $0x3  }
0x96: {  	_ =	strace s3  }
0x97: {  	_ =	strace $0x8FFFFFFF  }
0x98: {  	s19 =	sld [smem:$0x3FDB];
	_ =	sdelay $0x1  }
0x99: {  	s4 =	simm.s32 $_scs_section_size  }
0x9a: {  	s5 =	simm.s32 $_size__tile_overlayer_lowered;
	s6 =	simm.s32 $_tile_overlayer_lowered  }
0x9b: {  	s22 =	simm.s32 $0x1BFF;
	s21 =	sshll.u32 s6, $0x1;
	s3 =	sadd.s32 s4, s19  }
0x9c: {  	s7 =	simm.s32 $0x0;
	s20 =	sshll.u32 s5, $0x1;
	s5 =	sadd.s32 s21, s3  }
0x9d: {  	[timem:s7], [sflag:s22] =	dma.local [hbm:s5], s20  }
0x9e: {  	_ =	swait.ge [sflag:s22], s20  }
0x9f: {  	s4 =	ssub.s32 $0x0, s20;
	[sflag:s22] =	ssyncset.done $0x0  }
0xa0: {  	[sflag:s22] =	ssyncadd.s32 s4;
	_ =	sdelay $0x1  }
0xa1: {  	s23 =	simm.s32 $0x1B8B  }
0xa2: {  	_ =	swait.ge [sflag:s23], $0x1  }
0xa3: {  	[sflag:s23] =	ssyncset.done $0x0  }
0xa4: {  	s25 =	simm.s32 $0x1B8E;
	s24 =	sld [smem:$0x3FFE];
	[sflag:s23] =	ssyncadd.s32 $0xFFFFFFFF  }
0xa5: {  	s26 =	simm.s32 $execute0_lowered;
	[smem:$0x3FD2] =	sst s25  }
0xa6: {  	s5 =	sshll.u32 s26, $0x1;
	_ =	strace $0x80000049;
	[dreg:$0x1] =	wrdreg $0xFFFFFFFF  }
0xa7: {  	s28 =	simm.s32 $_size_execute0_lowered;
	s3 =	sadd.s32 s3, s5;
	[dreg:$0x0] =	wrdreg $0x0  }
0xa8: {  	s5 =	sshll.u32 s28, $0x1;
	[dreg:$0x2] =	wrdreg s3  }
0xa9: {  	[dreg:$0x3] =	wrdreg s5  }
0xaa: {  	[dreg:$0x4] =	wrdreg $0xC0  }
0xab: {  	_ =	task [dreg:s7], $0x5FFFF  }
0xac: {  	[dreg:$0x1] =	wrdreg $0xFFFFFFFF  }
0xad: {  	[dreg:$0x0] =	wrdreg $0x60  }
0xae: {  	[dreg:$0x2] =	wrdreg s24  }
0xaf: {  	[dreg:$0x3] =	wrdreg s2  }
0xb0: {  	[dreg:$0x4] =	wrdreg $0x9  }
0xb1: {  	_ =	task.clear_ibuf [dreg:s7], $0x5FFFF;
	_ =	strace $0x90000049  }
0xb2: {  	s29 =	simm.s32 $0x9;
	_ =	strace $0x8000004B  }
0xb3: {  	_ =	swait.ge [sflag:s29], $0x1  }
0xb4: {  	[sflag:s29] =	ssyncadd.s32 $0xFFFFFFFF  }
0xb5: {  	_ =	strace $0x9000004B  }
0xb6: {  	_ =	sfence  }
0xb7: {  	s30 =	sld [smem:$0x0];
	_ =	sdelay $0x2  }
0xb8: {  	s31 =	sshll.u32 s1, $0xD;
	s1 =	sshrl.u32 s1, $0x2  }
0xb9: {  	s3 =	sand.u32 $0x4000, s31;
	s1 =	sadd.s32 s1, s30  }
0xba: {  	s0 =	sor.u32 s3, s0;
	s1 =	sshll.u32 s1, $0x11  }
0xbb: {  	s0 =	sor.u32 s1, s0  }
0xbc: {  	s0 =	sadd.s32 $0x8F2B, s0  }
0xbd: {  	[sflag:s0] =	ssyncadd.remote.s32 $0x1  }
0xbe: {  	_ =	sfence.sel $0xFFFF  }
0xbf: {  	[dreg:$0x0] =	wrdreg $0xFFFFFFFF;
	(pc) =	sbr.abs _section_cstart, $3  }
0xc0: {  	[dreg:$0x1] =	wrdreg $0xFFFFFFFF  }
0xc1: {  	_ =	task.clear_ibuf [dreg:s7], $0x2FFFF;
	_ =	strace $0x9FFFFFFF  }
0xc2: {  	(tm) =	ssettm $0x7FFFFFFF  }
0xc3: {  	_ =	shalt  }
tec
execute0_lowered:
.L_overlay_start_1:
0x0: {  	(tag) =	ssettag $0x1  }
0x1: {  	s6 =	rddreg [dreg:$0x0]  }
0x2: {  	s13 =	rddreg [dreg:$0x1]  }
0x3: {  	s1 =	simm.s32 $0x0;
	s4 =	srdreg.scid;
	s0 =	stileid.u32  }
0x4: {  	s16 =	simm.s32 $0x100;
	s17 =	simm.s32 $0x4100;
	s18 =	simm.s32 $0x8100  }
0x5: {  	s19 =	simm.s32 $0xC100;
	s20 =	simm.s32 $0x10100;
	s21 =	simm.s32 $0x14100  }
0x6: {  	s22 =	simm.s32 $0x1;
	s23 =	simm.s32 $0x2;
	s24 =	simm.s32 $0x0  }
0x7: {  	s3 =	sadd.s32 $0x115400, s6;
	s7 =	sand.u32 $0x1, s4;
	s4 =	sadd.s32 $0x125400, s6  }
0x8: {  	[smem:$0x7FF] =	sst s1;
	s8 =	sshll.u32 s0, $0xC;
	s5 =	sadd.s32 $0x105400, s6  }
0x9: {  	s10 =	sshll.u32 s0, $0x10;
	_ =	strace $0x8000004A;
	s9 =	sshll.u32 s7, $0xB  }
0xa: {  	s25 =	sadd.s32 s10, s6;
	s26 =	ssub.s32 $0x2, s7;
	s12 =	sshll.u32 s7, $0xF  }
0xb: {  	s11 =	sor.u32 s9, s8;
	s29 =	sshrl.u32 s26, $0x1;
	s12 =	sadd.s32 s12, s25  }
0xc: {  	s28 =	sshrl.u32 s11, $0x3;
	s9 =	ssub.s32 s26, s29;
	s14 =	sor.u32 $0x180, s11  }
.Ltmp0:
0xd: {  	s10 =	sadd.s32 $0x235400, s12;
	s15 =	sor.u32 $0x100, s11;
	(pc) =	sbr.rel .LBB2_1-.Ltmp0, $4  }
0xe: {  	s11 =	sadd.s32 $0x135400, s12;
	s6 =	sadd.s32 s13, s28;
	s8 =	smax.u32 s9, $0x1  }
0xf: {  	s9 =	sadd.s32 $0x5400, s12;
	s14 =	sshrl.u32 s14, $0x3;
	s31 =	sshrl.u32 s15, $0x3  }
0x10: {  	s15 =	simm.s32 $0x80;
	s30 =	sadd.s32 $0x10, s6;
	s12 =	sadd.s32 s14, s13  }
0x11: {  	s13 =	sadd.s32 s31, s13;
	s14 =	simm.s32 $0x3;
	[dreg:$0x3] =	wrdreg s30  }
.LBB2_4:
0x12: {  	s24 =	sadd.s32 $0x1, s24  }
0x13: {  	p0 =	sne.s32 s24, s8  }
.Ltmp1:
0x14: {  	_ = 	snop;
	(pc) =	sbr.rel @!p0 .LBB2_5-.Ltmp1, $1  }
0x15: {  	_ =	sdelay $0x3  }
.LBB2_1:
0x16: {  	[tilespmem:s1], [sflag:$0x3] =	stream.linear.gather [hbm4b:s6+s1], $0x80, $0x38;
	[tilespmem:$0x18100] =	vst v63  }
0x17: {  	_ =	swait.ge [sflag:s14], $0x80  }
0x18: {  	[sflag:s14] =	ssyncset.done $0x0  }
0x19: {  	[sflag:s14] =	ssyncadd.s32 $0xFFFFFF80  }
0x1a: {  	[tilespmem:s16], [sflag:$0x1] =	stream.indirect.gather [hbm4b:s3+s15], $0x80, s1, s15, $0xb8;
	[tilespmem:$0x18100] =	vst v63  }
0x1b: {  	_ = 	snop  }
0x1c: {  	[tilespmem:s17], [sflag:$0x1] =	stream.indirect.gather [hbm4b:s4+s15], $0x80, s1, s15, $0xb8;
	[tilespmem:$0x18100] =	vst v63  }
0x1d: {  	_ = 	snop  }
0x1e: {  	[tilespmem:s18], [sflag:$0x1] =	stream.indirect.gather [hbm4b:s5+s15], $0x80, s1, s15, $0xb8;
	[tilespmem:$0x18100] =	vst v63  }
0x1f: {  	s0 =	rddreg [dreg:$0x3]  }
0x20: {  	[tilespmem:s15], [sflag:$0x3] =	stream.linear.gather [hbm4b:s0+s1], $0x80, $0x38;
	[tilespmem:$0x18100] =	vst v63  }
0x21: {  	_ =	swait.ge [sflag:s14], $0x80  }
0x22: {  	[sflag:s14] =	ssyncset.done $0x0  }
0x23: {  	[sflag:s14] =	ssyncadd.s32 $0xFFFFFF80  }
0x24: {  	[tilespmem:s19], [sflag:$0x2] =	stream.indirect.gather [hbm4b:s3+s15], $0x80, s15, s15, $0xb8;
	[tilespmem:$0x18100] =	vst v63  }
0x25: {  	_ = 	snop  }
0x26: {  	[tilespmem:s20], [sflag:$0x2] =	stream.indirect.gather [hbm4b:s4+s15], $0x80, s15, s15, $0xb8;
	[tilespmem:$0x18100] =	vst v63  }
0x27: {  	s25 =	smov.u32 s13;
	s26 =	smov.u32 s12;
	s28 =	simm.s32 $0x0  }
0x28: {  	[tilespmem:s21], [sflag:$0x2] =	stream.indirect.gather [hbm4b:s5+s15], $0x80, s15, s15, $0xb8;
	[tilespmem:$0x18100] =	vst v63  }
.LBB2_2:
0x29: {  	_ =	swait.ge [sflag:s22], $0x4000  }
0x2a: {  	[sflag:s22] =	ssyncset.done $0x0  }
0x2b: {  	[sflag:s22] =	ssyncadd.s32 $0xFFFFC000  }
0x2c: {  	_ =	swait.ge [sflag:s22], $0x4000  }
0x2d: {  	[sflag:s22] =	ssyncset.done $0x0  }
0x2e: {  	[sflag:s22] =	ssyncadd.s32 $0xFFFFC000  }
0x2f: {  	_ =	swait.ge [sflag:s22], $0x4000  }
0x30: {  	[sflag:s22] =	ssyncset.done $0x0  }
0x31: {  	s29 =	sadd.s32 s28, s11;
	[sflag:s22] =	ssyncadd.s32 $0xFFFFC000  }
0x32: {  	[hbm4b:s29+s1] =	stream.linear.scatter [tilespmem:s16], [sflag:$0x3], $0x4000, $0x38;
	[tilespmem:$0x18100] =	vst v63  }
0x33: {  	_ =	swait.ge [sflag:s14], $0x4000  }
0x34: {  	[sflag:s14] =	ssyncset.done $0x0  }
0x35: {  	s30 =	sadd.s32 s28, s10;
	[sflag:s14] =	ssyncadd.s32 $0xFFFFC000  }
0x36: {  	[hbm4b:s30+s1] =	stream.linear.scatter [tilespmem:s17], [sflag:$0x3], $0x4000, $0x38;
	[tilespmem:$0x18100] =	vst v63  }
0x37: {  	_ =	swait.ge [sflag:s14], $0x4000  }
0x38: {  	[sflag:s14] =	ssyncset.done $0x0  }
0x39: {  	s31 =	sadd.s32 s28, s9;
	[sflag:s14] =	ssyncadd.s32 $0xFFFFC000  }
0x3a: {  	[hbm4b:s31+s1] =	stream.linear.scatter [tilespmem:s18], [sflag:$0x3], $0x4000, $0x38;
	[tilespmem:$0x18100] =	vst v63  }
0x3b: {  	_ =	swait.ge [sflag:s14], $0x4000  }
0x3c: {  	p0 =	seq.s32 s28, $0x7000;
	[sflag:s14] =	ssyncset.done $0x0  }
0x3d: {  	s0 =	simm.s32 @!p0 $0x0;
	s2 =	simm.s32 @!p0 $0x3;
	[sflag:s14] =	ssyncadd.s32 $0xFFFFC000  }
0x3e: {  	[tilespmem:s0], [sflag:$0x3] =	stream.linear.gather @!p0 [hbm4b:s25+s0], $0x80, $0x38;
	[tilespmem:$0x18100] =	vst v63  }
0x3f: {  	_ =	swait.ge @!p0 [sflag:s2], $0x80  }
0x40: {  	[sflag:s2] =	ssyncset.done @!p0 $0x0  }
0x41: {  	s7 =	simm.s32 @!p0 $0x100;
	[sflag:s2] =	ssyncadd.s32 @!p0 $0xFFFFFF80;
	s2 =	simm.s32 @!p0 $0x80  }
0x42: {  	[tilespmem:s7], [sflag:$0x1] =	stream.indirect.gather @!p0 [hbm4b:s3+s2], $0x80, s0, s2, $0xb8;
	[tilespmem:$0x18100] =	vst v63  }
0x43: {  	s7 =	simm.s32 @!p0 $0x4100  }
0x44: {  	[tilespmem:s7], [sflag:$0x1] =	stream.indirect.gather @!p0 [hbm4b:s4+s2], $0x80, s0, s2, $0xb8;
	[tilespmem:$0x18100] =	vst v63  }
0x45: {  	s7 =	simm.s32 @!p0 $0x8100  }
0x46: {  	[tilespmem:s7], [sflag:$0x1] =	stream.indirect.gather @!p0 [hbm4b:s5+s2], $0x80, s0, s2, $0xb8;
	[tilespmem:$0x18100] =	vst v63  }
0x47: {  	_ =	swait.ge [sflag:s23], $0x4000  }
0x48: {  	[sflag:s23] =	ssyncset.done $0x0  }
0x49: {  	[sflag:s23] =	ssyncadd.s32 $0xFFFFC000  }
0x4a: {  	_ =	swait.ge [sflag:s23], $0x4000  }
0x4b: {  	[sflag:s23] =	ssyncset.done $0x0  }
0x4c: {  	[sflag:s23] =	ssyncadd.s32 $0xFFFFC000  }
0x4d: {  	_ =	swait.ge [sflag:s23], $0x4000  }
0x4e: {  	[sflag:s23] =	ssyncset.done $0x0  }
0x4f: {  	s29 =	sadd.s32 $0x800, s29;
	[sflag:s23] =	ssyncadd.s32 $0xFFFFC000  }
0x50: {  	[hbm4b:s29+s1] =	stream.linear.scatter [tilespmem:s19], [sflag:$0x3], $0x4000, $0x38;
	[tilespmem:$0x18100] =	vst v63  }
0x51: {  	_ =	swait.ge [sflag:s14], $0x4000  }
0x52: {  	[sflag:s14] =	ssyncset.done $0x0  }
0x53: {  	s30 =	sadd.s32 $0x800, s30;
	[sflag:s14] =	ssyncadd.s32 $0xFFFFC000  }
0x54: {  	[hbm4b:s30+s1] =	stream.linear.scatter [tilespmem:s20], [sflag:$0x3], $0x4000, $0x38;
	[tilespmem:$0x18100] =	vst v63  }
0x55: {  	_ =	swait.ge [sflag:s14], $0x4000  }
0x56: {  	[sflag:s14] =	ssyncset.done $0x0  }
.Ltmp2:
0x57: {  	s31 =	sadd.s32 $0x800, s31;
	[sflag:s14] =	ssyncadd.s32 $0xFFFFC000;
	(pc) =	sbr.rel @p0 .LBB2_4-.Ltmp2, $4  }
0x58: {  	[hbm4b:s31+s1] =	stream.linear.scatter [tilespmem:s21], [sflag:$0x3], $0x4000, $0x38;
	[tilespmem:$0x18100] =	vst v63  }
0x59: {  	_ =	swait.ge [sflag:s14], $0x4000  }
0x5a: {  	[sflag:s14] =	ssyncset.done $0x0  }
0x5b: {  	[sflag:s14] =	ssyncadd.s32 $0xFFFFC000  }
0x5c: {  	[tilespmem:s15], [sflag:$0x3] =	stream.linear.gather [hbm4b:s26+s1], $0x80, $0x38;
	[tilespmem:$0x18100] =	vst v63  }
0x5d: {  	_ =	swait.ge [sflag:s14], $0x80  }
0x5e: {  	[sflag:s14] =	ssyncset.done $0x0  }
0x5f: {  	[sflag:s14] =	ssyncadd.s32 $0xFFFFFF80  }
0x60: {  	[tilespmem:s19], [sflag:$0x2] =	stream.indirect.gather [hbm4b:s3+s15], $0x80, s15, s15, $0xb8;
	[tilespmem:$0x18100] =	vst v63  }
.Ltmp3:
0x61: {  	_ = 	snop;
	(pc) =	sbr.rel .LBB2_2-.Ltmp3, $4  }
0x62: {  	_ = 	snop  }
0x63: {  	[tilespmem:s20], [sflag:$0x2] =	stream.indirect.gather [hbm4b:s4+s15], $0x80, s15, s15, $0xb8;
	[tilespmem:$0x18100] =	vst v63  }
0x64: {  	s28 =	sadd.s32 $0x1000, s28;
	s26 =	sadd.s32 $0x20, s26;
	s25 =	sadd.s32 $0x20, s25  }
0x65: {  	[tilespmem:s21], [sflag:$0x2] =	stream.indirect.gather [hbm4b:s5+s15], $0x80, s15, s15, $0xb8;
	[tilespmem:$0x18100] =	vst v63  }
.LBB2_5:
0x66: {  	_ =	sfence.sel $0x180000  }
0x67: {  	[bflag:$0x0] =	sbarrier.arrive $0xFFFF  }
0x68: {  	_ =	strace $0x9000004A  }
0x69: {  	s0 =	stileid.u32;
	[bflag:$0x2] =	sbarrier.arrive $0xFFFF  }
0x6a: {  	p0 =	sne.s32 s0, $0x0;
	s0 =	rddreg [dreg:$0x2]  }
0x6b: {  	s0 =	sadd.s32 @!p0 $0x100000, s0  }
0x6c: {  	[sflag:s0] =	ssyncadd.tile.s32 @!p0 $0x1;
	_ =	shalt  }
.Lfunc_end2:
_tile_overlayer_lowered:
.L_overlay_start_2:
0x6d: {  	(tag) =	ssettag $0x2  }
0x6e: {  	s0 =	rddreg [dreg:$0x0];
	s2 =	stileid.u32  }
0x6f: {  	s1 =	rddreg [dreg:$0x1];
	p0 =	sne.s32 s2, $0x0  }
0x70: {  	s3 =	rddreg [dreg:$0x2];
	[bflag:$0x3] =	sbarrier.arrive $0xFFFF;
	s2 =	simm.s32 @!p0 $0x1C03  }
0x71: {  	[timem:s3], [sflag:s2] =	dma.local @!p0 [hbm:s0], s1  }
0x72: {  	s0 =	simm.s32 @!p0 $0x3  }
0x73: {  	_ =	swait.ge @!p0 [sflag:s0], s1  }
0x74: {  	s1 =	ssub.s32 @!p0 $0x0, s1;
	[sflag:s0] =	ssyncset.done @!p0 $0x0  }
0x75: {  	[sflag:s0] =	ssyncadd.s32 @!p0 s1  }
0x76: {  	[bflag:$0x3] =	sbarrier.arrive $0xFFFF  }
0x77: {  	_ =	shalt  }

</sc_bundles>
